<compile_context>
chip_gen: v7x
topology: tpu7x:2x2x1
jax: 0.10.2.dev20260603
libtpu: 0.0.44.dev20260713+nightly
codegen_flags: <defaults>
</compile_context>

<pallas_src>
import functools

import jax
import jax.numpy as jnp
from jax import lax
from jax.experimental import pallas as pl
from jax.experimental.pallas import tpu as pltpu
from jax.experimental.pallas import tpu_sc as plsc

_N_NODES = 10000
_N_EDGES = 320000
_C = 128
_LANES = 16
_NC = 2
_NS = 16
_NW = _NC * _NS
_FB = _C // _NW
_PB = _FB // 2
_NPACK = _C // 2
_E_CHUNK = 3200
_N_CHUNKS = _N_EDGES // _E_CHUNK
_UNROLL = 8
_GROUPS = _E_CHUNK // _LANES
_GROUP_ITERS = _GROUPS // _UNROLL


def _matmul_relu_t_body(x_ref, w_ref, b_ref, o_ref):
  acc = lax.dot_general(
      w_ref[...], x_ref[...],
      dimension_numbers=(((0,), (1,)), ((), ())),
      preferred_element_type=jnp.float32,
  )
  o_ref[...] = jnp.maximum(acc + b_ref[...], 0.0)


def _tc_matmul_relu_t(x, w, b):
  return pl.pallas_call(
      _matmul_relu_t_body,
      out_shape=jax.ShapeDtypeStruct((_C, _N_NODES), jnp.float32),
  )(x, w, b.reshape(_C, 1))


_mesh = plsc.VectorSubcoreMesh(core_axis_name="c", subcore_axis_name="s")


def _pmax(cur_i32, val_i32):
  cur = plsc.bitcast(cur_i32, jnp.bfloat16)
  val = plsc.bitcast(val_i32, jnp.bfloat16)
  return plsc.bitcast(jnp.maximum(cur, val), jnp.int32)


@functools.partial(
    pl.kernel,
    out_type=jax.ShapeDtypeStruct((_NPACK, _N_NODES), jnp.int32),
    mesh=_mesh,
    compiler_params=pltpu.CompilerParams(needs_layout_passes=False),
    scratch_types=(
        [pltpu.VMEM((_N_NODES,), jnp.int32) for _ in range(_PB)]
        + [pltpu.VMEM((_N_NODES,), jnp.int32) for _ in range(_PB)]
        + [
            pltpu.VMEM((_E_CHUNK,), jnp.int32),
            pltpu.VMEM((_E_CHUNK,), jnp.int32),
            pltpu.VMEM((_E_CHUNK,), jnp.int32),
            pltpu.VMEM((_E_CHUNK,), jnp.int32),
            pltpu.SemaphoreType.DMA,
            pltpu.SemaphoreType.DMA,
            pltpu.SemaphoreType.DMA,
            pltpu.SemaphoreType.DMA,
        ]
    ),
)
def _sc_aggregate(tbl_hbm, edges_hbm, zeros_hbm, out_hbm,
                  t0, t1, a0, a1,
                  rv0, cv0, rv1, cv1, sr0, sc0, sr1, sc1):
  wid = lax.axis_index("s") * _NC + lax.axis_index("c")
  p0 = wid * _PB
  tables = (t0, t1)
  accs = (a0, a1)
  for j in range(_PB):
    pltpu.sync_copy(tbl_hbm.at[p0 + j], tables[j])
    pltpu.sync_copy(zeros_hbm, accs[j])

  def start_chunk(ci, rv, cv, sr, sc_):
    base = ci * _E_CHUNK
    pltpu.async_copy(edges_hbm.at[0, pl.ds(base, _E_CHUNK)], rv, sr)
    pltpu.async_copy(edges_hbm.at[1, pl.ds(base, _E_CHUNK)], cv, sc_)

  def wait_chunk(rv, cv, sr, sc_):
    pltpu.make_async_copy(edges_hbm.at[0, pl.ds(0, _E_CHUNK)], rv, sr).wait()
    pltpu.make_async_copy(edges_hbm.at[1, pl.ds(0, _E_CHUNK)], cv, sc_).wait()

  def group_tail(r, occ, last, vals):
    maxocc = jnp.max(occ)

    @pl.when(maxocc > 1)
    def _():
      def round_body(k, _):
        m = jnp.logical_and(occ == k, jnp.logical_not(last))
        for j in range(_PB):
          cur = plsc.load_gather(accs[j], [r], mask=m)
          plsc.store_scatter(accs[j], [r], _pmax(cur, vals[j]), mask=m)
        return 0
      lax.fori_loop(1, maxocc, round_body, 0)

  def compute_chunk(rv, cv):
    def group_iter(gi, _):
      base = gi * _UNROLL * _LANES
      rs = [rv[pl.ds(base + u * _LANES, _LANES)] for u in range(_UNROLL)]
      cs = [cv[pl.ds(base + u * _LANES, _LANES)] for u in range(_UNROLL)]
      scans = [plsc.scan_count(rs[u]) for u in range(_UNROLL)]

      all_vals = [
          [plsc.load_gather(tables[j], [cs[u]]) for j in range(_PB)]
          for u in range(_UNROLL)
      ]
      states = []
      for u in range(_UNROLL):
        r = rs[u]
        occ, last = scans[u]
        vals = all_vals[u]
        curs = [plsc.load_gather(accs[j], [r]) for j in range(_PB)]
        for j in range(_PB):
          plsc.store_scatter(accs[j], [r], _pmax(curs[j], vals[j]),
                             mask=last)
        states.append((r, occ, last, vals))

      all_last = scans[0][1]
      for u in range(1, _UNROLL):
        all_last = jnp.logical_and(all_last, scans[u][1])
      n_last = plsc.all_reduce_population_count(all_last)

      @pl.when(n_last[0] < _LANES)
      def _():
        for u in range(_UNROLL):
          group_tail(*states[u])

      return 0
    lax.fori_loop(0, _GROUP_ITERS, group_iter, 0)

  last_chunk = _N_CHUNKS - 1
  start_chunk(0, rv0, cv0, sr0, sc0)

  def chunk_pair(i, _):
    ci = i * 2
    start_chunk(jnp.minimum(ci + 1, last_chunk), rv1, cv1, sr1, sc1)
    wait_chunk(rv0, cv0, sr0, sc0)
    compute_chunk(rv0, cv0)
    start_chunk(jnp.minimum(ci + 2, last_chunk), rv0, cv0, sr0, sc0)
    wait_chunk(rv1, cv1, sr1, sc1)
    compute_chunk(rv1, cv1)
    return 0

  lax.fori_loop(0, _N_CHUNKS // 2, chunk_pair, 0)
  wait_chunk(rv0, cv0, sr0, sc0)

  for j in range(_PB):
    pltpu.sync_copy(accs[j], out_hbm.at[p0 + j])


def kernel(x, edge_index, W, b):
  out_t = _tc_matmul_relu_t(x, W, b)
  bits16 = lax.bitcast_convert_type(
      out_t.astype(jnp.bfloat16), jnp.uint16).astype(jnp.uint32)
  pairs = bits16.reshape(_NPACK, 2, _N_NODES)
  packed = (pairs[:, 0, :] | (pairs[:, 1, :] << 16)).astype(jnp.int32)
  zeros = jnp.zeros((_N_NODES,), jnp.int32)
  agg_packed = _sc_aggregate(packed, edge_index, zeros)
  agg_u = agg_packed.astype(jnp.uint32)
  lo = (agg_u & jnp.uint32(0xFFFF)).astype(jnp.uint16)
  hi = (agg_u >> 16).astype(jnp.uint16)
  both = jnp.stack([lo, hi], axis=1)
  agg_t = lax.bitcast_convert_type(both, jnp.bfloat16).astype(jnp.float32)
  return agg_t.reshape(_C, _N_NODES).T

# --- scband reference (transcript-rebuilt; emitter-appended) ---
"""Pipeline reference for scband-sagepool-aggr-81209241632839 (READ-ONLY COPY).

The authoritative reference and input builder live on the scoring server;
editing this copy changes nothing except your own understanding.
"""

import jax, jax.numpy as jnp
import numpy as np

N_NODES = 10000
N_EDGES = 320000
C_IN = 128
C_OUT = 128


def setup_inputs(seed: int = 0) -> dict:
    key = jax.random.key(seed)
    k1, k2, k3, k4 = jax.random.split(key, 4)
    x = jax.random.normal(k1, (N_NODES, C_IN), dtype=jnp.float32)
    edge_index = jax.random.randint(k2, (2, N_EDGES), 0, N_NODES)
    # torch_geometric-style uniform(size, tensor): bound = 1/sqrt(size), size = in_channels
    bound = 1.0 / np.sqrt(C_IN)
    W = jax.random.uniform(k3, (C_IN, C_OUT), minval=-bound, maxval=bound, dtype=jnp.float32)
    b = jax.random.uniform(k4, (C_OUT,), minval=-bound, maxval=bound, dtype=jnp.float32)
    return {"x": x, "edge_index": edge_index, "W": W, "b": b}


def reference(x, edge_index, W, b):
    row = edge_index[0]
    col = edge_index[1]
    out = jnp.matmul(x, W)
    out = out + b
    out = jax.nn.relu(out)
    # gather source-node features per edge, scatter-max into destination (row)
    gathered = jnp.take(out, col, axis=0)
    agg = jax.ops.segment_max(gathered, row, num_segments=N_NODES)
    # segments with no incoming edges get -inf from segment_max; torch_scatter
    # leaves them at the fill value (0 post-relu semantics) -> replace with 0
    agg = jnp.where(jnp.isneginf(agg), jnp.zeros_like(agg), agg)
    return agg

if __name__ == "__main__":
    import jax
    _d = setup_inputs()
    print(jax.jit(kernel)(*tuple(_d.values())))

</pallas_src>

<mosaic_0001>
#map = affine_map<(d0, d1) -> (0, 0)>
#map1 = affine_map<(d0, d1) -> (0)>
module attributes {stable_mosaic.version = 14 : i64} {
  func.func @_sc_aggregate(%arg0: i32, %arg1: i32, %arg2: memref<64x10000xi32, #tpu.memory_space<hbm>>, %arg3: memref<2x320000xi32, #tpu.memory_space<hbm>>, %arg4: memref<10000xi32, #tpu.memory_space<hbm>>, %arg5: memref<64x10000xi32, #tpu.memory_space<hbm>>, %arg6: memref<10000xi32, #tpu.memory_space<vmem>>, %arg7: memref<10000xi32, #tpu.memory_space<vmem>>, %arg8: memref<10000xi32, #tpu.memory_space<vmem>>, %arg9: memref<10000xi32, #tpu.memory_space<vmem>>, %arg10: memref<3200xi32, #tpu.memory_space<vmem>>, %arg11: memref<3200xi32, #tpu.memory_space<vmem>>, %arg12: memref<3200xi32, #tpu.memory_space<vmem>>, %arg13: memref<3200xi32, #tpu.memory_space<vmem>>, %arg14: memref<!tpu.dma_semaphore, #tpu.memory_space<semaphore_mem>>, %arg15: memref<!tpu.dma_semaphore, #tpu.memory_space<semaphore_mem>>, %arg16: memref<!tpu.dma_semaphore, #tpu.memory_space<semaphore_mem>>, %arg17: memref<!tpu.dma_semaphore, #tpu.memory_space<semaphore_mem>>) attributes {dimension_semantics = [#tpu.dimension_semantics<core_parallel>, #tpu.dimension_semantics<subcore_parallel>], iteration_bounds = array<i64: 2, 16>, scalar_prefetch = 0 : i64, scratch_operands = 12 : i64, tpu.core_type = #tpu.core_type<sc_vector_subcore>, window_params = [{transform_indices = #map}, {transform_indices = #map}, {transform_indices = #map1}, {transform_indices = #map}]} {
    %mul3A = arith.constant 2 : i32
    %mul3A_0 = arith.muli %arg1, %mul3A : i32
    %add3A = arith.addi %mul3A_0, %arg0 : i32
    %mul3A_1 = arith.constant 2 : i32
    %mul3A_2 = arith.muli %add3A, %mul3A_1 : i32
    %add3A_3 = arith.constant 0 : i32
    %add3A_4 = arith.addi %mul3A_2, %add3A_3 : i32
    "tpu.region"() ({
      %run_scoped3A = tpu.sem_alloc : memref<!tpu.dma_semaphore, #tpu.memory_space<semaphore_mem>>
      %dma_start3A_43 = arith.constant 0 : i32
      %dma_start3A_44 = tpu.memref_slice %arg2[%add3A_4, %dma_start3A_43] : memref<64x10000xi32, #tpu.memory_space<hbm>> -> memref<1x10000xi32, #tpu.memory_space<hbm>>
      %dma_start3A_45 = tpu.memref_squeeze %dma_start3A_44 : memref<1x10000xi32, #tpu.memory_space<hbm>> -> memref<10000xi32, #tpu.memory_space<hbm>>
      %dma_start3A_46 = arith.constant 0 : i32
      %dma_start3A_47 = tpu.memref_slice %arg2[%add3A_4, %dma_start3A_46] : memref<64x10000xi32, #tpu.memory_space<hbm>> -> memref<1x10000xi32, #tpu.memory_space<hbm>>
      %dma_start3A_48 = tpu.memref_squeeze %dma_start3A_47 : memref<1x10000xi32, #tpu.memory_space<hbm>> -> memref<10000xi32, #tpu.memory_space<hbm>>
      tpu.enqueue_dma source(%dma_start3A_48 : memref<10000xi32, #tpu.memory_space<hbm>>) target(%arg6 : memref<10000xi32, #tpu.memory_space<vmem>>) target_semaphore(%run_scoped3A : memref<!tpu.dma_semaphore, #tpu.memory_space<semaphore_mem>>)
      %dma_wait3A_49 = arith.constant 0 : i32
      %dma_wait3A_50 = tpu.memref_slice %arg2[%add3A_4, %dma_wait3A_49] : memref<64x10000xi32, #tpu.memory_space<hbm>> -> memref<1x10000xi32, #tpu.memory_space<hbm>>
      %dma_wait3A_51 = tpu.memref_squeeze %dma_wait3A_50 : memref<1x10000xi32, #tpu.memory_space<hbm>> -> memref<10000xi32, #tpu.memory_space<hbm>>
      %dma_wait3A_52 = arith.constant 0 : i32
      %dma_wait3A_53 = tpu.memref_slice %arg2[%add3A_4, %dma_wait3A_52] : memref<64x10000xi32, #tpu.memory_space<hbm>> -> memref<1x10000xi32, #tpu.memory_space<hbm>>
      %dma_wait3A_54 = tpu.memref_squeeze %dma_wait3A_53 : memref<1x10000xi32, #tpu.memory_space<hbm>> -> memref<10000xi32, #tpu.memory_space<hbm>>
      tpu.wait_dma2 semaphore(%run_scoped3A : memref<!tpu.dma_semaphore, #tpu.memory_space<semaphore_mem>>) src(%dma_wait3A_54 : memref<10000xi32, #tpu.memory_space<hbm>>) dst(%arg6 : memref<10000xi32, #tpu.memory_space<vmem>>)
      tpu.yield
    }) : () -> ()
    "tpu.region"() ({
      %run_scoped3A = tpu.sem_alloc : memref<!tpu.dma_semaphore, #tpu.memory_space<semaphore_mem>>
      tpu.enqueue_dma source(%arg4 : memref<10000xi32, #tpu.memory_space<hbm>>) target(%arg8 : memref<10000xi32, #tpu.memory_space<vmem>>) target_semaphore(%run_scoped3A : memref<!tpu.dma_semaphore, #tpu.memory_space<semaphore_mem>>)
      tpu.wait_dma2 semaphore(%run_scoped3A : memref<!tpu.dma_semaphore, #tpu.memory_space<semaphore_mem>>) src(%arg4 : memref<10000xi32, #tpu.memory_space<hbm>>) dst(%arg8 : memref<10000xi32, #tpu.memory_space<vmem>>)
      tpu.yield
    }) : () -> ()
    %add3A_5 = arith.constant 1 : i32
    %add3A_6 = arith.addi %mul3A_2, %add3A_5 : i32
    "tpu.region"() ({
      %run_scoped3A = tpu.sem_alloc : memref<!tpu.dma_semaphore, #tpu.memory_space<semaphore_mem>>
      %dma_start3A_43 = arith.constant 0 : i32
      %dma_start3A_44 = tpu.memref_slice %arg2[%add3A_6, %dma_start3A_43] : memref<64x10000xi32, #tpu.memory_space<hbm>> -> memref<1x10000xi32, #tpu.memory_space<hbm>>
      %dma_start3A_45 = tpu.memref_squeeze %dma_start3A_44 : memref<1x10000xi32, #tpu.memory_space<hbm>> -> memref<10000xi32, #tpu.memory_space<hbm>>
      %dma_start3A_46 = arith.constant 0 : i32
      %dma_start3A_47 = tpu.memref_slice %arg2[%add3A_6, %dma_start3A_46] : memref<64x10000xi32, #tpu.memory_space<hbm>> -> memref<1x10000xi32, #tpu.memory_space<hbm>>
      %dma_start3A_48 = tpu.memref_squeeze %dma_start3A_47 : memref<1x10000xi32, #tpu.memory_space<hbm>> -> memref<10000xi32, #tpu.memory_space<hbm>>
      tpu.enqueue_dma source(%dma_start3A_48 : memref<10000xi32, #tpu.memory_space<hbm>>) target(%arg7 : memref<10000xi32, #tpu.memory_space<vmem>>) target_semaphore(%run_scoped3A : memref<!tpu.dma_semaphore, #tpu.memory_space<semaphore_mem>>)
      %dma_wait3A_49 = arith.constant 0 : i32
      %dma_wait3A_50 = tpu.memref_slice %arg2[%add3A_6, %dma_wait3A_49] : memref<64x10000xi32, #tpu.memory_space<hbm>> -> memref<1x10000xi32, #tpu.memory_space<hbm>>
      %dma_wait3A_51 = tpu.memref_squeeze %dma_wait3A_50 : memref<1x10000xi32, #tpu.memory_space<hbm>> -> memref<10000xi32, #tpu.memory_space<hbm>>
      %dma_wait3A_52 = arith.constant 0 : i32
      %dma_wait3A_53 = tpu.memref_slice %arg2[%add3A_6, %dma_wait3A_52] : memref<64x10000xi32, #tpu.memory_space<hbm>> -> memref<1x10000xi32, #tpu.memory_space<hbm>>
      %dma_wait3A_54 = tpu.memref_squeeze %dma_wait3A_53 : memref<1x10000xi32, #tpu.memory_space<hbm>> -> memref<10000xi32, #tpu.memory_space<hbm>>
      tpu.wait_dma2 semaphore(%run_scoped3A : memref<!tpu.dma_semaphore, #tpu.memory_space<semaphore_mem>>) src(%dma_wait3A_54 : memref<10000xi32, #tpu.memory_space<hbm>>) dst(%arg7 : memref<10000xi32, #tpu.memory_space<vmem>>)
      tpu.yield
    }) : () -> ()
    "tpu.region"() ({
      %run_scoped3A = tpu.sem_alloc : memref<!tpu.dma_semaphore, #tpu.memory_space<semaphore_mem>>
      tpu.enqueue_dma source(%arg4 : memref<10000xi32, #tpu.memory_space<hbm>>) target(%arg9 : memref<10000xi32, #tpu.memory_space<vmem>>) target_semaphore(%run_scoped3A : memref<!tpu.dma_semaphore, #tpu.memory_space<semaphore_mem>>)
      tpu.wait_dma2 semaphore(%run_scoped3A : memref<!tpu.dma_semaphore, #tpu.memory_space<semaphore_mem>>) src(%arg4 : memref<10000xi32, #tpu.memory_space<hbm>>) dst(%arg9 : memref<10000xi32, #tpu.memory_space<vmem>>)
      tpu.yield
    }) : () -> ()
    %dma_start3A = arith.constant 0 : i32
    %dma_start3A_7 = arith.constant 0 : i32
    %dma_start3A_8 = tpu.memref_slice %arg3[%dma_start3A, %dma_start3A_7] : memref<2x320000xi32, #tpu.memory_space<hbm>> -> memref<1x3200xi32, #tpu.memory_space<hbm>>
    %dma_start3A_9 = tpu.memref_squeeze %dma_start3A_8 : memref<1x3200xi32, #tpu.memory_space<hbm>> -> memref<3200xi32, #tpu.memory_space<hbm>>
    %dma_start3A_10 = arith.constant 0 : i32
    %dma_start3A_11 = tpu.memref_slice %arg3[%dma_start3A, %dma_start3A_10] : memref<2x320000xi32, #tpu.memory_space<hbm>> -> memref<1x3200xi32, #tpu.memory_space<hbm>>
    %dma_start3A_12 = tpu.memref_squeeze %dma_start3A_11 : memref<1x3200xi32, #tpu.memory_space<hbm>> -> memref<3200xi32, #tpu.memory_space<hbm>>
    tpu.enqueue_dma source(%dma_start3A_12 : memref<3200xi32, #tpu.memory_space<hbm>>) target(%arg10 : memref<3200xi32, #tpu.memory_space<vmem>>) target_semaphore(%arg14 : memref<!tpu.dma_semaphore, #tpu.memory_space<semaphore_mem>>)
    %dma_start3A_13 = arith.constant 1 : i32
    %dma_start3A_14 = arith.constant 0 : i32
    %dma_start3A_15 = tpu.memref_slice %arg3[%dma_start3A_13, %dma_start3A_14] : memref<2x320000xi32, #tpu.memory_space<hbm>> -> memref<1x3200xi32, #tpu.memory_space<hbm>>
    %dma_start3A_16 = tpu.memref_squeeze %dma_start3A_15 : memref<1x3200xi32, #tpu.memory_space<hbm>> -> memref<3200xi32, #tpu.memory_space<hbm>>
    %dma_start3A_17 = arith.constant 0 : i32
    %dma_start3A_18 = tpu.memref_slice %arg3[%dma_start3A_13, %dma_start3A_17] : memref<2x320000xi32, #tpu.memory_space<hbm>> -> memref<1x3200xi32, #tpu.memory_space<hbm>>
    %dma_start3A_19 = tpu.memref_squeeze %dma_start3A_18 : memref<1x3200xi32, #tpu.memory_space<hbm>> -> memref<3200xi32, #tpu.memory_space<hbm>>
    tpu.enqueue_dma source(%dma_start3A_19 : memref<3200xi32, #tpu.memory_space<hbm>>) target(%arg11 : memref<3200xi32, #tpu.memory_space<vmem>>) target_semaphore(%arg15 : memref<!tpu.dma_semaphore, #tpu.memory_space<semaphore_mem>>)
    %scan3A = arith.constant 0 : i32
    %scan3A_20 = arith.constant 0 : i32
    %scan3A_21 = arith.constant 50 : i32
    %scan3A_22 = arith.addi %scan3A_20, %scan3A_21 : i32
    %scan3A_23 = arith.constant 1 : i32
    %scan3A_24 = scf.for %scan3A_43 = %scan3A_20 to %scan3A_22 step %scan3A_23 iter_args(%scan3A_44 = %scan3A) -> (i32)  : i32 {
      %mul3A_45 = arith.constant 2 : i32
      %mul3A_46 = arith.muli %scan3A_43, %mul3A_45 : i32
      %add3A_47 = arith.constant 1 : i32
      %add3A_48 = arith.addi %mul3A_46, %add3A_47 : i32
      %min3A = arith.constant 99 : i32
      %min3A_49 = arith.minsi %add3A_48, %min3A : i32
      %mul3A_50 = arith.constant 3200 : i32
      %mul3A_51 = arith.muli %min3A_49, %mul3A_50 : i32
      %dma_start3A_52 = arith.constant 0 : i32
      %dma_start3A_53 = tpu.memref_slice %arg3[%dma_start3A_52, %mul3A_51] : memref<2x320000xi32, #tpu.memory_space<hbm>> -> memref<1x3200xi32, #tpu.memory_space<hbm>>
      %dma_start3A_54 = tpu.memref_squeeze %dma_start3A_53 : memref<1x3200xi32, #tpu.memory_space<hbm>> -> memref<3200xi32, #tpu.memory_space<hbm>>
      %dma_start3A_55 = tpu.memref_slice %arg3[%dma_start3A_52, %mul3A_51] : memref<2x320000xi32, #tpu.memory_space<hbm>> -> memref<1x3200xi32, #tpu.memory_space<hbm>>
      %dma_start3A_56 = tpu.memref_squeeze %dma_start3A_55 : memref<1x3200xi32, #tpu.memory_space<hbm>> -> memref<3200xi32, #tpu.memory_space<hbm>>
      tpu.enqueue_dma source(%dma_start3A_56 : memref<3200xi32, #tpu.memory_space<hbm>>) target(%arg12 : memref<3200xi32, #tpu.memory_space<vmem>>) target_semaphore(%arg16 : memref<!tpu.dma_semaphore, #tpu.memory_space<semaphore_mem>>)
      %dma_start3A_57 = arith.constant 1 : i32
      %dma_start3A_58 = tpu.memref_slice %arg3[%dma_start3A_57, %mul3A_51] : memref<2x320000xi32, #tpu.memory_space<hbm>> -> memref<1x3200xi32, #tpu.memory_space<hbm>>
      %dma_start3A_59 = tpu.memref_squeeze %dma_start3A_58 : memref<1x3200xi32, #tpu.memory_space<hbm>> -> memref<3200xi32, #tpu.memory_space<hbm>>
      %dma_start3A_60 = tpu.memref_slice %arg3[%dma_start3A_57, %mul3A_51] : memref<2x320000xi32, #tpu.memory_space<hbm>> -> memref<1x3200xi32, #tpu.memory_space<hbm>>
      %dma_start3A_61 = tpu.memref_squeeze %dma_start3A_60 : memref<1x3200xi32, #tpu.memory_space<hbm>> -> memref<3200xi32, #tpu.memory_space<hbm>>
      tpu.enqueue_dma source(%dma_start3A_61 : memref<3200xi32, #tpu.memory_space<hbm>>) target(%arg13 : memref<3200xi32, #tpu.memory_space<vmem>>) target_semaphore(%arg17 : memref<!tpu.dma_semaphore, #tpu.memory_space<semaphore_mem>>)
      %dma_wait3A_62 = arith.constant 0 : i32
      %dma_wait3A_63 = arith.constant 0 : i32
      %dma_wait3A_64 = tpu.memref_slice %arg3[%dma_wait3A_62, %dma_wait3A_63] : memref<2x320000xi32, #tpu.memory_space<hbm>> -> memref<1x3200xi32, #tpu.memory_space<hbm>>
      %dma_wait3A_65 = tpu.memref_squeeze %dma_wait3A_64 : memref<1x3200xi32, #tpu.memory_space<hbm>> -> memref<3200xi32, #tpu.memory_space<hbm>>
      %dma_wait3A_66 = arith.constant 0 : i32
      %dma_wait3A_67 = tpu.memref_slice %arg3[%dma_wait3A_62, %dma_wait3A_66] : memref<2x320000xi32, #tpu.memory_space<hbm>> -> memref<1x3200xi32, #tpu.memory_space<hbm>>
      %dma_wait3A_68 = tpu.memref_squeeze %dma_wait3A_67 : memref<1x3200xi32, #tpu.memory_space<hbm>> -> memref<3200xi32, #tpu.memory_space<hbm>>
      tpu.wait_dma2 semaphore(%arg14 : memref<!tpu.dma_semaphore, #tpu.memory_space<semaphore_mem>>) src(%dma_wait3A_68 : memref<3200xi32, #tpu.memory_space<hbm>>) dst(%arg10 : memref<3200xi32, #tpu.memory_space<vmem>>)
      %dma_wait3A_69 = arith.constant 1 : i32
      %dma_wait3A_70 = arith.constant 0 : i32
      %dma_wait3A_71 = tpu.memref_slice %arg3[%dma_wait3A_69, %dma_wait3A_70] : memref<2x320000xi32, #tpu.memory_space<hbm>> -> memref<1x3200xi32, #tpu.memory_space<hbm>>
      %dma_wait3A_72 = tpu.memref_squeeze %dma_wait3A_71 : memref<1x3200xi32, #tpu.memory_space<hbm>> -> memref<3200xi32, #tpu.memory_space<hbm>>
      %dma_wait3A_73 = arith.constant 0 : i32
      %dma_wait3A_74 = tpu.memref_slice %arg3[%dma_wait3A_69, %dma_wait3A_73] : memref<2x320000xi32, #tpu.memory_space<hbm>> -> memref<1x3200xi32, #tpu.memory_space<hbm>>
      %dma_wait3A_75 = tpu.memref_squeeze %dma_wait3A_74 : memref<1x3200xi32, #tpu.memory_space<hbm>> -> memref<3200xi32, #tpu.memory_space<hbm>>
      tpu.wait_dma2 semaphore(%arg15 : memref<!tpu.dma_semaphore, #tpu.memory_space<semaphore_mem>>) src(%dma_wait3A_75 : memref<3200xi32, #tpu.memory_space<hbm>>) dst(%arg11 : memref<3200xi32, #tpu.memory_space<vmem>>)
      %scan3A_76 = arith.constant 0 : i32
      %scan3A_77 = arith.constant 0 : i32
      %scan3A_78 = arith.constant 25 : i32
      %scan3A_79 = arith.addi %scan3A_77, %scan3A_78 : i32
      %scan3A_80 = arith.constant 1 : i32
      %scan3A_81 = scf.for %scan3A_121 = %scan3A_77 to %scan3A_79 step %scan3A_80 iter_args(%scan3A_122 = %scan3A_76) -> (i32)  : i32 {
        %mul3A_123 = arith.constant 8 : i32
        %mul3A_124 = arith.muli %scan3A_121, %mul3A_123 : i32
        %mul3A_125 = arith.constant 16 : i32
        %mul3A_126 = arith.muli %mul3A_124, %mul3A_125 : i32
        %add3A_127 = arith.constant 0 : i32
        %add3A_128 = arith.addi %mul3A_126, %add3A_127 : i32
        %get3A = arith.index_cast %add3A_128 : i32 to index
        %get3A_129 = tpu.vector_load %arg10[%get3A] {strides = array<i32>} : memref<3200xi32, #tpu.memory_space<vmem>>, vector<16xi32>,
        %add3A_130 = arith.constant 16 : i32
        %add3A_131 = arith.addi %mul3A_126, %add3A_130 : i32
        %get3A_132 = arith.index_cast %add3A_131 : i32 to index
        %get3A_133 = tpu.vector_load %arg10[%get3A_132] {strides = array<i32>} : memref<3200xi32, #tpu.memory_space<vmem>>, vector<16xi32>,
        %add3A_134 = arith.constant 32 : i32
        %add3A_135 = arith.addi %mul3A_126, %add3A_134 : i32
        %get3A_136 = arith.index_cast %add3A_135 : i32 to index
        %get3A_137 = tpu.vector_load %arg10[%get3A_136] {strides = array<i32>} : memref<3200xi32, #tpu.memory_space<vmem>>, vector<16xi32>,
        %add3A_138 = arith.constant 48 : i32
        %add3A_139 = arith.addi %mul3A_126, %add3A_138 : i32
        %get3A_140 = arith.index_cast %add3A_139 : i32 to index
        %get3A_141 = tpu.vector_load %arg10[%get3A_140] {strides = array<i32>} : memref<3200xi32, #tpu.memory_space<vmem>>, vector<16xi32>,
        %add3A_142 = arith.constant 64 : i32
        %add3A_143 = arith.addi %mul3A_126, %add3A_142 : i32
        %get3A_144 = arith.index_cast %add3A_143 : i32 to index
        %get3A_145 = tpu.vector_load %arg10[%get3A_144] {strides = array<i32>} : memref<3200xi32, #tpu.memory_space<vmem>>, vector<16xi32>,
        %add3A_146 = arith.constant 80 : i32
        %add3A_147 = arith.addi %mul3A_126, %add3A_146 : i32
        %get3A_148 = arith.index_cast %add3A_147 : i32 to index
        %get3A_149 = tpu.vector_load %arg10[%get3A_148] {strides = array<i32>} : memref<3200xi32, #tpu.memory_space<vmem>>, vector<16xi32>,
        %add3A_150 = arith.constant 96 : i32
        %add3A_151 = arith.addi %mul3A_126, %add3A_150 : i32
        %get3A_152 = arith.index_cast %add3A_151 : i32 to index
        %get3A_153 = tpu.vector_load %arg10[%get3A_152] {strides = array<i32>} : memref<3200xi32, #tpu.memory_space<vmem>>, vector<16xi32>,
        %add3A_154 = arith.constant 112 : i32
        %add3A_155 = arith.addi %mul3A_126, %add3A_154 : i32
        %get3A_156 = arith.index_cast %add3A_155 : i32 to index
        %get3A_157 = tpu.vector_load %arg10[%get3A_156] {strides = array<i32>} : memref<3200xi32, #tpu.memory_space<vmem>>, vector<16xi32>,
        %add3A_158 = arith.constant 0 : i32
        %add3A_159 = arith.addi %mul3A_126, %add3A_158 : i32
        %get3A_160 = arith.index_cast %add3A_159 : i32 to index
        %get3A_161 = tpu.vector_load %arg11[%get3A_160] {strides = array<i32>} : memref<3200xi32, #tpu.memory_space<vmem>>, vector<16xi32>,
        %add3A_162 = arith.constant 16 : i32
        %add3A_163 = arith.addi %mul3A_126, %add3A_162 : i32
        %get3A_164 = arith.index_cast %add3A_163 : i32 to index
        %get3A_165 = tpu.vector_load %arg11[%get3A_164] {strides = array<i32>} : memref<3200xi32, #tpu.memory_space<vmem>>, vector<16xi32>,
        %add3A_166 = arith.constant 32 : i32
        %add3A_167 = arith.addi %mul3A_126, %add3A_166 : i32
        %get3A_168 = arith.index_cast %add3A_167 : i32 to index
        %get3A_169 = tpu.vector_load %arg11[%get3A_168] {strides = array<i32>} : memref<3200xi32, #tpu.memory_space<vmem>>, vector<16xi32>,
        %add3A_170 = arith.constant 48 : i32
        %add3A_171 = arith.addi %mul3A_126, %add3A_170 : i32
        %get3A_172 = arith.index_cast %add3A_171 : i32 to index
        %get3A_173 = tpu.vector_load %arg11[%get3A_172] {strides = array<i32>} : memref<3200xi32, #tpu.memory_space<vmem>>, vector<16xi32>,
        %add3A_174 = arith.constant 64 : i32
        %add3A_175 = arith.addi %mul3A_126, %add3A_174 : i32
        %get3A_176 = arith.index_cast %add3A_175 : i32 to index
        %get3A_177 = tpu.vector_load %arg11[%get3A_176] {strides = array<i32>} : memref<3200xi32, #tpu.memory_space<vmem>>, vector<16xi32>,
        %add3A_178 = arith.constant 80 : i32
        %add3A_179 = arith.addi %mul3A_126, %add3A_178 : i32
        %get3A_180 = arith.index_cast %add3A_179 : i32 to index
        %get3A_181 = tpu.vector_load %arg11[%get3A_180] {strides = array<i32>} : memref<3200xi32, #tpu.memory_space<vmem>>, vector<16xi32>,
        %add3A_182 = arith.constant 96 : i32
        %add3A_183 = arith.addi %mul3A_126, %add3A_182 : i32
        %get3A_184 = arith.index_cast %add3A_183 : i32 to index
        %get3A_185 = tpu.vector_load %arg11[%get3A_184] {strides = array<i32>} : memref<3200xi32, #tpu.memory_space<vmem>>, vector<16xi32>,
        %add3A_186 = arith.constant 112 : i32
        %add3A_187 = arith.addi %mul3A_126, %add3A_186 : i32
        %get3A_188 = arith.index_cast %add3A_187 : i32 to index
        %get3A_189 = tpu.vector_load %arg11[%get3A_188] {strides = array<i32>} : memref<3200xi32, #tpu.memory_space<vmem>>, vector<16xi32>,
        %broadcast_in_dim3A = arith.constant true
        %broadcast_in_dim3A_190 = vector.broadcast %broadcast_in_dim3A : i1 to vector<16xi1>
        %unique3A, %unique3A_191 = tpu.scan_count mask(%broadcast_in_dim3A_190 : vector<16xi1>) value(%get3A_129 : vector<16xi32>) : vector<16xi1>, vector<16xi32>
        %broadcast_in_dim3A_192 = arith.constant true
        %broadcast_in_dim3A_193 = vector.broadcast %broadcast_in_dim3A_192 : i1 to vector<16xi1>
        %unique3A_194, %unique3A_195 = tpu.scan_count mask(%broadcast_in_dim3A_193 : vector<16xi1>) value(%get3A_133 : vector<16xi32>) : vector<16xi1>, vector<16xi32>
        %broadcast_in_dim3A_196 = arith.constant true
        %broadcast_in_dim3A_197 = vector.broadcast %broadcast_in_dim3A_196 : i1 to vector<16xi1>
        %unique3A_198, %unique3A_199 = tpu.scan_count mask(%broadcast_in_dim3A_197 : vector<16xi1>) value(%get3A_137 : vector<16xi32>) : vector<16xi1>, vector<16xi32>
        %broadcast_in_dim3A_200 = arith.constant true
        %broadcast_in_dim3A_201 = vector.broadcast %broadcast_in_dim3A_200 : i1 to vector<16xi1>
        %unique3A_202, %unique3A_203 = tpu.scan_count mask(%broadcast_in_dim3A_201 : vector<16xi1>) value(%get3A_141 : vector<16xi32>) : vector<16xi1>, vector<16xi32>
        %broadcast_in_dim3A_204 = arith.constant true
        %broadcast_in_dim3A_205 = vector.broadcast %broadcast_in_dim3A_204 : i1 to vector<16xi1>
        %unique3A_206, %unique3A_207 = tpu.scan_count mask(%broadcast_in_dim3A_205 : vector<16xi1>) value(%get3A_145 : vector<16xi32>) : vector<16xi1>, vector<16xi32>
        %broadcast_in_dim3A_208 = arith.constant true
        %broadcast_in_dim3A_209 = vector.broadcast %broadcast_in_dim3A_208 : i1 to vector<16xi1>
        %unique3A_210, %unique3A_211 = tpu.scan_count mask(%broadcast_in_dim3A_209 : vector<16xi1>) value(%get3A_149 : vector<16xi32>) : vector<16xi1>, vector<16xi32>
        %broadcast_in_dim3A_212 = arith.constant true
        %broadcast_in_dim3A_213 = vector.broadcast %broadcast_in_dim3A_212 : i1 to vector<16xi1>
        %unique3A_214, %unique3A_215 = tpu.scan_count mask(%broadcast_in_dim3A_213 : vector<16xi1>) value(%get3A_153 : vector<16xi32>) : vector<16xi1>, vector<16xi32>
        %broadcast_in_dim3A_216 = arith.constant true
        %broadcast_in_dim3A_217 = vector.broadcast %broadcast_in_dim3A_216 : i1 to vector<16xi1>
        %unique3A_218, %unique3A_219 = tpu.scan_count mask(%broadcast_in_dim3A_217 : vector<16xi1>) value(%get3A_157 : vector<16xi32>) : vector<16xi1>, vector<16xi32>
        %gather3A = tpu.vector_load_idx %arg6[%get3A_161] : memref<10000xi32, #tpu.memory_space<vmem>>[vector<16xi32>], vector<16xi32>,
        %gather3A_220 = tpu.vector_load_idx %arg7[%get3A_161] : memref<10000xi32, #tpu.memory_space<vmem>>[vector<16xi32>], vector<16xi32>,
        %gather3A_221 = tpu.vector_load_idx %arg6[%get3A_165] : memref<10000xi32, #tpu.memory_space<vmem>>[vector<16xi32>], vector<16xi32>,
        %gather3A_222 = tpu.vector_load_idx %arg7[%get3A_165] : memref<10000xi32, #tpu.memory_space<vmem>>[vector<16xi32>], vector<16xi32>,
        %gather3A_223 = tpu.vector_load_idx %arg6[%get3A_169] : memref<10000xi32, #tpu.memory_space<vmem>>[vector<16xi32>], vector<16xi32>,
        %gather3A_224 = tpu.vector_load_idx %arg7[%get3A_169] : memref<10000xi32, #tpu.memory_space<vmem>>[vector<16xi32>], vector<16xi32>,
        %gather3A_225 = tpu.vector_load_idx %arg6[%get3A_173] : memref<10000xi32, #tpu.memory_space<vmem>>[vector<16xi32>], vector<16xi32>,
        %gather3A_226 = tpu.vector_load_idx %arg7[%get3A_173] : memref<10000xi32, #tpu.memory_space<vmem>>[vector<16xi32>], vector<16xi32>,
        %gather3A_227 = tpu.vector_load_idx %arg6[%get3A_177] : memref<10000xi32, #tpu.memory_space<vmem>>[vector<16xi32>], vector<16xi32>,
        %gather3A_228 = tpu.vector_load_idx %arg7[%get3A_177] : memref<10000xi32, #tpu.memory_space<vmem>>[vector<16xi32>], vector<16xi32>,
        %gather3A_229 = tpu.vector_load_idx %arg6[%get3A_181] : memref<10000xi32, #tpu.memory_space<vmem>>[vector<16xi32>], vector<16xi32>,
        %gather3A_230 = tpu.vector_load_idx %arg7[%get3A_181] : memref<10000xi32, #tpu.memory_space<vmem>>[vector<16xi32>], vector<16xi32>,
        %gather3A_231 = tpu.vector_load_idx %arg6[%get3A_185] : memref<10000xi32, #tpu.memory_space<vmem>>[vector<16xi32>], vector<16xi32>,
        %gather3A_232 = tpu.vector_load_idx %arg7[%get3A_185] : memref<10000xi32, #tpu.memory_space<vmem>>[vector<16xi32>], vector<16xi32>,
        %gather3A_233 = tpu.vector_load_idx %arg6[%get3A_189] : memref<10000xi32, #tpu.memory_space<vmem>>[vector<16xi32>], vector<16xi32>,
        %gather3A_234 = tpu.vector_load_idx %arg7[%get3A_189] : memref<10000xi32, #tpu.memory_space<vmem>>[vector<16xi32>], vector<16xi32>,
        %gather3A_235 = tpu.vector_load_idx %arg8[%get3A_129] : memref<10000xi32, #tpu.memory_space<vmem>>[vector<16xi32>], vector<16xi32>,
        %gather3A_236 = tpu.vector_load_idx %arg9[%get3A_129] : memref<10000xi32, #tpu.memory_space<vmem>>[vector<16xi32>], vector<16xi32>,
        %bitcast3A = vector.bitcast %gather3A_235 : vector<16xi32> to vector<32xbf16>
        %bitcast3A_237 = vector.bitcast %gather3A : vector<16xi32> to vector<32xbf16>
        %max3A = arith.maximumf %bitcast3A, %bitcast3A_237 : vector<32xbf16>
        %bitcast3A_238 = vector.bitcast %max3A : vector<32xbf16> to vector<16xi32>
        tpu.vector_store_idx %arg8[%get3A_129], %bitcast3A_238 masked %unique3A : memref<10000xi32, #tpu.memory_space<vmem>>[vector<16xi32>], vector<16xi32>, vector<16xi1>
        %bitcast3A_239 = vector.bitcast %gather3A_236 : vector<16xi32> to vector<32xbf16>
        %bitcast3A_240 = vector.bitcast %gather3A_220 : vector<16xi32> to vector<32xbf16>
        %max3A_241 = arith.maximumf %bitcast3A_239, %bitcast3A_240 : vector<32xbf16>
        %bitcast3A_242 = vector.bitcast %max3A_241 : vector<32xbf16> to vector<16xi32>
        tpu.vector_store_idx %arg9[%get3A_129], %bitcast3A_242 masked %unique3A : memref<10000xi32, #tpu.memory_space<vmem>>[vector<16xi32>], vector<16xi32>, vector<16xi1>
        %gather3A_243 = tpu.vector_load_idx %arg8[%get3A_133] : memref<10000xi32, #tpu.memory_space<vmem>>[vector<16xi32>], vector<16xi32>,
        %gather3A_244 = tpu.vector_load_idx %arg9[%get3A_133] : memref<10000xi32, #tpu.memory_space<vmem>>[vector<16xi32>], vector<16xi32>,
        %bitcast3A_245 = vector.bitcast %gather3A_243 : vector<16xi32> to vector<32xbf16>
        %bitcast3A_246 = vector.bitcast %gather3A_221 : vector<16xi32> to vector<32xbf16>
        %max3A_247 = arith.maximumf %bitcast3A_245, %bitcast3A_246 : vector<32xbf16>
        %bitcast3A_248 = vector.bitcast %max3A_247 : vector<32xbf16> to vector<16xi32>
        tpu.vector_store_idx %arg8[%get3A_133], %bitcast3A_248 masked %unique3A_194 : memref<10000xi32, #tpu.memory_space<vmem>>[vector<16xi32>], vector<16xi32>, vector<16xi1>
        %bitcast3A_249 = vector.bitcast %gather3A_244 : vector<16xi32> to vector<32xbf16>
        %bitcast3A_250 = vector.bitcast %gather3A_222 : vector<16xi32> to vector<32xbf16>
        %max3A_251 = arith.maximumf %bitcast3A_249, %bitcast3A_250 : vector<32xbf16>
        %bitcast3A_252 = vector.bitcast %max3A_251 : vector<32xbf16> to vector<16xi32>
        tpu.vector_store_idx %arg9[%get3A_133], %bitcast3A_252 masked %unique3A_194 : memref<10000xi32, #tpu.memory_space<vmem>>[vector<16xi32>], vector<16xi32>, vector<16xi1>
        %gather3A_253 = tpu.vector_load_idx %arg8[%get3A_137] : memref<10000xi32, #tpu.memory_space<vmem>>[vector<16xi32>], vector<16xi32>,
        %gather3A_254 = tpu.vector_load_idx %arg9[%get3A_137] : memref<10000xi32, #tpu.memory_space<vmem>>[vector<16xi32>], vector<16xi32>,
        %bitcast3A_255 = vector.bitcast %gather3A_253 : vector<16xi32> to vector<32xbf16>
        %bitcast3A_256 = vector.bitcast %gather3A_223 : vector<16xi32> to vector<32xbf16>
        %max3A_257 = arith.maximumf %bitcast3A_255, %bitcast3A_256 : vector<32xbf16>
        %bitcast3A_258 = vector.bitcast %max3A_257 : vector<32xbf16> to vector<16xi32>
        tpu.vector_store_idx %arg8[%get3A_137], %bitcast3A_258 masked %unique3A_198 : memref<10000xi32, #tpu.memory_space<vmem>>[vector<16xi32>], vector<16xi32>, vector<16xi1>
        %bitcast3A_259 = vector.bitcast %gather3A_254 : vector<16xi32> to vector<32xbf16>
        %bitcast3A_260 = vector.bitcast %gather3A_224 : vector<16xi32> to vector<32xbf16>
        %max3A_261 = arith.maximumf %bitcast3A_259, %bitcast3A_260 : vector<32xbf16>
        %bitcast3A_262 = vector.bitcast %max3A_261 : vector<32xbf16> to vector<16xi32>
        tpu.vector_store_idx %arg9[%get3A_137], %bitcast3A_262 masked %unique3A_198 : memref<10000xi32, #tpu.memory_space<vmem>>[vector<16xi32>], vector<16xi32>, vector<16xi1>
        %gather3A_263 = tpu.vector_load_idx %arg8[%get3A_141] : memref<10000xi32, #tpu.memory_space<vmem>>[vector<16xi32>], vector<16xi32>,
        %gather3A_264 = tpu.vector_load_idx %arg9[%get3A_141] : memref<10000xi32, #tpu.memory_space<vmem>>[vector<16xi32>], vector<16xi32>,
        %bitcast3A_265 = vector.bitcast %gather3A_263 : vector<16xi32> to vector<32xbf16>
        %bitcast3A_266 = vector.bitcast %gather3A_225 : vector<16xi32> to vector<32xbf16>
        %max3A_267 = arith.maximumf %bitcast3A_265, %bitcast3A_266 : vector<32xbf16>
        %bitcast3A_268 = vector.bitcast %max3A_267 : vector<32xbf16> to vector<16xi32>
        tpu.vector_store_idx %arg8[%get3A_141], %bitcast3A_268 masked %unique3A_202 : memref<10000xi32, #tpu.memory_space<vmem>>[vector<16xi32>], vector<16xi32>, vector<16xi1>
        %bitcast3A_269 = vector.bitcast %gather3A_264 : vector<16xi32> to vector<32xbf16>
        %bitcast3A_270 = vector.bitcast %gather3A_226 : vector<16xi32> to vector<32xbf16>
        %max3A_271 = arith.maximumf %bitcast3A_269, %bitcast3A_270 : vector<32xbf16>
        %bitcast3A_272 = vector.bitcast %max3A_271 : vector<32xbf16> to vector<16xi32>
        tpu.vector_store_idx %arg9[%get3A_141], %bitcast3A_272 masked %unique3A_202 : memref<10000xi32, #tpu.memory_space<vmem>>[vector<16xi32>], vector<16xi32>, vector<16xi1>
        %gather3A_273 = tpu.vector_load_idx %arg8[%get3A_145] : memref<10000xi32, #tpu.memory_space<vmem>>[vector<16xi32>], vector<16xi32>,
        %gather3A_274 = tpu.vector_load_idx %arg9[%get3A_145] : memref<10000xi32, #tpu.memory_space<vmem>>[vector<16xi32>], vector<16xi32>,
        %bitcast3A_275 = vector.bitcast %gather3A_273 : vector<16xi32> to vector<32xbf16>
        %bitcast3A_276 = vector.bitcast %gather3A_227 : vector<16xi32> to vector<32xbf16>
        %max3A_277 = arith.maximumf %bitcast3A_275, %bitcast3A_276 : vector<32xbf16>
        %bitcast3A_278 = vector.bitcast %max3A_277 : vector<32xbf16> to vector<16xi32>
        tpu.vector_store_idx %arg8[%get3A_145], %bitcast3A_278 masked %unique3A_206 : memref<10000xi32, #tpu.memory_space<vmem>>[vector<16xi32>], vector<16xi32>, vector<16xi1>
        %bitcast3A_279 = vector.bitcast %gather3A_274 : vector<16xi32> to vector<32xbf16>
        %bitcast3A_280 = vector.bitcast %gather3A_228 : vector<16xi32> to vector<32xbf16>
        %max3A_281 = arith.maximumf %bitcast3A_279, %bitcast3A_280 : vector<32xbf16>
        %bitcast3A_282 = vector.bitcast %max3A_281 : vector<32xbf16> to vector<16xi32>
        tpu.vector_store_idx %arg9[%get3A_145], %bitcast3A_282 masked %unique3A_206 : memref<10000xi32, #tpu.memory_space<vmem>>[vector<16xi32>], vector<16xi32>, vector<16xi1>
        %gather3A_283 = tpu.vector_load_idx %arg8[%get3A_149] : memref<10000xi32, #tpu.memory_space<vmem>>[vector<16xi32>], vector<16xi32>,
        %gather3A_284 = tpu.vector_load_idx %arg9[%get3A_149] : memref<10000xi32, #tpu.memory_space<vmem>>[vector<16xi32>], vector<16xi32>,
        %bitcast3A_285 = vector.bitcast %gather3A_283 : vector<16xi32> to vector<32xbf16>
        %bitcast3A_286 = vector.bitcast %gather3A_229 : vector<16xi32> to vector<32xbf16>
        %max3A_287 = arith.maximumf %bitcast3A_285, %bitcast3A_286 : vector<32xbf16>
        %bitcast3A_288 = vector.bitcast %max3A_287 : vector<32xbf16> to vector<16xi32>
        tpu.vector_store_idx %arg8[%get3A_149], %bitcast3A_288 masked %unique3A_210 : memref<10000xi32, #tpu.memory_space<vmem>>[vector<16xi32>], vector<16xi32>, vector<16xi1>
        %bitcast3A_289 = vector.bitcast %gather3A_284 : vector<16xi32> to vector<32xbf16>
        %bitcast3A_290 = vector.bitcast %gather3A_230 : vector<16xi32> to vector<32xbf16>
        %max3A_291 = arith.maximumf %bitcast3A_289, %bitcast3A_290 : vector<32xbf16>
        %bitcast3A_292 = vector.bitcast %max3A_291 : vector<32xbf16> to vector<16xi32>
        tpu.vector_store_idx %arg9[%get3A_149], %bitcast3A_292 masked %unique3A_210 : memref<10000xi32, #tpu.memory_space<vmem>>[vector<16xi32>], vector<16xi32>, vector<16xi1>
        %gather3A_293 = tpu.vector_load_idx %arg8[%get3A_153] : memref<10000xi32, #tpu.memory_space<vmem>>[vector<16xi32>], vector<16xi32>,
        %gather3A_294 = tpu.vector_load_idx %arg9[%get3A_153] : memref<10000xi32, #tpu.memory_space<vmem>>[vector<16xi32>], vector<16xi32>,
        %bitcast3A_295 = vector.bitcast %gather3A_293 : vector<16xi32> to vector<32xbf16>
        %bitcast3A_296 = vector.bitcast %gather3A_231 : vector<16xi32> to vector<32xbf16>
        %max3A_297 = arith.maximumf %bitcast3A_295, %bitcast3A_296 : vector<32xbf16>
        %bitcast3A_298 = vector.bitcast %max3A_297 : vector<32xbf16> to vector<16xi32>
        tpu.vector_store_idx %arg8[%get3A_153], %bitcast3A_298 masked %unique3A_214 : memref<10000xi32, #tpu.memory_space<vmem>>[vector<16xi32>], vector<16xi32>, vector<16xi1>
        %bitcast3A_299 = vector.bitcast %gather3A_294 : vector<16xi32> to vector<32xbf16>
        %bitcast3A_300 = vector.bitcast %gather3A_232 : vector<16xi32> to vector<32xbf16>
        %max3A_301 = arith.maximumf %bitcast3A_299, %bitcast3A_300 : vector<32xbf16>
        %bitcast3A_302 = vector.bitcast %max3A_301 : vector<32xbf16> to vector<16xi32>
        tpu.vector_store_idx %arg9[%get3A_153], %bitcast3A_302 masked %unique3A_214 : memref<10000xi32, #tpu.memory_space<vmem>>[vector<16xi32>], vector<16xi32>, vector<16xi1>
        %gather3A_303 = tpu.vector_load_idx %arg8[%get3A_157] : memref<10000xi32, #tpu.memory_space<vmem>>[vector<16xi32>], vector<16xi32>,
        %gather3A_304 = tpu.vector_load_idx %arg9[%get3A_157] : memref<10000xi32, #tpu.memory_space<vmem>>[vector<16xi32>], vector<16xi32>,
        %bitcast3A_305 = vector.bitcast %gather3A_303 : vector<16xi32> to vector<32xbf16>
        %bitcast3A_306 = vector.bitcast %gather3A_233 : vector<16xi32> to vector<32xbf16>
        %max3A_307 = arith.maximumf %bitcast3A_305, %bitcast3A_306 : vector<32xbf16>
        %bitcast3A_308 = vector.bitcast %max3A_307 : vector<32xbf16> to vector<16xi32>
        tpu.vector_store_idx %arg8[%get3A_157], %bitcast3A_308 masked %unique3A_218 : memref<10000xi32, #tpu.memory_space<vmem>>[vector<16xi32>], vector<16xi32>, vector<16xi1>
        %bitcast3A_309 = vector.bitcast %gather3A_304 : vector<16xi32> to vector<32xbf16>
        %bitcast3A_310 = vector.bitcast %gather3A_234 : vector<16xi32> to vector<32xbf16>
        %max3A_311 = arith.maximumf %bitcast3A_309, %bitcast3A_310 : vector<32xbf16>
        %bitcast3A_312 = vector.bitcast %max3A_311 : vector<32xbf16> to vector<16xi32>
        tpu.vector_store_idx %arg9[%get3A_157], %bitcast3A_312 masked %unique3A_218 : memref<10000xi32, #tpu.memory_space<vmem>>[vector<16xi32>], vector<16xi32>, vector<16xi1>
        %and3A = arith.andi %unique3A, %unique3A_194 : vector<16xi1>
        %and3A_313 = arith.andi %and3A, %unique3A_198 : vector<16xi1>
        %and3A_314 = arith.andi %and3A_313, %unique3A_202 : vector<16xi1>
        %and3A_315 = arith.andi %and3A_314, %unique3A_206 : vector<16xi1>
        %and3A_316 = arith.andi %and3A_315, %unique3A_210 : vector<16xi1>
        %and3A_317 = arith.andi %and3A_316, %unique3A_214 : vector<16xi1>
        %and3A_318 = arith.andi %and3A_317, %unique3A_218 : vector<16xi1>
        %all_reduce_population_count3A = tpu.all_reduce %and3A_318 {dim = 0 : i64, kind = #tpu.reduction_kind<sum>} : vector<16xi1> -> vector<16xi32>
        %slice3A = vector.extract_strided_slice %all_reduce_population_count3A {offsets = [0], sizes = [1], strides = [1]} : vector<16xi32> to vector<1xi32>
        %squeeze3A = vector.extract %slice3A[0] : i32 from vector<1xi32>
        %lt3A = arith.constant 16 : i32
        %lt3A_319 = arith.cmpi slt, %squeeze3A, %lt3A : i32
        %convert_element_type3A = arith.extui %lt3A_319 : i1 to i32
        %cond3A = arith.constant 0 : i32
        %cond3A_320 = arith.cmpi ne, %convert_element_type3A, %cond3A : i32
        scf.if %cond3A_320 {
          %reduce_max3A = arith.constant true
          %reduce_max3A_322 = vector.broadcast %reduce_max3A : i1 to vector<16xi1>
          %reduce_max3A_323 = arith.constant -2147483648 : i32
          %reduce_max3A_324 = vector.broadcast %reduce_max3A_323 : i32 to vector<16xi32>
          %reduce_max3A_325 = arith.xori %unique3A_191, %reduce_max3A_324 : vector<16xi32>
          %reduce_max3A_326 = tpu.scan <max>, %reduce_max3A_325 masked %reduce_max3A_322 : vector<16xi32>, vector<16xi1> -> vector<16xi32>
          %reduce_max3A_327 = arith.xori %reduce_max3A_326, %reduce_max3A_324 : vector<16xi32>
          %reduce_max3A_328 = vector.extract %reduce_max3A_327[15] : i32 from vector<16xi32>
          %gt3A = arith.constant 1 : i32
          %gt3A_329 = arith.cmpi sgt, %reduce_max3A_328, %gt3A : i32
          %convert_element_type3A_330 = arith.extui %gt3A_329 : i1 to i32
          %cond3A_331 = arith.constant 0 : i32
          %cond3A_332 = arith.cmpi ne, %convert_element_type3A_330, %cond3A_331 : i32
          scf.if %cond3A_332 {
            %while3A = arith.constant 1 : i32
            %while3A_424 = arith.constant 0 : i32
            %while3A_425 = arith.subi %reduce_max3A_328, %while3A : i32
            %while3A_426 = arith.addi %while3A, %while3A_425 : i32
            %while3A_427 = arith.constant 1 : i32
            %while3A_428 = arith.divsi %while3A_425, %while3A_427 : i32
            %while3A_429 = arith.muli %while3A_428, %while3A_427 : i32
            %while3A_430 = arith.addi %while3A, %while3A_429 : i32
            %while3A_431 = arith.constant 1 : i32
            %while3A_432 = scf.for %while3A_435 = %while3A to %while3A_430 step %while3A_431 iter_args(%while3A_436 = %while3A_424) -> (i32)  : i32 {
              %eq3A = vector.broadcast %while3A_435 : i32 to vector<16xi32>
              %eq3A_437 = arith.cmpi eq, %unique3A_191, %eq3A : vector<16xi32>
              %not3A = arith.constant dense<true> : vector<16xi1>
              %not3A_438 = arith.xori %unique3A, %not3A : vector<16xi1>
              %and3A_439 = arith.andi %eq3A_437, %not3A_438 : vector<16xi1>
              %gather3A_440 = tpu.vector_load_idx %arg8[%get3A_129] masked %and3A_439 : memref<10000xi32, #tpu.memory_space<vmem>>[vector<16xi32>], vector<16xi32>, vector<16xi1>
              %bitcast3A_441 = vector.bitcast %gather3A_440 : vector<16xi32> to vector<32xbf16>
              %bitcast3A_442 = vector.bitcast %gather3A : vector<16xi32> to vector<32xbf16>
              %max3A_443 = arith.maximumf %bitcast3A_441, %bitcast3A_442 : vector<32xbf16>
              %bitcast3A_444 = vector.bitcast %max3A_443 : vector<32xbf16> to vector<16xi32>
              tpu.vector_store_idx %arg8[%get3A_129], %bitcast3A_444 masked %and3A_439 : memref<10000xi32, #tpu.memory_space<vmem>>[vector<16xi32>], vector<16xi32>, vector<16xi1>
              %gather3A_445 = tpu.vector_load_idx %arg9[%get3A_129] masked %and3A_439 : memref<10000xi32, #tpu.memory_space<vmem>>[vector<16xi32>], vector<16xi32>, vector<16xi1>
              %bitcast3A_446 = vector.bitcast %gather3A_445 : vector<16xi32> to vector<32xbf16>
              %bitcast3A_447 = vector.bitcast %gather3A_220 : vector<16xi32> to vector<32xbf16>
              %max3A_448 = arith.maximumf %bitcast3A_446, %bitcast3A_447 : vector<32xbf16>
              %bitcast3A_449 = vector.bitcast %max3A_448 : vector<32xbf16> to vector<16xi32>
              tpu.vector_store_idx %arg9[%get3A_129], %bitcast3A_449 masked %and3A_439 : memref<10000xi32, #tpu.memory_space<vmem>>[vector<16xi32>], vector<16xi32>, vector<16xi1>
              %while3A_450 = arith.constant 0 : i32
              scf.yield %while3A_450 : i32
            }
            %while3A_433 = arith.constant 1 : i32
            %while3A_434 = scf.for %while3A_435 = %while3A_430 to %while3A_426 step %while3A_433 iter_args(%while3A_436 = %while3A_432) -> (i32)  : i32 {
              %eq3A = vector.broadcast %while3A_435 : i32 to vector<16xi32>
              %eq3A_437 = arith.cmpi eq, %unique3A_191, %eq3A : vector<16xi32>
              %not3A = arith.constant dense<true> : vector<16xi1>
              %not3A_438 = arith.xori %unique3A, %not3A : vector<16xi1>
              %and3A_439 = arith.andi %eq3A_437, %not3A_438 : vector<16xi1>
              %gather3A_440 = tpu.vector_load_idx %arg8[%get3A_129] masked %and3A_439 : memref<10000xi32, #tpu.memory_space<vmem>>[vector<16xi32>], vector<16xi32>, vector<16xi1>
              %bitcast3A_441 = vector.bitcast %gather3A_440 : vector<16xi32> to vector<32xbf16>
              %bitcast3A_442 = vector.bitcast %gather3A : vector<16xi32> to vector<32xbf16>
              %max3A_443 = arith.maximumf %bitcast3A_441, %bitcast3A_442 : vector<32xbf16>
              %bitcast3A_444 = vector.bitcast %max3A_443 : vector<32xbf16> to vector<16xi32>
              tpu.vector_store_idx %arg8[%get3A_129], %bitcast3A_444 masked %and3A_439 : memref<10000xi32, #tpu.memory_space<vmem>>[vector<16xi32>], vector<16xi32>, vector<16xi1>
              %gather3A_445 = tpu.vector_load_idx %arg9[%get3A_129] masked %and3A_439 : memref<10000xi32, #tpu.memory_space<vmem>>[vector<16xi32>], vector<16xi32>, vector<16xi1>
              %bitcast3A_446 = vector.bitcast %gather3A_445 : vector<16xi32> to vector<32xbf16>
              %bitcast3A_447 = vector.bitcast %gather3A_220 : vector<16xi32> to vector<32xbf16>
              %max3A_448 = arith.maximumf %bitcast3A_446, %bitcast3A_447 : vector<32xbf16>
              %bitcast3A_449 = vector.bitcast %max3A_448 : vector<32xbf16> to vector<16xi32>
              tpu.vector_store_idx %arg9[%get3A_129], %bitcast3A_449 masked %and3A_439 : memref<10000xi32, #tpu.memory_space<vmem>>[vector<16xi32>], vector<16xi32>, vector<16xi1>
              %while3A_450 = arith.constant 0 : i32
              scf.yield %while3A_450 : i32
            }
          } else {
          }
          %reduce_max3A_333 = arith.constant true
          %reduce_max3A_334 = vector.broadcast %reduce_max3A_333 : i1 to vector<16xi1>
          %reduce_max3A_335 = arith.constant -2147483648 : i32
          %reduce_max3A_336 = vector.broadcast %reduce_max3A_335 : i32 to vector<16xi32>
          %reduce_max3A_337 = arith.xori %unique3A_195, %reduce_max3A_336 : vector<16xi32>
          %reduce_max3A_338 = tpu.scan <max>, %reduce_max3A_337 masked %reduce_max3A_334 : vector<16xi32>, vector<16xi1> -> vector<16xi32>
          %reduce_max3A_339 = arith.xori %reduce_max3A_338, %reduce_max3A_336 : vector<16xi32>
          %reduce_max3A_340 = vector.extract %reduce_max3A_339[15] : i32 from vector<16xi32>
          %gt3A_341 = arith.constant 1 : i32
          %gt3A_342 = arith.cmpi sgt, %reduce_max3A_340, %gt3A_341 : i32
          %convert_element_type3A_343 = arith.extui %gt3A_342 : i1 to i32
          %cond3A_344 = arith.constant 0 : i32
          %cond3A_345 = arith.cmpi ne, %convert_element_type3A_343, %cond3A_344 : i32
          scf.if %cond3A_345 {
            %while3A = arith.constant 1 : i32
            %while3A_424 = arith.constant 0 : i32
            %while3A_425 = arith.subi %reduce_max3A_340, %while3A : i32
            %while3A_426 = arith.addi %while3A, %while3A_425 : i32
            %while3A_427 = arith.constant 1 : i32
            %while3A_428 = arith.divsi %while3A_425, %while3A_427 : i32
            %while3A_429 = arith.muli %while3A_428, %while3A_427 : i32
            %while3A_430 = arith.addi %while3A, %while3A_429 : i32
            %while3A_431 = arith.constant 1 : i32
            %while3A_432 = scf.for %while3A_435 = %while3A to %while3A_430 step %while3A_431 iter_args(%while3A_436 = %while3A_424) -> (i32)  : i32 {
              %eq3A = vector.broadcast %while3A_435 : i32 to vector<16xi32>
              %eq3A_437 = arith.cmpi eq, %unique3A_195, %eq3A : vector<16xi32>
              %not3A = arith.constant dense<true> : vector<16xi1>
              %not3A_438 = arith.xori %unique3A_194, %not3A : vector<16xi1>
              %and3A_439 = arith.andi %eq3A_437, %not3A_438 : vector<16xi1>
              %gather3A_440 = tpu.vector_load_idx %arg8[%get3A_133] masked %and3A_439 : memref<10000xi32, #tpu.memory_space<vmem>>[vector<16xi32>], vector<16xi32>, vector<16xi1>
              %bitcast3A_441 = vector.bitcast %gather3A_440 : vector<16xi32> to vector<32xbf16>
              %bitcast3A_442 = vector.bitcast %gather3A_221 : vector<16xi32> to vector<32xbf16>
              %max3A_443 = arith.maximumf %bitcast3A_441, %bitcast3A_442 : vector<32xbf16>
              %bitcast3A_444 = vector.bitcast %max3A_443 : vector<32xbf16> to vector<16xi32>
              tpu.vector_store_idx %arg8[%get3A_133], %bitcast3A_444 masked %and3A_439 : memref<10000xi32, #tpu.memory_space<vmem>>[vector<16xi32>], vector<16xi32>, vector<16xi1>
              %gather3A_445 = tpu.vector_load_idx %arg9[%get3A_133] masked %and3A_439 : memref<10000xi32, #tpu.memory_space<vmem>>[vector<16xi32>], vector<16xi32>, vector<16xi1>
              %bitcast3A_446 = vector.bitcast %gather3A_445 : vector<16xi32> to vector<32xbf16>
              %bitcast3A_447 = vector.bitcast %gather3A_222 : vector<16xi32> to vector<32xbf16>
              %max3A_448 = arith.maximumf %bitcast3A_446, %bitcast3A_447 : vector<32xbf16>
              %bitcast3A_449 = vector.bitcast %max3A_448 : vector<32xbf16> to vector<16xi32>
              tpu.vector_store_idx %arg9[%get3A_133], %bitcast3A_449 masked %and3A_439 : memref<10000xi32, #tpu.memory_space<vmem>>[vector<16xi32>], vector<16xi32>, vector<16xi1>
              %while3A_450 = arith.constant 0 : i32
              scf.yield %while3A_450 : i32
            }
            %while3A_433 = arith.constant 1 : i32
            %while3A_434 = scf.for %while3A_435 = %while3A_430 to %while3A_426 step %while3A_433 iter_args(%while3A_436 = %while3A_432) -> (i32)  : i32 {
              %eq3A = vector.broadcast %while3A_435 : i32 to vector<16xi32>
              %eq3A_437 = arith.cmpi eq, %unique3A_195, %eq3A : vector<16xi32>
              %not3A = arith.constant dense<true> : vector<16xi1>
              %not3A_438 = arith.xori %unique3A_194, %not3A : vector<16xi1>
              %and3A_439 = arith.andi %eq3A_437, %not3A_438 : vector<16xi1>
              %gather3A_440 = tpu.vector_load_idx %arg8[%get3A_133] masked %and3A_439 : memref<10000xi32, #tpu.memory_space<vmem>>[vector<16xi32>], vector<16xi32>, vector<16xi1>
              %bitcast3A_441 = vector.bitcast %gather3A_440 : vector<16xi32> to vector<32xbf16>
              %bitcast3A_442 = vector.bitcast %gather3A_221 : vector<16xi32> to vector<32xbf16>
              %max3A_443 = arith.maximumf %bitcast3A_441, %bitcast3A_442 : vector<32xbf16>
              %bitcast3A_444 = vector.bitcast %max3A_443 : vector<32xbf16> to vector<16xi32>
              tpu.vector_store_idx %arg8[%get3A_133], %bitcast3A_444 masked %and3A_439 : memref<10000xi32, #tpu.memory_space<vmem>>[vector<16xi32>], vector<16xi32>, vector<16xi1>
              %gather3A_445 = tpu.vector_load_idx %arg9[%get3A_133] masked %and3A_439 : memref<10000xi32, #tpu.memory_space<vmem>>[vector<16xi32>], vector<16xi32>, vector<16xi1>
              %bitcast3A_446 = vector.bitcast %gather3A_445 : vector<16xi32> to vector<32xbf16>
              %bitcast3A_447 = vector.bitcast %gather3A_222 : vector<16xi32> to vector<32xbf16>
              %max3A_448 = arith.maximumf %bitcast3A_446, %bitcast3A_447 : vector<32xbf16>
              %bitcast3A_449 = vector.bitcast %max3A_448 : vector<32xbf16> to vector<16xi32>
              tpu.vector_store_idx %arg9[%get3A_133], %bitcast3A_449 masked %and3A_439 : memref<10000xi32, #tpu.memory_space<vmem>>[vector<16xi32>], vector<16xi32>, vector<16xi1>
              %while3A_450 = arith.constant 0 : i32
              scf.yield %while3A_450 : i32
            }
          } else {
          }
          %reduce_max3A_346 = arith.constant true
          %reduce_max3A_347 = vector.broadcast %reduce_max3A_346 : i1 to vector<16xi1>
          %reduce_max3A_348 = arith.constant -2147483648 : i32
          %reduce_max3A_349 = vector.broadcast %reduce_max3A_348 : i32 to vector<16xi32>
          %reduce_max3A_350 = arith.xori %unique3A_199, %reduce_max3A_349 : vector<16xi32>
          %reduce_max3A_351 = tpu.scan <max>, %reduce_max3A_350 masked %reduce_max3A_347 : vector<16xi32>, vector<16xi1> -> vector<16xi32>
          %reduce_max3A_352 = arith.xori %reduce_max3A_351, %reduce_max3A_349 : vector<16xi32>
          %reduce_max3A_353 = vector.extract %reduce_max3A_352[15] : i32 from vector<16xi32>
          %gt3A_354 = arith.constant 1 : i32
          %gt3A_355 = arith.cmpi sgt, %reduce_max3A_353, %gt3A_354 : i32
          %convert_element_type3A_356 = arith.extui %gt3A_355 : i1 to i32
          %cond3A_357 = arith.constant 0 : i32
          %cond3A_358 = arith.cmpi ne, %convert_element_type3A_356, %cond3A_357 : i32
          scf.if %cond3A_358 {
            %while3A = arith.constant 1 : i32
            %while3A_424 = arith.constant 0 : i32
            %while3A_425 = arith.subi %reduce_max3A_353, %while3A : i32
            %while3A_426 = arith.addi %while3A, %while3A_425 : i32
            %while3A_427 = arith.constant 1 : i32
            %while3A_428 = arith.divsi %while3A_425, %while3A_427 : i32
            %while3A_429 = arith.muli %while3A_428, %while3A_427 : i32
            %while3A_430 = arith.addi %while3A, %while3A_429 : i32
            %while3A_431 = arith.constant 1 : i32
            %while3A_432 = scf.for %while3A_435 = %while3A to %while3A_430 step %while3A_431 iter_args(%while3A_436 = %while3A_424) -> (i32)  : i32 {
              %eq3A = vector.broadcast %while3A_435 : i32 to vector<16xi32>
              %eq3A_437 = arith.cmpi eq, %unique3A_199, %eq3A : vector<16xi32>
              %not3A = arith.constant dense<true> : vector<16xi1>
              %not3A_438 = arith.xori %unique3A_198, %not3A : vector<16xi1>
              %and3A_439 = arith.andi %eq3A_437, %not3A_438 : vector<16xi1>
              %gather3A_440 = tpu.vector_load_idx %arg8[%get3A_137] masked %and3A_439 : memref<10000xi32, #tpu.memory_space<vmem>>[vector<16xi32>], vector<16xi32>, vector<16xi1>
              %bitcast3A_441 = vector.bitcast %gather3A_440 : vector<16xi32> to vector<32xbf16>
              %bitcast3A_442 = vector.bitcast %gather3A_223 : vector<16xi32> to vector<32xbf16>
              %max3A_443 = arith.maximumf %bitcast3A_441, %bitcast3A_442 : vector<32xbf16>
              %bitcast3A_444 = vector.bitcast %max3A_443 : vector<32xbf16> to vector<16xi32>
              tpu.vector_store_idx %arg8[%get3A_137], %bitcast3A_444 masked %and3A_439 : memref<10000xi32, #tpu.memory_space<vmem>>[vector<16xi32>], vector<16xi32>, vector<16xi1>
              %gather3A_445 = tpu.vector_load_idx %arg9[%get3A_137] masked %and3A_439 : memref<10000xi32, #tpu.memory_space<vmem>>[vector<16xi32>], vector<16xi32>, vector<16xi1>
              %bitcast3A_446 = vector.bitcast %gather3A_445 : vector<16xi32> to vector<32xbf16>
              %bitcast3A_447 = vector.bitcast %gather3A_224 : vector<16xi32> to vector<32xbf16>
              %max3A_448 = arith.maximumf %bitcast3A_446, %bitcast3A_447 : vector<32xbf16>
              %bitcast3A_449 = vector.bitcast %max3A_448 : vector<32xbf16> to vector<16xi32>
              tpu.vector_store_idx %arg9[%get3A_137], %bitcast3A_449 masked %and3A_439 : memref<10000xi32, #tpu.memory_space<vmem>>[vector<16xi32>], vector<16xi32>, vector<16xi1>
              %while3A_450 = arith.constant 0 : i32
              scf.yield %while3A_450 : i32
            }
            %while3A_433 = arith.constant 1 : i32
            %while3A_434 = scf.for %while3A_435 = %while3A_430 to %while3A_426 step %while3A_433 iter_args(%while3A_436 = %while3A_432) -> (i32)  : i32 {
              %eq3A = vector.broadcast %while3A_435 : i32 to vector<16xi32>
              %eq3A_437 = arith.cmpi eq, %unique3A_199, %eq3A : vector<16xi32>
              %not3A = arith.constant dense<true> : vector<16xi1>
              %not3A_438 = arith.xori %unique3A_198, %not3A : vector<16xi1>
              %and3A_439 = arith.andi %eq3A_437, %not3A_438 : vector<16xi1>
              %gather3A_440 = tpu.vector_load_idx %arg8[%get3A_137] masked %and3A_439 : memref<10000xi32, #tpu.memory_space<vmem>>[vector<16xi32>], vector<16xi32>, vector<16xi1>
              %bitcast3A_441 = vector.bitcast %gather3A_440 : vector<16xi32> to vector<32xbf16>
              %bitcast3A_442 = vector.bitcast %gather3A_223 : vector<16xi32> to vector<32xbf16>
              %max3A_443 = arith.maximumf %bitcast3A_441, %bitcast3A_442 : vector<32xbf16>
              %bitcast3A_444 = vector.bitcast %max3A_443 : vector<32xbf16> to vector<16xi32>
              tpu.vector_store_idx %arg8[%get3A_137], %bitcast3A_444 masked %and3A_439 : memref<10000xi32, #tpu.memory_space<vmem>>[vector<16xi32>], vector<16xi32>, vector<16xi1>
              %gather3A_445 = tpu.vector_load_idx %arg9[%get3A_137] masked %and3A_439 : memref<10000xi32, #tpu.memory_space<vmem>>[vector<16xi32>], vector<16xi32>, vector<16xi1>
              %bitcast3A_446 = vector.bitcast %gather3A_445 : vector<16xi32> to vector<32xbf16>
              %bitcast3A_447 = vector.bitcast %gather3A_224 : vector<16xi32> to vector<32xbf16>
              %max3A_448 = arith.maximumf %bitcast3A_446, %bitcast3A_447 : vector<32xbf16>
              %bitcast3A_449 = vector.bitcast %max3A_448 : vector<32xbf16> to vector<16xi32>
              tpu.vector_store_idx %arg9[%get3A_137], %bitcast3A_449 masked %and3A_439 : memref<10000xi32, #tpu.memory_space<vmem>>[vector<16xi32>], vector<16xi32>, vector<16xi1>
              %while3A_450 = arith.constant 0 : i32
              scf.yield %while3A_450 : i32
            }
          } else {
          }
          %reduce_max3A_359 = arith.constant true
          %reduce_max3A_360 = vector.broadcast %reduce_max3A_359 : i1 to vector<16xi1>
          %reduce_max3A_361 = arith.constant -2147483648 : i32
          %reduce_max3A_362 = vector.broadcast %reduce_max3A_361 : i32 to vector<16xi32>
          %reduce_max3A_363 = arith.xori %unique3A_203, %reduce_max3A_362 : vector<16xi32>
          %reduce_max3A_364 = tpu.scan <max>, %reduce_max3A_363 masked %reduce_max3A_360 : vector<16xi32>, vector<16xi1> -> vector<16xi32>
          %reduce_max3A_365 = arith.xori %reduce_max3A_364, %reduce_max3A_362 : vector<16xi32>
          %reduce_max3A_366 = vector.extract %reduce_max3A_365[15] : i32 from vector<16xi32>
          %gt3A_367 = arith.constant 1 : i32
          %gt3A_368 = arith.cmpi sgt, %reduce_max3A_366, %gt3A_367 : i32
          %convert_element_type3A_369 = arith.extui %gt3A_368 : i1 to i32
          %cond3A_370 = arith.constant 0 : i32
          %cond3A_371 = arith.cmpi ne, %convert_element_type3A_369, %cond3A_370 : i32
          scf.if %cond3A_371 {
            %while3A = arith.constant 1 : i32
            %while3A_424 = arith.constant 0 : i32
            %while3A_425 = arith.subi %reduce_max3A_366, %while3A : i32
            %while3A_426 = arith.addi %while3A, %while3A_425 : i32
            %while3A_427 = arith.constant 1 : i32
            %while3A_428 = arith.divsi %while3A_425, %while3A_427 : i32
            %while3A_429 = arith.muli %while3A_428, %while3A_427 : i32
            %while3A_430 = arith.addi %while3A, %while3A_429 : i32
            %while3A_431 = arith.constant 1 : i32
            %while3A_432 = scf.for %while3A_435 = %while3A to %while3A_430 step %while3A_431 iter_args(%while3A_436 = %while3A_424) -> (i32)  : i32 {
              %eq3A = vector.broadcast %while3A_435 : i32 to vector<16xi32>
              %eq3A_437 = arith.cmpi eq, %unique3A_203, %eq3A : vector<16xi32>
              %not3A = arith.constant dense<true> : vector<16xi1>
              %not3A_438 = arith.xori %unique3A_202, %not3A : vector<16xi1>
              %and3A_439 = arith.andi %eq3A_437, %not3A_438 : vector<16xi1>
              %gather3A_440 = tpu.vector_load_idx %arg8[%get3A_141] masked %and3A_439 : memref<10000xi32, #tpu.memory_space<vmem>>[vector<16xi32>], vector<16xi32>, vector<16xi1>
              %bitcast3A_441 = vector.bitcast %gather3A_440 : vector<16xi32> to vector<32xbf16>
              %bitcast3A_442 = vector.bitcast %gather3A_225 : vector<16xi32> to vector<32xbf16>
              %max3A_443 = arith.maximumf %bitcast3A_441, %bitcast3A_442 : vector<32xbf16>
              %bitcast3A_444 = vector.bitcast %max3A_443 : vector<32xbf16> to vector<16xi32>
              tpu.vector_store_idx %arg8[%get3A_141], %bitcast3A_444 masked %and3A_439 : memref<10000xi32, #tpu.memory_space<vmem>>[vector<16xi32>], vector<16xi32>, vector<16xi1>
              %gather3A_445 = tpu.vector_load_idx %arg9[%get3A_141] masked %and3A_439 : memref<10000xi32, #tpu.memory_space<vmem>>[vector<16xi32>], vector<16xi32>, vector<16xi1>
              %bitcast3A_446 = vector.bitcast %gather3A_445 : vector<16xi32> to vector<32xbf16>
              %bitcast3A_447 = vector.bitcast %gather3A_226 : vector<16xi32> to vector<32xbf16>
              %max3A_448 = arith.maximumf %bitcast3A_446, %bitcast3A_447 : vector<32xbf16>
              %bitcast3A_449 = vector.bitcast %max3A_448 : vector<32xbf16> to vector<16xi32>
              tpu.vector_store_idx %arg9[%get3A_141], %bitcast3A_449 masked %and3A_439 : memref<10000xi32, #tpu.memory_space<vmem>>[vector<16xi32>], vector<16xi32>, vector<16xi1>
              %while3A_450 = arith.constant 0 : i32
              scf.yield %while3A_450 : i32
            }
            %while3A_433 = arith.constant 1 : i32
            %while3A_434 = scf.for %while3A_435 = %while3A_430 to %while3A_426 step %while3A_433 iter_args(%while3A_436 = %while3A_432) -> (i32)  : i32 {
              %eq3A = vector.broadcast %while3A_435 : i32 to vector<16xi32>
              %eq3A_437 = arith.cmpi eq, %unique3A_203, %eq3A : vector<16xi32>
              %not3A = arith.constant dense<true> : vector<16xi1>
              %not3A_438 = arith.xori %unique3A_202, %not3A : vector<16xi1>
              %and3A_439 = arith.andi %eq3A_437, %not3A_438 : vector<16xi1>
              %gather3A_440 = tpu.vector_load_idx %arg8[%get3A_141] masked %and3A_439 : memref<10000xi32, #tpu.memory_space<vmem>>[vector<16xi32>], vector<16xi32>, vector<16xi1>
              %bitcast3A_441 = vector.bitcast %gather3A_440 : vector<16xi32> to vector<32xbf16>
              %bitcast3A_442 = vector.bitcast %gather3A_225 : vector<16xi32> to vector<32xbf16>
              %max3A_443 = arith.maximumf %bitcast3A_441, %bitcast3A_442 : vector<32xbf16>
              %bitcast3A_444 = vector.bitcast %max3A_443 : vector<32xbf16> to vector<16xi32>
              tpu.vector_store_idx %arg8[%get3A_141], %bitcast3A_444 masked %and3A_439 : memref<10000xi32, #tpu.memory_space<vmem>>[vector<16xi32>], vector<16xi32>, vector<16xi1>
              %gather3A_445 = tpu.vector_load_idx %arg9[%get3A_141] masked %and3A_439 : memref<10000xi32, #tpu.memory_space<vmem>>[vector<16xi32>], vector<16xi32>, vector<16xi1>
              %bitcast3A_446 = vector.bitcast %gather3A_445 : vector<16xi32> to vector<32xbf16>
              %bitcast3A_447 = vector.bitcast %gather3A_226 : vector<16xi32> to vector<32xbf16>
              %max3A_448 = arith.maximumf %bitcast3A_446, %bitcast3A_447 : vector<32xbf16>
              %bitcast3A_449 = vector.bitcast %max3A_448 : vector<32xbf16> to vector<16xi32>
              tpu.vector_store_idx %arg9[%get3A_141], %bitcast3A_449 masked %and3A_439 : memref<10000xi32, #tpu.memory_space<vmem>>[vector<16xi32>], vector<16xi32>, vector<16xi1>
              %while3A_450 = arith.constant 0 : i32
              scf.yield %while3A_450 : i32
            }
          } else {
          }
          %reduce_max3A_372 = arith.constant true
          %reduce_max3A_373 = vector.broadcast %reduce_max3A_372 : i1 to vector<16xi1>
          %reduce_max3A_374 = arith.constant -2147483648 : i32
          %reduce_max3A_375 = vector.broadcast %reduce_max3A_374 : i32 to vector<16xi32>
          %reduce_max3A_376 = arith.xori %unique3A_207, %reduce_max3A_375 : vector<16xi32>
          %reduce_max3A_377 = tpu.scan <max>, %reduce_max3A_376 masked %reduce_max3A_373 : vector<16xi32>, vector<16xi1> -> vector<16xi32>
          %reduce_max3A_378 = arith.xori %reduce_max3A_377, %reduce_max3A_375 : vector<16xi32>
          %reduce_max3A_379 = vector.extract %reduce_max3A_378[15] : i32 from vector<16xi32>
          %gt3A_380 = arith.constant 1 : i32
          %gt3A_381 = arith.cmpi sgt, %reduce_max3A_379, %gt3A_380 : i32
          %convert_element_type3A_382 = arith.extui %gt3A_381 : i1 to i32
          %cond3A_383 = arith.constant 0 : i32
          %cond3A_384 = arith.cmpi ne, %convert_element_type3A_382, %cond3A_383 : i32
          scf.if %cond3A_384 {
            %while3A = arith.constant 1 : i32
            %while3A_424 = arith.constant 0 : i32
            %while3A_425 = arith.subi %reduce_max3A_379, %while3A : i32
            %while3A_426 = arith.addi %while3A, %while3A_425 : i32
            %while3A_427 = arith.constant 1 : i32
            %while3A_428 = arith.divsi %while3A_425, %while3A_427 : i32
            %while3A_429 = arith.muli %while3A_428, %while3A_427 : i32
            %while3A_430 = arith.addi %while3A, %while3A_429 : i32
            %while3A_431 = arith.constant 1 : i32
            %while3A_432 = scf.for %while3A_435 = %while3A to %while3A_430 step %while3A_431 iter_args(%while3A_436 = %while3A_424) -> (i32)  : i32 {
              %eq3A = vector.broadcast %while3A_435 : i32 to vector<16xi32>
              %eq3A_437 = arith.cmpi eq, %unique3A_207, %eq3A : vector<16xi32>
              %not3A = arith.constant dense<true> : vector<16xi1>
              %not3A_438 = arith.xori %unique3A_206, %not3A : vector<16xi1>
              %and3A_439 = arith.andi %eq3A_437, %not3A_438 : vector<16xi1>
              %gather3A_440 = tpu.vector_load_idx %arg8[%get3A_145] masked %and3A_439 : memref<10000xi32, #tpu.memory_space<vmem>>[vector<16xi32>], vector<16xi32>, vector<16xi1>
              %bitcast3A_441 = vector.bitcast %gather3A_440 : vector<16xi32> to vector<32xbf16>
              %bitcast3A_442 = vector.bitcast %gather3A_227 : vector<16xi32> to vector<32xbf16>
              %max3A_443 = arith.maximumf %bitcast3A_441, %bitcast3A_442 : vector<32xbf16>
              %bitcast3A_444 = vector.bitcast %max3A_443 : vector<32xbf16> to vector<16xi32>
              tpu.vector_store_idx %arg8[%get3A_145], %bitcast3A_444 masked %and3A_439 : memref<10000xi32, #tpu.memory_space<vmem>>[vector<16xi32>], vector<16xi32>, vector<16xi1>
              %gather3A_445 = tpu.vector_load_idx %arg9[%get3A_145] masked %and3A_439 : memref<10000xi32, #tpu.memory_space<vmem>>[vector<16xi32>], vector<16xi32>, vector<16xi1>
              %bitcast3A_446 = vector.bitcast %gather3A_445 : vector<16xi32> to vector<32xbf16>
              %bitcast3A_447 = vector.bitcast %gather3A_228 : vector<16xi32> to vector<32xbf16>
              %max3A_448 = arith.maximumf %bitcast3A_446, %bitcast3A_447 : vector<32xbf16>
              %bitcast3A_449 = vector.bitcast %max3A_448 : vector<32xbf16> to vector<16xi32>
              tpu.vector_store_idx %arg9[%get3A_145], %bitcast3A_449 masked %and3A_439 : memref<10000xi32, #tpu.memory_space<vmem>>[vector<16xi32>], vector<16xi32>, vector<16xi1>
              %while3A_450 = arith.constant 0 : i32
              scf.yield %while3A_450 : i32
            }
            %while3A_433 = arith.constant 1 : i32
            %while3A_434 = scf.for %while3A_435 = %while3A_430 to %while3A_426 step %while3A_433 iter_args(%while3A_436 = %while3A_432) -> (i32)  : i32 {
              %eq3A = vector.broadcast %while3A_435 : i32 to vector<16xi32>
              %eq3A_437 = arith.cmpi eq, %unique3A_207, %eq3A : vector<16xi32>
              %not3A = arith.constant dense<true> : vector<16xi1>
              %not3A_438 = arith.xori %unique3A_206, %not3A : vector<16xi1>
              %and3A_439 = arith.andi %eq3A_437, %not3A_438 : vector<16xi1>
              %gather3A_440 = tpu.vector_load_idx %arg8[%get3A_145] masked %and3A_439 : memref<10000xi32, #tpu.memory_space<vmem>>[vector<16xi32>], vector<16xi32>, vector<16xi1>
              %bitcast3A_441 = vector.bitcast %gather3A_440 : vector<16xi32> to vector<32xbf16>
              %bitcast3A_442 = vector.bitcast %gather3A_227 : vector<16xi32> to vector<32xbf16>
              %max3A_443 = arith.maximumf %bitcast3A_441, %bitcast3A_442 : vector<32xbf16>
              %bitcast3A_444 = vector.bitcast %max3A_443 : vector<32xbf16> to vector<16xi32>
              tpu.vector_store_idx %arg8[%get3A_145], %bitcast3A_444 masked %and3A_439 : memref<10000xi32, #tpu.memory_space<vmem>>[vector<16xi32>], vector<16xi32>, vector<16xi1>
              %gather3A_445 = tpu.vector_load_idx %arg9[%get3A_145] masked %and3A_439 : memref<10000xi32, #tpu.memory_space<vmem>>[vector<16xi32>], vector<16xi32>, vector<16xi1>
              %bitcast3A_446 = vector.bitcast %gather3A_445 : vector<16xi32> to vector<32xbf16>
              %bitcast3A_447 = vector.bitcast %gather3A_228 : vector<16xi32> to vector<32xbf16>
              %max3A_448 = arith.maximumf %bitcast3A_446, %bitcast3A_447 : vector<32xbf16>
              %bitcast3A_449 = vector.bitcast %max3A_448 : vector<32xbf16> to vector<16xi32>
              tpu.vector_store_idx %arg9[%get3A_145], %bitcast3A_449 masked %and3A_439 : memref<10000xi32, #tpu.memory_space<vmem>>[vector<16xi32>], vector<16xi32>, vector<16xi1>
              %while3A_450 = arith.constant 0 : i32
              scf.yield %while3A_450 : i32
            }
          } else {
          }
          %reduce_max3A_385 = arith.constant true
          %reduce_max3A_386 = vector.broadcast %reduce_max3A_385 : i1 to vector<16xi1>
          %reduce_max3A_387 = arith.constant -2147483648 : i32
          %reduce_max3A_388 = vector.broadcast %reduce_max3A_387 : i32 to vector<16xi32>
          %reduce_max3A_389 = arith.xori %unique3A_211, %reduce_max3A_388 : vector<16xi32>
          %reduce_max3A_390 = tpu.scan <max>, %reduce_max3A_389 masked %reduce_max3A_386 : vector<16xi32>, vector<16xi1> -> vector<16xi32>
          %reduce_max3A_391 = arith.xori %reduce_max3A_390, %reduce_max3A_388 : vector<16xi32>
          %reduce_max3A_392 = vector.extract %reduce_max3A_391[15] : i32 from vector<16xi32>
          %gt3A_393 = arith.constant 1 : i32
          %gt3A_394 = arith.cmpi sgt, %reduce_max3A_392, %gt3A_393 : i32
          %convert_element_type3A_395 = arith.extui %gt3A_394 : i1 to i32
          %cond3A_396 = arith.constant 0 : i32
          %cond3A_397 = arith.cmpi ne, %convert_element_type3A_395, %cond3A_396 : i32
          scf.if %cond3A_397 {
            %while3A = arith.constant 1 : i32
            %while3A_424 = arith.constant 0 : i32
            %while3A_425 = arith.subi %reduce_max3A_392, %while3A : i32
            %while3A_426 = arith.addi %while3A, %while3A_425 : i32
            %while3A_427 = arith.constant 1 : i32
            %while3A_428 = arith.divsi %while3A_425, %while3A_427 : i32
            %while3A_429 = arith.muli %while3A_428, %while3A_427 : i32
            %while3A_430 = arith.addi %while3A, %while3A_429 : i32
            %while3A_431 = arith.constant 1 : i32
            %while3A_432 = scf.for %while3A_435 = %while3A to %while3A_430 step %while3A_431 iter_args(%while3A_436 = %while3A_424) -> (i32)  : i32 {
              %eq3A = vector.broadcast %while3A_435 : i32 to vector<16xi32>
              %eq3A_437 = arith.cmpi eq, %unique3A_211, %eq3A : vector<16xi32>
              %not3A = arith.constant dense<true> : vector<16xi1>
              %not3A_438 = arith.xori %unique3A_210, %not3A : vector<16xi1>
              %and3A_439 = arith.andi %eq3A_437, %not3A_438 : vector<16xi1>
              %gather3A_440 = tpu.vector_load_idx %arg8[%get3A_149] masked %and3A_439 : memref<10000xi32, #tpu.memory_space<vmem>>[vector<16xi32>], vector<16xi32>, vector<16xi1>
              %bitcast3A_441 = vector.bitcast %gather3A_440 : vector<16xi32> to vector<32xbf16>
              %bitcast3A_442 = vector.bitcast %gather3A_229 : vector<16xi32> to vector<32xbf16>
              %max3A_443 = arith.maximumf %bitcast3A_441, %bitcast3A_442 : vector<32xbf16>
              %bitcast3A_444 = vector.bitcast %max3A_443 : vector<32xbf16> to vector<16xi32>
              tpu.vector_store_idx %arg8[%get3A_149], %bitcast3A_444 masked %and3A_439 : memref<10000xi32, #tpu.memory_space<vmem>>[vector<16xi32>], vector<16xi32>, vector<16xi1>
              %gather3A_445 = tpu.vector_load_idx %arg9[%get3A_149] masked %and3A_439 : memref<10000xi32, #tpu.memory_space<vmem>>[vector<16xi32>], vector<16xi32>, vector<16xi1>
              %bitcast3A_446 = vector.bitcast %gather3A_445 : vector<16xi32> to vector<32xbf16>
              %bitcast3A_447 = vector.bitcast %gather3A_230 : vector<16xi32> to vector<32xbf16>
              %max3A_448 = arith.maximumf %bitcast3A_446, %bitcast3A_447 : vector<32xbf16>
              %bitcast3A_449 = vector.bitcast %max3A_448 : vector<32xbf16> to vector<16xi32>
              tpu.vector_store_idx %arg9[%get3A_149], %bitcast3A_449 masked %and3A_439 : memref<10000xi32, #tpu.memory_space<vmem>>[vector<16xi32>], vector<16xi32>, vector<16xi1>
              %while3A_450 = arith.constant 0 : i32
              scf.yield %while3A_450 : i32
            }
            %while3A_433 = arith.constant 1 : i32
            %while3A_434 = scf.for %while3A_435 = %while3A_430 to %while3A_426 step %while3A_433 iter_args(%while3A_436 = %while3A_432) -> (i32)  : i32 {
              %eq3A = vector.broadcast %while3A_435 : i32 to vector<16xi32>
              %eq3A_437 = arith.cmpi eq, %unique3A_211, %eq3A : vector<16xi32>
              %not3A = arith.constant dense<true> : vector<16xi1>
              %not3A_438 = arith.xori %unique3A_210, %not3A : vector<16xi1>
              %and3A_439 = arith.andi %eq3A_437, %not3A_438 : vector<16xi1>
              %gather3A_440 = tpu.vector_load_idx %arg8[%get3A_149] masked %and3A_439 : memref<10000xi32, #tpu.memory_space<vmem>>[vector<16xi32>], vector<16xi32>, vector<16xi1>
              %bitcast3A_441 = vector.bitcast %gather3A_440 : vector<16xi32> to vector<32xbf16>
              %bitcast3A_442 = vector.bitcast %gather3A_229 : vector<16xi32> to vector<32xbf16>
              %max3A_443 = arith.maximumf %bitcast3A_441, %bitcast3A_442 : vector<32xbf16>
              %bitcast3A_444 = vector.bitcast %max3A_443 : vector<32xbf16> to vector<16xi32>
              tpu.vector_store_idx %arg8[%get3A_149], %bitcast3A_444 masked %and3A_439 : memref<10000xi32, #tpu.memory_space<vmem>>[vector<16xi32>], vector<16xi32>, vector<16xi1>
              %gather3A_445 = tpu.vector_load_idx %arg9[%get3A_149] masked %and3A_439 : memref<10000xi32, #tpu.memory_space<vmem>>[vector<16xi32>], vector<16xi32>, vector<16xi1>
              %bitcast3A_446 = vector.bitcast %gather3A_445 : vector<16xi32> to vector<32xbf16>
              %bitcast3A_447 = vector.bitcast %gather3A_230 : vector<16xi32> to vector<32xbf16>
              %max3A_448 = arith.maximumf %bitcast3A_446, %bitcast3A_447 : vector<32xbf16>
              %bitcast3A_449 = vector.bitcast %max3A_448 : vector<32xbf16> to vector<16xi32>
              tpu.vector_store_idx %arg9[%get3A_149], %bitcast3A_449 masked %and3A_439 : memref<10000xi32, #tpu.memory_space<vmem>>[vector<16xi32>], vector<16xi32>, vector<16xi1>
              %while3A_450 = arith.constant 0 : i32
              scf.yield %while3A_450 : i32
            }
          } else {
          }
          %reduce_max3A_398 = arith.constant true
          %reduce_max3A_399 = vector.broadcast %reduce_max3A_398 : i1 to vector<16xi1>
          %reduce_max3A_400 = arith.constant -2147483648 : i32
          %reduce_max3A_401 = vector.broadcast %reduce_max3A_400 : i32 to vector<16xi32>
          %reduce_max3A_402 = arith.xori %unique3A_215, %reduce_max3A_401 : vector<16xi32>
          %reduce_max3A_403 = tpu.scan <max>, %reduce_max3A_402 masked %reduce_max3A_399 : vector<16xi32>, vector<16xi1> -> vector<16xi32>
          %reduce_max3A_404 = arith.xori %reduce_max3A_403, %reduce_max3A_401 : vector<16xi32>
          %reduce_max3A_405 = vector.extract %reduce_max3A_404[15] : i32 from vector<16xi32>
          %gt3A_406 = arith.constant 1 : i32
          %gt3A_407 = arith.cmpi sgt, %reduce_max3A_405, %gt3A_406 : i32
          %convert_element_type3A_408 = arith.extui %gt3A_407 : i1 to i32
          %cond3A_409 = arith.constant 0 : i32
          %cond3A_410 = arith.cmpi ne, %convert_element_type3A_408, %cond3A_409 : i32
          scf.if %cond3A_410 {
            %while3A = arith.constant 1 : i32
            %while3A_424 = arith.constant 0 : i32
            %while3A_425 = arith.subi %reduce_max3A_405, %while3A : i32
            %while3A_426 = arith.addi %while3A, %while3A_425 : i32
            %while3A_427 = arith.constant 1 : i32
            %while3A_428 = arith.divsi %while3A_425, %while3A_427 : i32
            %while3A_429 = arith.muli %while3A_428, %while3A_427 : i32
            %while3A_430 = arith.addi %while3A, %while3A_429 : i32
            %while3A_431 = arith.constant 1 : i32
            %while3A_432 = scf.for %while3A_435 = %while3A to %while3A_430 step %while3A_431 iter_args(%while3A_436 = %while3A_424) -> (i32)  : i32 {
              %eq3A = vector.broadcast %while3A_435 : i32 to vector<16xi32>
              %eq3A_437 = arith.cmpi eq, %unique3A_215, %eq3A : vector<16xi32>
              %not3A = arith.constant dense<true> : vector<16xi1>
              %not3A_438 = arith.xori %unique3A_214, %not3A : vector<16xi1>
              %and3A_439 = arith.andi %eq3A_437, %not3A_438 : vector<16xi1>
              %gather3A_440 = tpu.vector_load_idx %arg8[%get3A_153] masked %and3A_439 : memref<10000xi32, #tpu.memory_space<vmem>>[vector<16xi32>], vector<16xi32>, vector<16xi1>
              %bitcast3A_441 = vector.bitcast %gather3A_440 : vector<16xi32> to vector<32xbf16>
              %bitcast3A_442 = vector.bitcast %gather3A_231 : vector<16xi32> to vector<32xbf16>
              %max3A_443 = arith.maximumf %bitcast3A_441, %bitcast3A_442 : vector<32xbf16>
              %bitcast3A_444 = vector.bitcast %max3A_443 : vector<32xbf16> to vector<16xi32>
              tpu.vector_store_idx %arg8[%get3A_153], %bitcast3A_444 masked %and3A_439 : memref<10000xi32, #tpu.memory_space<vmem>>[vector<16xi32>], vector<16xi32>, vector<16xi1>
              %gather3A_445 = tpu.vector_load_idx %arg9[%get3A_153] masked %and3A_439 : memref<10000xi32, #tpu.memory_space<vmem>>[vector<16xi32>], vector<16xi32>, vector<16xi1>
              %bitcast3A_446 = vector.bitcast %gather3A_445 : vector<16xi32> to vector<32xbf16>
              %bitcast3A_447 = vector.bitcast %gather3A_232 : vector<16xi32> to vector<32xbf16>
              %max3A_448 = arith.maximumf %bitcast3A_446, %bitcast3A_447 : vector<32xbf16>
              %bitcast3A_449 = vector.bitcast %max3A_448 : vector<32xbf16> to vector<16xi32>
              tpu.vector_store_idx %arg9[%get3A_153], %bitcast3A_449 masked %and3A_439 : memref<10000xi32, #tpu.memory_space<vmem>>[vector<16xi32>], vector<16xi32>, vector<16xi1>
              %while3A_450 = arith.constant 0 : i32
              scf.yield %while3A_450 : i32
            }
            %while3A_433 = arith.constant 1 : i32
            %while3A_434 = scf.for %while3A_435 = %while3A_430 to %while3A_426 step %while3A_433 iter_args(%while3A_436 = %while3A_432) -> (i32)  : i32 {
              %eq3A = vector.broadcast %while3A_435 : i32 to vector<16xi32>
              %eq3A_437 = arith.cmpi eq, %unique3A_215, %eq3A : vector<16xi32>
              %not3A = arith.constant dense<true> : vector<16xi1>
              %not3A_438 = arith.xori %unique3A_214, %not3A : vector<16xi1>
              %and3A_439 = arith.andi %eq3A_437, %not3A_438 : vector<16xi1>
              %gather3A_440 = tpu.vector_load_idx %arg8[%get3A_153] masked %and3A_439 : memref<10000xi32, #tpu.memory_space<vmem>>[vector<16xi32>], vector<16xi32>, vector<16xi1>
              %bitcast3A_441 = vector.bitcast %gather3A_440 : vector<16xi32> to vector<32xbf16>
              %bitcast3A_442 = vector.bitcast %gather3A_231 : vector<16xi32> to vector<32xbf16>
              %max3A_443 = arith.maximumf %bitcast3A_441, %bitcast3A_442 : vector<32xbf16>
              %bitcast3A_444 = vector.bitcast %max3A_443 : vector<32xbf16> to vector<16xi32>
              tpu.vector_store_idx %arg8[%get3A_153], %bitcast3A_444 masked %and3A_439 : memref<10000xi32, #tpu.memory_space<vmem>>[vector<16xi32>], vector<16xi32>, vector<16xi1>
              %gather3A_445 = tpu.vector_load_idx %arg9[%get3A_153] masked %and3A_439 : memref<10000xi32, #tpu.memory_space<vmem>>[vector<16xi32>], vector<16xi32>, vector<16xi1>
              %bitcast3A_446 = vector.bitcast %gather3A_445 : vector<16xi32> to vector<32xbf16>
              %bitcast3A_447 = vector.bitcast %gather3A_232 : vector<16xi32> to vector<32xbf16>
              %max3A_448 = arith.maximumf %bitcast3A_446, %bitcast3A_447 : vector<32xbf16>
              %bitcast3A_449 = vector.bitcast %max3A_448 : vector<32xbf16> to vector<16xi32>
              tpu.vector_store_idx %arg9[%get3A_153], %bitcast3A_449 masked %and3A_439 : memref<10000xi32, #tpu.memory_space<vmem>>[vector<16xi32>], vector<16xi32>, vector<16xi1>
              %while3A_450 = arith.constant 0 : i32
              scf.yield %while3A_450 : i32
            }
          } else {
          }
          %reduce_max3A_411 = arith.constant true
          %reduce_max3A_412 = vector.broadcast %reduce_max3A_411 : i1 to vector<16xi1>
          %reduce_max3A_413 = arith.constant -2147483648 : i32
          %reduce_max3A_414 = vector.broadcast %reduce_max3A_413 : i32 to vector<16xi32>
          %reduce_max3A_415 = arith.xori %unique3A_219, %reduce_max3A_414 : vector<16xi32>
          %reduce_max3A_416 = tpu.scan <max>, %reduce_max3A_415 masked %reduce_max3A_412 : vector<16xi32>, vector<16xi1> -> vector<16xi32>
          %reduce_max3A_417 = arith.xori %reduce_max3A_416, %reduce_max3A_414 : vector<16xi32>
          %reduce_max3A_418 = vector.extract %reduce_max3A_417[15] : i32 from vector<16xi32>
          %gt3A_419 = arith.constant 1 : i32
          %gt3A_420 = arith.cmpi sgt, %reduce_max3A_418, %gt3A_419 : i32
          %convert_element_type3A_421 = arith.extui %gt3A_420 : i1 to i32
          %cond3A_422 = arith.constant 0 : i32
          %cond3A_423 = arith.cmpi ne, %convert_element_type3A_421, %cond3A_422 : i32
          scf.if %cond3A_423 {
            %while3A = arith.constant 1 : i32
            %while3A_424 = arith.constant 0 : i32
            %while3A_425 = arith.subi %reduce_max3A_418, %while3A : i32
            %while3A_426 = arith.addi %while3A, %while3A_425 : i32
            %while3A_427 = arith.constant 1 : i32
            %while3A_428 = arith.divsi %while3A_425, %while3A_427 : i32
            %while3A_429 = arith.muli %while3A_428, %while3A_427 : i32
            %while3A_430 = arith.addi %while3A, %while3A_429 : i32
            %while3A_431 = arith.constant 1 : i32
            %while3A_432 = scf.for %while3A_435 = %while3A to %while3A_430 step %while3A_431 iter_args(%while3A_436 = %while3A_424) -> (i32)  : i32 {
              %eq3A = vector.broadcast %while3A_435 : i32 to vector<16xi32>
              %eq3A_437 = arith.cmpi eq, %unique3A_219, %eq3A : vector<16xi32>
              %not3A = arith.constant dense<true> : vector<16xi1>
              %not3A_438 = arith.xori %unique3A_218, %not3A : vector<16xi1>
              %and3A_439 = arith.andi %eq3A_437, %not3A_438 : vector<16xi1>
              %gather3A_440 = tpu.vector_load_idx %arg8[%get3A_157] masked %and3A_439 : memref<10000xi32, #tpu.memory_space<vmem>>[vector<16xi32>], vector<16xi32>, vector<16xi1>
              %bitcast3A_441 = vector.bitcast %gather3A_440 : vector<16xi32> to vector<32xbf16>
              %bitcast3A_442 = vector.bitcast %gather3A_233 : vector<16xi32> to vector<32xbf16>
              %max3A_443 = arith.maximumf %bitcast3A_441, %bitcast3A_442 : vector<32xbf16>
              %bitcast3A_444 = vector.bitcast %max3A_443 : vector<32xbf16> to vector<16xi32>
              tpu.vector_store_idx %arg8[%get3A_157], %bitcast3A_444 masked %and3A_439 : memref<10000xi32, #tpu.memory_space<vmem>>[vector<16xi32>], vector<16xi32>, vector<16xi1>
              %gather3A_445 = tpu.vector_load_idx %arg9[%get3A_157] masked %and3A_439 : memref<10000xi32, #tpu.memory_space<vmem>>[vector<16xi32>], vector<16xi32>, vector<16xi1>
              %bitcast3A_446 = vector.bitcast %gather3A_445 : vector<16xi32> to vector<32xbf16>
              %bitcast3A_447 = vector.bitcast %gather3A_234 : vector<16xi32> to vector<32xbf16>
              %max3A_448 = arith.maximumf %bitcast3A_446, %bitcast3A_447 : vector<32xbf16>
              %bitcast3A_449 = vector.bitcast %max3A_448 : vector<32xbf16> to vector<16xi32>
              tpu.vector_store_idx %arg9[%get3A_157], %bitcast3A_449 masked %and3A_439 : memref<10000xi32, #tpu.memory_space<vmem>>[vector<16xi32>], vector<16xi32>, vector<16xi1>
              %while3A_450 = arith.constant 0 : i32
              scf.yield %while3A_450 : i32
            }
            %while3A_433 = arith.constant 1 : i32
            %while3A_434 = scf.for %while3A_435 = %while3A_430 to %while3A_426 step %while3A_433 iter_args(%while3A_436 = %while3A_432) -> (i32)  : i32 {
              %eq3A = vector.broadcast %while3A_435 : i32 to vector<16xi32>
              %eq3A_437 = arith.cmpi eq, %unique3A_219, %eq3A : vector<16xi32>
              %not3A = arith.constant dense<true> : vector<16xi1>
              %not3A_438 = arith.xori %unique3A_218, %not3A : vector<16xi1>
              %and3A_439 = arith.andi %eq3A_437, %not3A_438 : vector<16xi1>
              %gather3A_440 = tpu.vector_load_idx %arg8[%get3A_157] masked %and3A_439 : memref<10000xi32, #tpu.memory_space<vmem>>[vector<16xi32>], vector<16xi32>, vector<16xi1>
              %bitcast3A_441 = vector.bitcast %gather3A_440 : vector<16xi32> to vector<32xbf16>
              %bitcast3A_442 = vector.bitcast %gather3A_233 : vector<16xi32> to vector<32xbf16>
              %max3A_443 = arith.maximumf %bitcast3A_441, %bitcast3A_442 : vector<32xbf16>
              %bitcast3A_444 = vector.bitcast %max3A_443 : vector<32xbf16> to vector<16xi32>
              tpu.vector_store_idx %arg8[%get3A_157], %bitcast3A_444 masked %and3A_439 : memref<10000xi32, #tpu.memory_space<vmem>>[vector<16xi32>], vector<16xi32>, vector<16xi1>
              %gather3A_445 = tpu.vector_load_idx %arg9[%get3A_157] masked %and3A_439 : memref<10000xi32, #tpu.memory_space<vmem>>[vector<16xi32>], vector<16xi32>, vector<16xi1>
              %bitcast3A_446 = vector.bitcast %gather3A_445 : vector<16xi32> to vector<32xbf16>
              %bitcast3A_447 = vector.bitcast %gather3A_234 : vector<16xi32> to vector<32xbf16>
              %max3A_448 = arith.maximumf %bitcast3A_446, %bitcast3A_447 : vector<32xbf16>
              %bitcast3A_449 = vector.bitcast %max3A_448 : vector<32xbf16> to vector<16xi32>
              tpu.vector_store_idx %arg9[%get3A_157], %bitcast3A_449 masked %and3A_439 : memref<10000xi32, #tpu.memory_space<vmem>>[vector<16xi32>], vector<16xi32>, vector<16xi1>
              %while3A_450 = arith.constant 0 : i32
              scf.yield %while3A_450 : i32
            }
          } else {
          }
        } else {
        }
        %scan3A_321 = arith.constant 0 : i32
        scf.yield %scan3A_321 : i32
      }
      %scan3A_82 = arith.constant 25 : i32
      %add3A_83 = arith.constant 2 : i32
      %add3A_84 = arith.addi %mul3A_46, %add3A_83 : i32
      %min3A_85 = arith.constant 99 : i32
      %min3A_86 = arith.minsi %add3A_84, %min3A_85 : i32
      %mul3A_87 = arith.constant 3200 : i32
      %mul3A_88 = arith.muli %min3A_86, %mul3A_87 : i32
      %dma_start3A_89 = arith.constant 0 : i32
      %dma_start3A_90 = tpu.memref_slice %arg3[%dma_start3A_89, %mul3A_88] : memref<2x320000xi32, #tpu.memory_space<hbm>> -> memref<1x3200xi32, #tpu.memory_space<hbm>>
      %dma_start3A_91 = tpu.memref_squeeze %dma_start3A_90 : memref<1x3200xi32, #tpu.memory_space<hbm>> -> memref<3200xi32, #tpu.memory_space<hbm>>
      %dma_start3A_92 = tpu.memref_slice %arg3[%dma_start3A_89, %mul3A_88] : memref<2x320000xi32, #tpu.memory_space<hbm>> -> memref<1x3200xi32, #tpu.memory_space<hbm>>
      %dma_start3A_93 = tpu.memref_squeeze %dma_start3A_92 : memref<1x3200xi32, #tpu.memory_space<hbm>> -> memref<3200xi32, #tpu.memory_space<hbm>>
      tpu.enqueue_dma source(%dma_start3A_93 : memref<3200xi32, #tpu.memory_space<hbm>>) target(%arg10 : memref<3200xi32, #tpu.memory_space<vmem>>) target_semaphore(%arg14 : memref<!tpu.dma_semaphore, #tpu.memory_space<semaphore_mem>>)
      %dma_start3A_94 = arith.constant 1 : i32
      %dma_start3A_95 = tpu.memref_slice %arg3[%dma_start3A_94, %mul3A_88] : memref<2x320000xi32, #tpu.memory_space<hbm>> -> memref<1x3200xi32, #tpu.memory_space<hbm>>
      %dma_start3A_96 = tpu.memref_squeeze %dma_start3A_95 : memref<1x3200xi32, #tpu.memory_space<hbm>> -> memref<3200xi32, #tpu.memory_space<hbm>>
      %dma_start3A_97 = tpu.memref_slice %arg3[%dma_start3A_94, %mul3A_88] : memref<2x320000xi32, #tpu.memory_space<hbm>> -> memref<1x3200xi32, #tpu.memory_space<hbm>>
      %dma_start3A_98 = tpu.memref_squeeze %dma_start3A_97 : memref<1x3200xi32, #tpu.memory_space<hbm>> -> memref<3200xi32, #tpu.memory_space<hbm>>
      tpu.enqueue_dma source(%dma_start3A_98 : memref<3200xi32, #tpu.memory_space<hbm>>) target(%arg11 : memref<3200xi32, #tpu.memory_space<vmem>>) target_semaphore(%arg15 : memref<!tpu.dma_semaphore, #tpu.memory_space<semaphore_mem>>)
      %dma_wait3A_99 = arith.constant 0 : i32
      %dma_wait3A_100 = arith.constant 0 : i32
      %dma_wait3A_101 = tpu.memref_slice %arg3[%dma_wait3A_99, %dma_wait3A_100] : memref<2x320000xi32, #tpu.memory_space<hbm>> -> memref<1x3200xi32, #tpu.memory_space<hbm>>
      %dma_wait3A_102 = tpu.memref_squeeze %dma_wait3A_101 : memref<1x3200xi32, #tpu.memory_space<hbm>> -> memref<3200xi32, #tpu.memory_space<hbm>>
      %dma_wait3A_103 = arith.constant 0 : i32
      %dma_wait3A_104 = tpu.memref_slice %arg3[%dma_wait3A_99, %dma_wait3A_103] : memref<2x320000xi32, #tpu.memory_space<hbm>> -> memref<1x3200xi32, #tpu.memory_space<hbm>>
      %dma_wait3A_105 = tpu.memref_squeeze %dma_wait3A_104 : memref<1x3200xi32, #tpu.memory_space<hbm>> -> memref<3200xi32, #tpu.memory_space<hbm>>
      tpu.wait_dma2 semaphore(%arg16 : memref<!tpu.dma_semaphore, #tpu.memory_space<semaphore_mem>>) src(%dma_wait3A_105 : memref<3200xi32, #tpu.memory_space<hbm>>) dst(%arg12 : memref<3200xi32, #tpu.memory_space<vmem>>)
      %dma_wait3A_106 = arith.constant 1 : i32
      %dma_wait3A_107 = arith.constant 0 : i32
      %dma_wait3A_108 = tpu.memref_slice %arg3[%dma_wait3A_106, %dma_wait3A_107] : memref<2x320000xi32, #tpu.memory_space<hbm>> -> memref<1x3200xi32, #tpu.memory_space<hbm>>
      %dma_wait3A_109 = tpu.memref_squeeze %dma_wait3A_108 : memref<1x3200xi32, #tpu.memory_space<hbm>> -> memref<3200xi32, #tpu.memory_space<hbm>>
      %dma_wait3A_110 = arith.constant 0 : i32
      %dma_wait3A_111 = tpu.memref_slice %arg3[%dma_wait3A_106, %dma_wait3A_110] : memref<2x320000xi32, #tpu.memory_space<hbm>> -> memref<1x3200xi32, #tpu.memory_space<hbm>>
      %dma_wait3A_112 = tpu.memref_squeeze %dma_wait3A_111 : memref<1x3200xi32, #tpu.memory_space<hbm>> -> memref<3200xi32, #tpu.memory_space<hbm>>
      tpu.wait_dma2 semaphore(%arg17 : memref<!tpu.dma_semaphore, #tpu.memory_space<semaphore_mem>>) src(%dma_wait3A_112 : memref<3200xi32, #tpu.memory_space<hbm>>) dst(%arg13 : memref<3200xi32, #tpu.memory_space<vmem>>)
      %scan3A_113 = arith.constant 0 : i32
      %scan3A_114 = arith.constant 0 : i32
      %scan3A_115 = arith.constant 25 : i32
      %scan3A_116 = arith.addi %scan3A_114, %scan3A_115 : i32
      %scan3A_117 = arith.constant 1 : i32
      %scan3A_118 = scf.for %scan3A_121 = %scan3A_114 to %scan3A_116 step %scan3A_117 iter_args(%scan3A_122 = %scan3A_113) -> (i32)  : i32 {
        %mul3A_123 = arith.constant 8 : i32
        %mul3A_124 = arith.muli %scan3A_121, %mul3A_123 : i32
        %mul3A_125 = arith.constant 16 : i32
        %mul3A_126 = arith.muli %mul3A_124, %mul3A_125 : i32
        %add3A_127 = arith.constant 0 : i32
        %add3A_128 = arith.addi %mul3A_126, %add3A_127 : i32
        %get3A = arith.index_cast %add3A_128 : i32 to index
        %get3A_129 = tpu.vector_load %arg12[%get3A] {strides = array<i32>} : memref<3200xi32, #tpu.memory_space<vmem>>, vector<16xi32>,
        %add3A_130 = arith.constant 16 : i32
        %add3A_131 = arith.addi %mul3A_126, %add3A_130 : i32
        %get3A_132 = arith.index_cast %add3A_131 : i32 to index
        %get3A_133 = tpu.vector_load %arg12[%get3A_132] {strides = array<i32>} : memref<3200xi32, #tpu.memory_space<vmem>>, vector<16xi32>,
        %add3A_134 = arith.constant 32 : i32
        %add3A_135 = arith.addi %mul3A_126, %add3A_134 : i32
        %get3A_136 = arith.index_cast %add3A_135 : i32 to index
        %get3A_137 = tpu.vector_load %arg12[%get3A_136] {strides = array<i32>} : memref<3200xi32, #tpu.memory_space<vmem>>, vector<16xi32>,
        %add3A_138 = arith.constant 48 : i32
        %add3A_139 = arith.addi %mul3A_126, %add3A_138 : i32
        %get3A_140 = arith.index_cast %add3A_139 : i32 to index
        %get3A_141 = tpu.vector_load %arg12[%get3A_140] {strides = array<i32>} : memref<3200xi32, #tpu.memory_space<vmem>>, vector<16xi32>,
        %add3A_142 = arith.constant 64 : i32
        %add3A_143 = arith.addi %mul3A_126, %add3A_142 : i32
        %get3A_144 = arith.index_cast %add3A_143 : i32 to index
        %get3A_145 = tpu.vector_load %arg12[%get3A_144] {strides = array<i32>} : memref<3200xi32, #tpu.memory_space<vmem>>, vector<16xi32>,
        %add3A_146 = arith.constant 80 : i32
        %add3A_147 = arith.addi %mul3A_126, %add3A_146 : i32
        %get3A_148 = arith.index_cast %add3A_147 : i32 to index
        %get3A_149 = tpu.vector_load %arg12[%get3A_148] {strides = array<i32>} : memref<3200xi32, #tpu.memory_space<vmem>>, vector<16xi32>,
        %add3A_150 = arith.constant 96 : i32
        %add3A_151 = arith.addi %mul3A_126, %add3A_150 : i32
        %get3A_152 = arith.index_cast %add3A_151 : i32 to index
        %get3A_153 = tpu.vector_load %arg12[%get3A_152] {strides = array<i32>} : memref<3200xi32, #tpu.memory_space<vmem>>, vector<16xi32>,
        %add3A_154 = arith.constant 112 : i32
        %add3A_155 = arith.addi %mul3A_126, %add3A_154 : i32
        %get3A_156 = arith.index_cast %add3A_155 : i32 to index
        %get3A_157 = tpu.vector_load %arg12[%get3A_156] {strides = array<i32>} : memref<3200xi32, #tpu.memory_space<vmem>>, vector<16xi32>,
        %add3A_158 = arith.constant 0 : i32
        %add3A_159 = arith.addi %mul3A_126, %add3A_158 : i32
        %get3A_160 = arith.index_cast %add3A_159 : i32 to index
        %get3A_161 = tpu.vector_load %arg13[%get3A_160] {strides = array<i32>} : memref<3200xi32, #tpu.memory_space<vmem>>, vector<16xi32>,
        %add3A_162 = arith.constant 16 : i32
        %add3A_163 = arith.addi %mul3A_126, %add3A_162 : i32
        %get3A_164 = arith.index_cast %add3A_163 : i32 to index
        %get3A_165 = tpu.vector_load %arg13[%get3A_164] {strides = array<i32>} : memref<3200xi32, #tpu.memory_space<vmem>>, vector<16xi32>,
        %add3A_166 = arith.constant 32 : i32
        %add3A_167 = arith.addi %mul3A_126, %add3A_166 : i32
        %get3A_168 = arith.index_cast %add3A_167 : i32 to index
        %get3A_169 = tpu.vector_load %arg13[%get3A_168] {strides = array<i32>} : memref<3200xi32, #tpu.memory_space<vmem>>, vector<16xi32>,
        %add3A_170 = arith.constant 48 : i32
        %add3A_171 = arith.addi %mul3A_126, %add3A_170 : i32
        %get3A_172 = arith.index_cast %add3A_171 : i32 to index
        %get3A_173 = tpu.vector_load %arg13[%get3A_172] {strides = array<i32>} : memref<3200xi32, #tpu.memory_space<vmem>>, vector<16xi32>,
        %add3A_174 = arith.constant 64 : i32
        %add3A_175 = arith.addi %mul3A_126, %add3A_174 : i32
        %get3A_176 = arith.index_cast %add3A_175 : i32 to index
        %get3A_177 = tpu.vector_load %arg13[%get3A_176] {strides = array<i32>} : memref<3200xi32, #tpu.memory_space<vmem>>, vector<16xi32>,
        %add3A_178 = arith.constant 80 : i32
        %add3A_179 = arith.addi %mul3A_126, %add3A_178 : i32
        %get3A_180 = arith.index_cast %add3A_179 : i32 to index
        %get3A_181 = tpu.vector_load %arg13[%get3A_180] {strides = array<i32>} : memref<3200xi32, #tpu.memory_space<vmem>>, vector<16xi32>,
        %add3A_182 = arith.constant 96 : i32
        %add3A_183 = arith.addi %mul3A_126, %add3A_182 : i32
        %get3A_184 = arith.index_cast %add3A_183 : i32 to index
        %get3A_185 = tpu.vector_load %arg13[%get3A_184] {strides = array<i32>} : memref<3200xi32, #tpu.memory_space<vmem>>, vector<16xi32>,
        %add3A_186 = arith.constant 112 : i32
        %add3A_187 = arith.addi %mul3A_126, %add3A_186 : i32
        %get3A_188 = arith.index_cast %add3A_187 : i32 to index
        %get3A_189 = tpu.vector_load %arg13[%get3A_188] {strides = array<i32>} : memref<3200xi32, #tpu.memory_space<vmem>>, vector<16xi32>,
        %broadcast_in_dim3A = arith.constant true
        %broadcast_in_dim3A_190 = vector.broadcast %broadcast_in_dim3A : i1 to vector<16xi1>
        %unique3A, %unique3A_191 = tpu.scan_count mask(%broadcast_in_dim3A_190 : vector<16xi1>) value(%get3A_129 : vector<16xi32>) : vector<16xi1>, vector<16xi32>
        %broadcast_in_dim3A_192 = arith.constant true
        %broadcast_in_dim3A_193 = vector.broadcast %broadcast_in_dim3A_192 : i1 to vector<16xi1>
        %unique3A_194, %unique3A_195 = tpu.scan_count mask(%broadcast_in_dim3A_193 : vector<16xi1>) value(%get3A_133 : vector<16xi32>) : vector<16xi1>, vector<16xi32>
        %broadcast_in_dim3A_196 = arith.constant true
        %broadcast_in_dim3A_197 = vector.broadcast %broadcast_in_dim3A_196 : i1 to vector<16xi1>
        %unique3A_198, %unique3A_199 = tpu.scan_count mask(%broadcast_in_dim3A_197 : vector<16xi1>) value(%get3A_137 : vector<16xi32>) : vector<16xi1>, vector<16xi32>
        %broadcast_in_dim3A_200 = arith.constant true
        %broadcast_in_dim3A_201 = vector.broadcast %broadcast_in_dim3A_200 : i1 to vector<16xi1>
        %unique3A_202, %unique3A_203 = tpu.scan_count mask(%broadcast_in_dim3A_201 : vector<16xi1>) value(%get3A_141 : vector<16xi32>) : vector<16xi1>, vector<16xi32>
        %broadcast_in_dim3A_204 = arith.constant true
        %broadcast_in_dim3A_205 = vector.broadcast %broadcast_in_dim3A_204 : i1 to vector<16xi1>
        %unique3A_206, %unique3A_207 = tpu.scan_count mask(%broadcast_in_dim3A_205 : vector<16xi1>) value(%get3A_145 : vector<16xi32>) : vector<16xi1>, vector<16xi32>
        %broadcast_in_dim3A_208 = arith.constant true
        %broadcast_in_dim3A_209 = vector.broadcast %broadcast_in_dim3A_208 : i1 to vector<16xi1>
        %unique3A_210, %unique3A_211 = tpu.scan_count mask(%broadcast_in_dim3A_209 : vector<16xi1>) value(%get3A_149 : vector<16xi32>) : vector<16xi1>, vector<16xi32>
        %broadcast_in_dim3A_212 = arith.constant true
        %broadcast_in_dim3A_213 = vector.broadcast %broadcast_in_dim3A_212 : i1 to vector<16xi1>
        %unique3A_214, %unique3A_215 = tpu.scan_count mask(%broadcast_in_dim3A_213 : vector<16xi1>) value(%get3A_153 : vector<16xi32>) : vector<16xi1>, vector<16xi32>
        %broadcast_in_dim3A_216 = arith.constant true
        %broadcast_in_dim3A_217 = vector.broadcast %broadcast_in_dim3A_216 : i1 to vector<16xi1>
        %unique3A_218, %unique3A_219 = tpu.scan_count mask(%broadcast_in_dim3A_217 : vector<16xi1>) value(%get3A_157 : vector<16xi32>) : vector<16xi1>, vector<16xi32>
        %gather3A = tpu.vector_load_idx %arg6[%get3A_161] : memref<10000xi32, #tpu.memory_space<vmem>>[vector<16xi32>], vector<16xi32>,
        %gather3A_220 = tpu.vector_load_idx %arg7[%get3A_161] : memref<10000xi32, #tpu.memory_space<vmem>>[vector<16xi32>], vector<16xi32>,
        %gather3A_221 = tpu.vector_load_idx %arg6[%get3A_165] : memref<10000xi32, #tpu.memory_space<vmem>>[vector<16xi32>], vector<16xi32>,
        %gather3A_222 = tpu.vector_load_idx %arg7[%get3A_165] : memref<10000xi32, #tpu.memory_space<vmem>>[vector<16xi32>], vector<16xi32>,
        %gather3A_223 = tpu.vector_load_idx %arg6[%get3A_169] : memref<10000xi32, #tpu.memory_space<vmem>>[vector<16xi32>], vector<16xi32>,
        %gather3A_224 = tpu.vector_load_idx %arg7[%get3A_169] : memref<10000xi32, #tpu.memory_space<vmem>>[vector<16xi32>], vector<16xi32>,
        %gather3A_225 = tpu.vector_load_idx %arg6[%get3A_173] : memref<10000xi32, #tpu.memory_space<vmem>>[vector<16xi32>], vector<16xi32>,
        %gather3A_226 = tpu.vector_load_idx %arg7[%get3A_173] : memref<10000xi32, #tpu.memory_space<vmem>>[vector<16xi32>], vector<16xi32>,
        %gather3A_227 = tpu.vector_load_idx %arg6[%get3A_177] : memref<10000xi32, #tpu.memory_space<vmem>>[vector<16xi32>], vector<16xi32>,
        %gather3A_228 = tpu.vector_load_idx %arg7[%get3A_177] : memref<10000xi32, #tpu.memory_space<vmem>>[vector<16xi32>], vector<16xi32>,
        %gather3A_229 = tpu.vector_load_idx %arg6[%get3A_181] : memref<10000xi32, #tpu.memory_space<vmem>>[vector<16xi32>], vector<16xi32>,
        %gather3A_230 = tpu.vector_load_idx %arg7[%get3A_181] : memref<10000xi32, #tpu.memory_space<vmem>>[vector<16xi32>], vector<16xi32>,
        %gather3A_231 = tpu.vector_load_idx %arg6[%get3A_185] : memref<10000xi32, #tpu.memory_space<vmem>>[vector<16xi32>], vector<16xi32>,
        %gather3A_232 = tpu.vector_load_idx %arg7[%get3A_185] : memref<10000xi32, #tpu.memory_space<vmem>>[vector<16xi32>], vector<16xi32>,
        %gather3A_233 = tpu.vector_load_idx %arg6[%get3A_189] : memref<10000xi32, #tpu.memory_space<vmem>>[vector<16xi32>], vector<16xi32>,
        %gather3A_234 = tpu.vector_load_idx %arg7[%get3A_189] : memref<10000xi32, #tpu.memory_space<vmem>>[vector<16xi32>], vector<16xi32>,
        %gather3A_235 = tpu.vector_load_idx %arg8[%get3A_129] : memref<10000xi32, #tpu.memory_space<vmem>>[vector<16xi32>], vector<16xi32>,
        %gather3A_236 = tpu.vector_load_idx %arg9[%get3A_129] : memref<10000xi32, #tpu.memory_space<vmem>>[vector<16xi32>], vector<16xi32>,
        %bitcast3A = vector.bitcast %gather3A_235 : vector<16xi32> to vector<32xbf16>
        %bitcast3A_237 = vector.bitcast %gather3A : vector<16xi32> to vector<32xbf16>
        %max3A = arith.maximumf %bitcast3A, %bitcast3A_237 : vector<32xbf16>
        %bitcast3A_238 = vector.bitcast %max3A : vector<32xbf16> to vector<16xi32>
        tpu.vector_store_idx %arg8[%get3A_129], %bitcast3A_238 masked %unique3A : memref<10000xi32, #tpu.memory_space<vmem>>[vector<16xi32>], vector<16xi32>, vector<16xi1>
        %bitcast3A_239 = vector.bitcast %gather3A_236 : vector<16xi32> to vector<32xbf16>
        %bitcast3A_240 = vector.bitcast %gather3A_220 : vector<16xi32> to vector<32xbf16>
        %max3A_241 = arith.maximumf %bitcast3A_239, %bitcast3A_240 : vector<32xbf16>
        %bitcast3A_242 = vector.bitcast %max3A_241 : vector<32xbf16> to vector<16xi32>
        tpu.vector_store_idx %arg9[%get3A_129], %bitcast3A_242 masked %unique3A : memref<10000xi32, #tpu.memory_space<vmem>>[vector<16xi32>], vector<16xi32>, vector<16xi1>
        %gather3A_243 = tpu.vector_load_idx %arg8[%get3A_133] : memref<10000xi32, #tpu.memory_space<vmem>>[vector<16xi32>], vector<16xi32>,
        %gather3A_244 = tpu.vector_load_idx %arg9[%get3A_133] : memref<10000xi32, #tpu.memory_space<vmem>>[vector<16xi32>], vector<16xi32>,
        %bitcast3A_245 = vector.bitcast %gather3A_243 : vector<16xi32> to vector<32xbf16>
        %bitcast3A_246 = vector.bitcast %gather3A_221 : vector<16xi32> to vector<32xbf16>
        %max3A_247 = arith.maximumf %bitcast3A_245, %bitcast3A_246 : vector<32xbf16>
        %bitcast3A_248 = vector.bitcast %max3A_247 : vector<32xbf16> to vector<16xi32>
        tpu.vector_store_idx %arg8[%get3A_133], %bitcast3A_248 masked %unique3A_194 : memref<10000xi32, #tpu.memory_space<vmem>>[vector<16xi32>], vector<16xi32>, vector<16xi1>
        %bitcast3A_249 = vector.bitcast %gather3A_244 : vector<16xi32> to vector<32xbf16>
        %bitcast3A_250 = vector.bitcast %gather3A_222 : vector<16xi32> to vector<32xbf16>
        %max3A_251 = arith.maximumf %bitcast3A_249, %bitcast3A_250 : vector<32xbf16>
        %bitcast3A_252 = vector.bitcast %max3A_251 : vector<32xbf16> to vector<16xi32>
        tpu.vector_store_idx %arg9[%get3A_133], %bitcast3A_252 masked %unique3A_194 : memref<10000xi32, #tpu.memory_space<vmem>>[vector<16xi32>], vector<16xi32>, vector<16xi1>
        %gather3A_253 = tpu.vector_load_idx %arg8[%get3A_137] : memref<10000xi32, #tpu.memory_space<vmem>>[vector<16xi32>], vector<16xi32>,
        %gather3A_254 = tpu.vector_load_idx %arg9[%get3A_137] : memref<10000xi32, #tpu.memory_space<vmem>>[vector<16xi32>], vector<16xi32>,
        %bitcast3A_255 = vector.bitcast %gather3A_253 : vector<16xi32> to vector<32xbf16>
        %bitcast3A_256 = vector.bitcast %gather3A_223 : vector<16xi32> to vector<32xbf16>
        %max3A_257 = arith.maximumf %bitcast3A_255, %bitcast3A_256 : vector<32xbf16>
        %bitcast3A_258 = vector.bitcast %max3A_257 : vector<32xbf16> to vector<16xi32>
        tpu.vector_store_idx %arg8[%get3A_137], %bitcast3A_258 masked %unique3A_198 : memref<10000xi32, #tpu.memory_space<vmem>>[vector<16xi32>], vector<16xi32>, vector<16xi1>
        %bitcast3A_259 = vector.bitcast %gather3A_254 : vector<16xi32> to vector<32xbf16>
        %bitcast3A_260 = vector.bitcast %gather3A_224 : vector<16xi32> to vector<32xbf16>
        %max3A_261 = arith.maximumf %bitcast3A_259, %bitcast3A_260 : vector<32xbf16>
        %bitcast3A_262 = vector.bitcast %max3A_261 : vector<32xbf16> to vector<16xi32>
        tpu.vector_store_idx %arg9[%get3A_137], %bitcast3A_262 masked %unique3A_198 : memref<10000xi32, #tpu.memory_space<vmem>>[vector<16xi32>], vector<16xi32>, vector<16xi1>
        %gather3A_263 = tpu.vector_load_idx %arg8[%get3A_141] : memref<10000xi32, #tpu.memory_space<vmem>>[vector<16xi32>], vector<16xi32>,
        %gather3A_264 = tpu.vector_load_idx %arg9[%get3A_141] : memref<10000xi32, #tpu.memory_space<vmem>>[vector<16xi32>], vector<16xi32>,
        %bitcast3A_265 = vector.bitcast %gather3A_263 : vector<16xi32> to vector<32xbf16>
        %bitcast3A_266 = vector.bitcast %gather3A_225 : vector<16xi32> to vector<32xbf16>
        %max3A_267 = arith.maximumf %bitcast3A_265, %bitcast3A_266 : vector<32xbf16>
        %bitcast3A_268 = vector.bitcast %max3A_267 : vector<32xbf16> to vector<16xi32>
        tpu.vector_store_idx %arg8[%get3A_141], %bitcast3A_268 masked %unique3A_202 : memref<10000xi32, #tpu.memory_space<vmem>>[vector<16xi32>], vector<16xi32>, vector<16xi1>
        %bitcast3A_269 = vector.bitcast %gather3A_264 : vector<16xi32> to vector<32xbf16>
        %bitcast3A_270 = vector.bitcast %gather3A_226 : vector<16xi32> to vector<32xbf16>
        %max3A_271 = arith.maximumf %bitcast3A_269, %bitcast3A_270 : vector<32xbf16>
        %bitcast3A_272 = vector.bitcast %max3A_271 : vector<32xbf16> to vector<16xi32>
        tpu.vector_store_idx %arg9[%get3A_141], %bitcast3A_272 masked %unique3A_202 : memref<10000xi32, #tpu.memory_space<vmem>>[vector<16xi32>], vector<16xi32>, vector<16xi1>
        %gather3A_273 = tpu.vector_load_idx %arg8[%get3A_145] : memref<10000xi32, #tpu.memory_space<vmem>>[vector<16xi32>], vector<16xi32>,
        %gather3A_274 = tpu.vector_load_idx %arg9[%get3A_145] : memref<10000xi32, #tpu.memory_space<vmem>>[vector<16xi32>], vector<16xi32>,
        %bitcast3A_275 = vector.bitcast %gather3A_273 : vector<16xi32> to vector<32xbf16>
        %bitcast3A_276 = vector.bitcast %gather3A_227 : vector<16xi32> to vector<32xbf16>
        %max3A_277 = arith.maximumf %bitcast3A_275, %bitcast3A_276 : vector<32xbf16>
        %bitcast3A_278 = vector.bitcast %max3A_277 : vector<32xbf16> to vector<16xi32>
        tpu.vector_store_idx %arg8[%get3A_145], %bitcast3A_278 masked %unique3A_206 : memref<10000xi32, #tpu.memory_space<vmem>>[vector<16xi32>], vector<16xi32>, vector<16xi1>
        %bitcast3A_279 = vector.bitcast %gather3A_274 : vector<16xi32> to vector<32xbf16>
        %bitcast3A_280 = vector.bitcast %gather3A_228 : vector<16xi32> to vector<32xbf16>
        %max3A_281 = arith.maximumf %bitcast3A_279, %bitcast3A_280 : vector<32xbf16>
        %bitcast3A_282 = vector.bitcast %max3A_281 : vector<32xbf16> to vector<16xi32>
        tpu.vector_store_idx %arg9[%get3A_145], %bitcast3A_282 masked %unique3A_206 : memref<10000xi32, #tpu.memory_space<vmem>>[vector<16xi32>], vector<16xi32>, vector<16xi1>
        %gather3A_283 = tpu.vector_load_idx %arg8[%get3A_149] : memref<10000xi32, #tpu.memory_space<vmem>>[vector<16xi32>], vector<16xi32>,
        %gather3A_284 = tpu.vector_load_idx %arg9[%get3A_149] : memref<10000xi32, #tpu.memory_space<vmem>>[vector<16xi32>], vector<16xi32>,
        %bitcast3A_285 = vector.bitcast %gather3A_283 : vector<16xi32> to vector<32xbf16>
        %bitcast3A_286 = vector.bitcast %gather3A_229 : vector<16xi32> to vector<32xbf16>
        %max3A_287 = arith.maximumf %bitcast3A_285, %bitcast3A_286 : vector<32xbf16>
        %bitcast3A_288 = vector.bitcast %max3A_287 : vector<32xbf16> to vector<16xi32>
        tpu.vector_store_idx %arg8[%get3A_149], %bitcast3A_288 masked %unique3A_210 : memref<10000xi32, #tpu.memory_space<vmem>>[vector<16xi32>], vector<16xi32>, vector<16xi1>
        %bitcast3A_289 = vector.bitcast %gather3A_284 : vector<16xi32> to vector<32xbf16>
        %bitcast3A_290 = vector.bitcast %gather3A_230 : vector<16xi32> to vector<32xbf16>
        %max3A_291 = arith.maximumf %bitcast3A_289, %bitcast3A_290 : vector<32xbf16>
        %bitcast3A_292 = vector.bitcast %max3A_291 : vector<32xbf16> to vector<16xi32>
        tpu.vector_store_idx %arg9[%get3A_149], %bitcast3A_292 masked %unique3A_210 : memref<10000xi32, #tpu.memory_space<vmem>>[vector<16xi32>], vector<16xi32>, vector<16xi1>
        %gather3A_293 = tpu.vector_load_idx %arg8[%get3A_153] : memref<10000xi32, #tpu.memory_space<vmem>>[vector<16xi32>], vector<16xi32>,
        %gather3A_294 = tpu.vector_load_idx %arg9[%get3A_153] : memref<10000xi32, #tpu.memory_space<vmem>>[vector<16xi32>], vector<16xi32>,
        %bitcast3A_295 = vector.bitcast %gather3A_293 : vector<16xi32> to vector<32xbf16>
        %bitcast3A_296 = vector.bitcast %gather3A_231 : vector<16xi32> to vector<32xbf16>
        %max3A_297 = arith.maximumf %bitcast3A_295, %bitcast3A_296 : vector<32xbf16>
        %bitcast3A_298 = vector.bitcast %max3A_297 : vector<32xbf16> to vector<16xi32>
        tpu.vector_store_idx %arg8[%get3A_153], %bitcast3A_298 masked %unique3A_214 : memref<10000xi32, #tpu.memory_space<vmem>>[vector<16xi32>], vector<16xi32>, vector<16xi1>
        %bitcast3A_299 = vector.bitcast %gather3A_294 : vector<16xi32> to vector<32xbf16>
        %bitcast3A_300 = vector.bitcast %gather3A_232 : vector<16xi32> to vector<32xbf16>
        %max3A_301 = arith.maximumf %bitcast3A_299, %bitcast3A_300 : vector<32xbf16>
        %bitcast3A_302 = vector.bitcast %max3A_301 : vector<32xbf16> to vector<16xi32>
        tpu.vector_store_idx %arg9[%get3A_153], %bitcast3A_302 masked %unique3A_214 : memref<10000xi32, #tpu.memory_space<vmem>>[vector<16xi32>], vector<16xi32>, vector<16xi1>
        %gather3A_303 = tpu.vector_load_idx %arg8[%get3A_157] : memref<10000xi32, #tpu.memory_space<vmem>>[vector<16xi32>], vector<16xi32>,
        %gather3A_304 = tpu.vector_load_idx %arg9[%get3A_157] : memref<10000xi32, #tpu.memory_space<vmem>>[vector<16xi32>], vector<16xi32>,
        %bitcast3A_305 = vector.bitcast %gather3A_303 : vector<16xi32> to vector<32xbf16>
        %bitcast3A_306 = vector.bitcast %gather3A_233 : vector<16xi32> to vector<32xbf16>
        %max3A_307 = arith.maximumf %bitcast3A_305, %bitcast3A_306 : vector<32xbf16>
        %bitcast3A_308 = vector.bitcast %max3A_307 : vector<32xbf16> to vector<16xi32>
        tpu.vector_store_idx %arg8[%get3A_157], %bitcast3A_308 masked %unique3A_218 : memref<10000xi32, #tpu.memory_space<vmem>>[vector<16xi32>], vector<16xi32>, vector<16xi1>
        %bitcast3A_309 = vector.bitcast %gather3A_304 : vector<16xi32> to vector<32xbf16>
        %bitcast3A_310 = vector.bitcast %gather3A_234 : vector<16xi32> to vector<32xbf16>
        %max3A_311 = arith.maximumf %bitcast3A_309, %bitcast3A_310 : vector<32xbf16>
        %bitcast3A_312 = vector.bitcast %max3A_311 : vector<32xbf16> to vector<16xi32>
        tpu.vector_store_idx %arg9[%get3A_157], %bitcast3A_312 masked %unique3A_218 : memref<10000xi32, #tpu.memory_space<vmem>>[vector<16xi32>], vector<16xi32>, vector<16xi1>
        %and3A = arith.andi %unique3A, %unique3A_194 : vector<16xi1>
        %and3A_313 = arith.andi %and3A, %unique3A_198 : vector<16xi1>
        %and3A_314 = arith.andi %and3A_313, %unique3A_202 : vector<16xi1>
        %and3A_315 = arith.andi %and3A_314, %unique3A_206 : vector<16xi1>
        %and3A_316 = arith.andi %and3A_315, %unique3A_210 : vector<16xi1>
        %and3A_317 = arith.andi %and3A_316, %unique3A_214 : vector<16xi1>
        %and3A_318 = arith.andi %and3A_317, %unique3A_218 : vector<16xi1>
        %all_reduce_population_count3A = tpu.all_reduce %and3A_318 {dim = 0 : i64, kind = #tpu.reduction_kind<sum>} : vector<16xi1> -> vector<16xi32>
        %slice3A = vector.extract_strided_slice %all_reduce_population_count3A {offsets = [0], sizes = [1], strides = [1]} : vector<16xi32> to vector<1xi32>
        %squeeze3A = vector.extract %slice3A[0] : i32 from vector<1xi32>
        %lt3A = arith.constant 16 : i32
        %lt3A_319 = arith.cmpi slt, %squeeze3A, %lt3A : i32
        %convert_element_type3A = arith.extui %lt3A_319 : i1 to i32
        %cond3A = arith.constant 0 : i32
        %cond3A_320 = arith.cmpi ne, %convert_element_type3A, %cond3A : i32
        scf.if %cond3A_320 {
          %reduce_max3A = arith.constant true
          %reduce_max3A_322 = vector.broadcast %reduce_max3A : i1 to vector<16xi1>
          %reduce_max3A_323 = arith.constant -2147483648 : i32
          %reduce_max3A_324 = vector.broadcast %reduce_max3A_323 : i32 to vector<16xi32>
          %reduce_max3A_325 = arith.xori %unique3A_191, %reduce_max3A_324 : vector<16xi32>
          %reduce_max3A_326 = tpu.scan <max>, %reduce_max3A_325 masked %reduce_max3A_322 : vector<16xi32>, vector<16xi1> -> vector<16xi32>
          %reduce_max3A_327 = arith.xori %reduce_max3A_326, %reduce_max3A_324 : vector<16xi32>
          %reduce_max3A_328 = vector.extract %reduce_max3A_327[15] : i32 from vector<16xi32>
          %gt3A = arith.constant 1 : i32
          %gt3A_329 = arith.cmpi sgt, %reduce_max3A_328, %gt3A : i32
          %convert_element_type3A_330 = arith.extui %gt3A_329 : i1 to i32
          %cond3A_331 = arith.constant 0 : i32
          %cond3A_332 = arith.cmpi ne, %convert_element_type3A_330, %cond3A_331 : i32
          scf.if %cond3A_332 {
            %while3A = arith.constant 1 : i32
            %while3A_424 = arith.constant 0 : i32
            %while3A_425 = arith.subi %reduce_max3A_328, %while3A : i32
            %while3A_426 = arith.addi %while3A, %while3A_425 : i32
            %while3A_427 = arith.constant 1 : i32
            %while3A_428 = arith.divsi %while3A_425, %while3A_427 : i32
            %while3A_429 = arith.muli %while3A_428, %while3A_427 : i32
            %while3A_430 = arith.addi %while3A, %while3A_429 : i32
            %while3A_431 = arith.constant 1 : i32
            %while3A_432 = scf.for %while3A_435 = %while3A to %while3A_430 step %while3A_431 iter_args(%while3A_436 = %while3A_424) -> (i32)  : i32 {
              %eq3A = vector.broadcast %while3A_435 : i32 to vector<16xi32>
              %eq3A_437 = arith.cmpi eq, %unique3A_191, %eq3A : vector<16xi32>
              %not3A = arith.constant dense<true> : vector<16xi1>
              %not3A_438 = arith.xori %unique3A, %not3A : vector<16xi1>
              %and3A_439 = arith.andi %eq3A_437, %not3A_438 : vector<16xi1>
              %gather3A_440 = tpu.vector_load_idx %arg8[%get3A_129] masked %and3A_439 : memref<10000xi32, #tpu.memory_space<vmem>>[vector<16xi32>], vector<16xi32>, vector<16xi1>
              %bitcast3A_441 = vector.bitcast %gather3A_440 : vector<16xi32> to vector<32xbf16>
              %bitcast3A_442 = vector.bitcast %gather3A : vector<16xi32> to vector<32xbf16>
              %max3A_443 = arith.maximumf %bitcast3A_441, %bitcast3A_442 : vector<32xbf16>
              %bitcast3A_444 = vector.bitcast %max3A_443 : vector<32xbf16> to vector<16xi32>
              tpu.vector_store_idx %arg8[%get3A_129], %bitcast3A_444 masked %and3A_439 : memref<10000xi32, #tpu.memory_space<vmem>>[vector<16xi32>], vector<16xi32>, vector<16xi1>
              %gather3A_445 = tpu.vector_load_idx %arg9[%get3A_129] masked %and3A_439 : memref<10000xi32, #tpu.memory_space<vmem>>[vector<16xi32>], vector<16xi32>, vector<16xi1>
              %bitcast3A_446 = vector.bitcast %gather3A_445 : vector<16xi32> to vector<32xbf16>
              %bitcast3A_447 = vector.bitcast %gather3A_220 : vector<16xi32> to vector<32xbf16>
              %max3A_448 = arith.maximumf %bitcast3A_446, %bitcast3A_447 : vector<32xbf16>
              %bitcast3A_449 = vector.bitcast %max3A_448 : vector<32xbf16> to vector<16xi32>
              tpu.vector_store_idx %arg9[%get3A_129], %bitcast3A_449 masked %and3A_439 : memref<10000xi32, #tpu.memory_space<vmem>>[vector<16xi32>], vector<16xi32>, vector<16xi1>
              %while3A_450 = arith.constant 0 : i32
              scf.yield %while3A_450 : i32
            }
            %while3A_433 = arith.constant 1 : i32
            %while3A_434 = scf.for %while3A_435 = %while3A_430 to %while3A_426 step %while3A_433 iter_args(%while3A_436 = %while3A_432) -> (i32)  : i32 {
              %eq3A = vector.broadcast %while3A_435 : i32 to vector<16xi32>
              %eq3A_437 = arith.cmpi eq, %unique3A_191, %eq3A : vector<16xi32>
              %not3A = arith.constant dense<true> : vector<16xi1>
              %not3A_438 = arith.xori %unique3A, %not3A : vector<16xi1>
              %and3A_439 = arith.andi %eq3A_437, %not3A_438 : vector<16xi1>
              %gather3A_440 = tpu.vector_load_idx %arg8[%get3A_129] masked %and3A_439 : memref<10000xi32, #tpu.memory_space<vmem>>[vector<16xi32>], vector<16xi32>, vector<16xi1>
              %bitcast3A_441 = vector.bitcast %gather3A_440 : vector<16xi32> to vector<32xbf16>
              %bitcast3A_442 = vector.bitcast %gather3A : vector<16xi32> to vector<32xbf16>
              %max3A_443 = arith.maximumf %bitcast3A_441, %bitcast3A_442 : vector<32xbf16>
              %bitcast3A_444 = vector.bitcast %max3A_443 : vector<32xbf16> to vector<16xi32>
              tpu.vector_store_idx %arg8[%get3A_129], %bitcast3A_444 masked %and3A_439 : memref<10000xi32, #tpu.memory_space<vmem>>[vector<16xi32>], vector<16xi32>, vector<16xi1>
              %gather3A_445 = tpu.vector_load_idx %arg9[%get3A_129] masked %and3A_439 : memref<10000xi32, #tpu.memory_space<vmem>>[vector<16xi32>], vector<16xi32>, vector<16xi1>
              %bitcast3A_446 = vector.bitcast %gather3A_445 : vector<16xi32> to vector<32xbf16>
              %bitcast3A_447 = vector.bitcast %gather3A_220 : vector<16xi32> to vector<32xbf16>
              %max3A_448 = arith.maximumf %bitcast3A_446, %bitcast3A_447 : vector<32xbf16>
              %bitcast3A_449 = vector.bitcast %max3A_448 : vector<32xbf16> to vector<16xi32>
              tpu.vector_store_idx %arg9[%get3A_129], %bitcast3A_449 masked %and3A_439 : memref<10000xi32, #tpu.memory_space<vmem>>[vector<16xi32>], vector<16xi32>, vector<16xi1>
              %while3A_450 = arith.constant 0 : i32
              scf.yield %while3A_450 : i32
            }
          } else {
          }
          %reduce_max3A_333 = arith.constant true
          %reduce_max3A_334 = vector.broadcast %reduce_max3A_333 : i1 to vector<16xi1>
          %reduce_max3A_335 = arith.constant -2147483648 : i32
          %reduce_max3A_336 = vector.broadcast %reduce_max3A_335 : i32 to vector<16xi32>
          %reduce_max3A_337 = arith.xori %unique3A_195, %reduce_max3A_336 : vector<16xi32>
          %reduce_max3A_338 = tpu.scan <max>, %reduce_max3A_337 masked %reduce_max3A_334 : vector<16xi32>, vector<16xi1> -> vector<16xi32>
          %reduce_max3A_339 = arith.xori %reduce_max3A_338, %reduce_max3A_336 : vector<16xi32>
          %reduce_max3A_340 = vector.extract %reduce_max3A_339[15] : i32 from vector<16xi32>
          %gt3A_341 = arith.constant 1 : i32
          %gt3A_342 = arith.cmpi sgt, %reduce_max3A_340, %gt3A_341 : i32
          %convert_element_type3A_343 = arith.extui %gt3A_342 : i1 to i32
          %cond3A_344 = arith.constant 0 : i32
          %cond3A_345 = arith.cmpi ne, %convert_element_type3A_343, %cond3A_344 : i32
          scf.if %cond3A_345 {
            %while3A = arith.constant 1 : i32
            %while3A_424 = arith.constant 0 : i32
            %while3A_425 = arith.subi %reduce_max3A_340, %while3A : i32
            %while3A_426 = arith.addi %while3A, %while3A_425 : i32
            %while3A_427 = arith.constant 1 : i32
            %while3A_428 = arith.divsi %while3A_425, %while3A_427 : i32
            %while3A_429 = arith.muli %while3A_428, %while3A_427 : i32
            %while3A_430 = arith.addi %while3A, %while3A_429 : i32
            %while3A_431 = arith.constant 1 : i32
            %while3A_432 = scf.for %while3A_435 = %while3A to %while3A_430 step %while3A_431 iter_args(%while3A_436 = %while3A_424) -> (i32)  : i32 {
              %eq3A = vector.broadcast %while3A_435 : i32 to vector<16xi32>
              %eq3A_437 = arith.cmpi eq, %unique3A_195, %eq3A : vector<16xi32>
              %not3A = arith.constant dense<true> : vector<16xi1>
              %not3A_438 = arith.xori %unique3A_194, %not3A : vector<16xi1>
              %and3A_439 = arith.andi %eq3A_437, %not3A_438 : vector<16xi1>
              %gather3A_440 = tpu.vector_load_idx %arg8[%get3A_133] masked %and3A_439 : memref<10000xi32, #tpu.memory_space<vmem>>[vector<16xi32>], vector<16xi32>, vector<16xi1>
              %bitcast3A_441 = vector.bitcast %gather3A_440 : vector<16xi32> to vector<32xbf16>
              %bitcast3A_442 = vector.bitcast %gather3A_221 : vector<16xi32> to vector<32xbf16>
              %max3A_443 = arith.maximumf %bitcast3A_441, %bitcast3A_442 : vector<32xbf16>
              %bitcast3A_444 = vector.bitcast %max3A_443 : vector<32xbf16> to vector<16xi32>
              tpu.vector_store_idx %arg8[%get3A_133], %bitcast3A_444 masked %and3A_439 : memref<10000xi32, #tpu.memory_space<vmem>>[vector<16xi32>], vector<16xi32>, vector<16xi1>
              %gather3A_445 = tpu.vector_load_idx %arg9[%get3A_133] masked %and3A_439 : memref<10000xi32, #tpu.memory_space<vmem>>[vector<16xi32>], vector<16xi32>, vector<16xi1>
              %bitcast3A_446 = vector.bitcast %gather3A_445 : vector<16xi32> to vector<32xbf16>
              %bitcast3A_447 = vector.bitcast %gather3A_222 : vector<16xi32> to vector<32xbf16>
              %max3A_448 = arith.maximumf %bitcast3A_446, %bitcast3A_447 : vector<32xbf16>
              %bitcast3A_449 = vector.bitcast %max3A_448 : vector<32xbf16> to vector<16xi32>
              tpu.vector_store_idx %arg9[%get3A_133], %bitcast3A_449 masked %and3A_439 : memref<10000xi32, #tpu.memory_space<vmem>>[vector<16xi32>], vector<16xi32>, vector<16xi1>
              %while3A_450 = arith.constant 0 : i32
              scf.yield %while3A_450 : i32
            }
            %while3A_433 = arith.constant 1 : i32
            %while3A_434 = scf.for %while3A_435 = %while3A_430 to %while3A_426 step %while3A_433 iter_args(%while3A_436 = %while3A_432) -> (i32)  : i32 {
              %eq3A = vector.broadcast %while3A_435 : i32 to vector<16xi32>
              %eq3A_437 = arith.cmpi eq, %unique3A_195, %eq3A : vector<16xi32>
              %not3A = arith.constant dense<true> : vector<16xi1>
              %not3A_438 = arith.xori %unique3A_194, %not3A : vector<16xi1>
              %and3A_439 = arith.andi %eq3A_437, %not3A_438 : vector<16xi1>
              %gather3A_440 = tpu.vector_load_idx %arg8[%get3A_133] masked %and3A_439 : memref<10000xi32, #tpu.memory_space<vmem>>[vector<16xi32>], vector<16xi32>, vector<16xi1>
              %bitcast3A_441 = vector.bitcast %gather3A_440 : vector<16xi32> to vector<32xbf16>
              %bitcast3A_442 = vector.bitcast %gather3A_221 : vector<16xi32> to vector<32xbf16>
              %max3A_443 = arith.maximumf %bitcast3A_441, %bitcast3A_442 : vector<32xbf16>
              %bitcast3A_444 = vector.bitcast %max3A_443 : vector<32xbf16> to vector<16xi32>
              tpu.vector_store_idx %arg8[%get3A_133], %bitcast3A_444 masked %and3A_439 : memref<10000xi32, #tpu.memory_space<vmem>>[vector<16xi32>], vector<16xi32>, vector<16xi1>
              %gather3A_445 = tpu.vector_load_idx %arg9[%get3A_133] masked %and3A_439 : memref<10000xi32, #tpu.memory_space<vmem>>[vector<16xi32>], vector<16xi32>, vector<16xi1>
              %bitcast3A_446 = vector.bitcast %gather3A_445 : vector<16xi32> to vector<32xbf16>
              %bitcast3A_447 = vector.bitcast %gather3A_222 : vector<16xi32> to vector<32xbf16>
              %max3A_448 = arith.maximumf %bitcast3A_446, %bitcast3A_447 : vector<32xbf16>
              %bitcast3A_449 = vector.bitcast %max3A_448 : vector<32xbf16> to vector<16xi32>
              tpu.vector_store_idx %arg9[%get3A_133], %bitcast3A_449 masked %and3A_439 : memref<10000xi32, #tpu.memory_space<vmem>>[vector<16xi32>], vector<16xi32>, vector<16xi1>
              %while3A_450 = arith.constant 0 : i32
              scf.yield %while3A_450 : i32
            }
          } else {
          }
          %reduce_max3A_346 = arith.constant true
          %reduce_max3A_347 = vector.broadcast %reduce_max3A_346 : i1 to vector<16xi1>
          %reduce_max3A_348 = arith.constant -2147483648 : i32
          %reduce_max3A_349 = vector.broadcast %reduce_max3A_348 : i32 to vector<16xi32>
          %reduce_max3A_350 = arith.xori %unique3A_199, %reduce_max3A_349 : vector<16xi32>
          %reduce_max3A_351 = tpu.scan <max>, %reduce_max3A_350 masked %reduce_max3A_347 : vector<16xi32>, vector<16xi1> -> vector<16xi32>
          %reduce_max3A_352 = arith.xori %reduce_max3A_351, %reduce_max3A_349 : vector<16xi32>
          %reduce_max3A_353 = vector.extract %reduce_max3A_352[15] : i32 from vector<16xi32>
          %gt3A_354 = arith.constant 1 : i32
          %gt3A_355 = arith.cmpi sgt, %reduce_max3A_353, %gt3A_354 : i32
          %convert_element_type3A_356 = arith.extui %gt3A_355 : i1 to i32
          %cond3A_357 = arith.constant 0 : i32
          %cond3A_358 = arith.cmpi ne, %convert_element_type3A_356, %cond3A_357 : i32
          scf.if %cond3A_358 {
            %while3A = arith.constant 1 : i32
            %while3A_424 = arith.constant 0 : i32
            %while3A_425 = arith.subi %reduce_max3A_353, %while3A : i32
            %while3A_426 = arith.addi %while3A, %while3A_425 : i32
            %while3A_427 = arith.constant 1 : i32
            %while3A_428 = arith.divsi %while3A_425, %while3A_427 : i32
            %while3A_429 = arith.muli %while3A_428, %while3A_427 : i32
            %while3A_430 = arith.addi %while3A, %while3A_429 : i32
            %while3A_431 = arith.constant 1 : i32
            %while3A_432 = scf.for %while3A_435 = %while3A to %while3A_430 step %while3A_431 iter_args(%while3A_436 = %while3A_424) -> (i32)  : i32 {
              %eq3A = vector.broadcast %while3A_435 : i32 to vector<16xi32>
              %eq3A_437 = arith.cmpi eq, %unique3A_199, %eq3A : vector<16xi32>
              %not3A = arith.constant dense<true> : vector<16xi1>
              %not3A_438 = arith.xori %unique3A_198, %not3A : vector<16xi1>
              %and3A_439 = arith.andi %eq3A_437, %not3A_438 : vector<16xi1>
              %gather3A_440 = tpu.vector_load_idx %arg8[%get3A_137] masked %and3A_439 : memref<10000xi32, #tpu.memory_space<vmem>>[vector<16xi32>], vector<16xi32>, vector<16xi1>
              %bitcast3A_441 = vector.bitcast %gather3A_440 : vector<16xi32> to vector<32xbf16>
              %bitcast3A_442 = vector.bitcast %gather3A_223 : vector<16xi32> to vector<32xbf16>
              %max3A_443 = arith.maximumf %bitcast3A_441, %bitcast3A_442 : vector<32xbf16>
              %bitcast3A_444 = vector.bitcast %max3A_443 : vector<32xbf16> to vector<16xi32>
              tpu.vector_store_idx %arg8[%get3A_137], %bitcast3A_444 masked %and3A_439 : memref<10000xi32, #tpu.memory_space<vmem>>[vector<16xi32>], vector<16xi32>, vector<16xi1>
              %gather3A_445 = tpu.vector_load_idx %arg9[%get3A_137] masked %and3A_439 : memref<10000xi32, #tpu.memory_space<vmem>>[vector<16xi32>], vector<16xi32>, vector<16xi1>
              %bitcast3A_446 = vector.bitcast %gather3A_445 : vector<16xi32> to vector<32xbf16>
              %bitcast3A_447 = vector.bitcast %gather3A_224 : vector<16xi32> to vector<32xbf16>
              %max3A_448 = arith.maximumf %bitcast3A_446, %bitcast3A_447 : vector<32xbf16>
              %bitcast3A_449 = vector.bitcast %max3A_448 : vector<32xbf16> to vector<16xi32>
              tpu.vector_store_idx %arg9[%get3A_137], %bitcast3A_449 masked %and3A_439 : memref<10000xi32, #tpu.memory_space<vmem>>[vector<16xi32>], vector<16xi32>, vector<16xi1>
              %while3A_450 = arith.constant 0 : i32
              scf.yield %while3A_450 : i32
            }
            %while3A_433 = arith.constant 1 : i32
            %while3A_434 = scf.for %while3A_435 = %while3A_430 to %while3A_426 step %while3A_433 iter_args(%while3A_436 = %while3A_432) -> (i32)  : i32 {
              %eq3A = vector.broadcast %while3A_435 : i32 to vector<16xi32>
              %eq3A_437 = arith.cmpi eq, %unique3A_199, %eq3A : vector<16xi32>
              %not3A = arith.constant dense<true> : vector<16xi1>
              %not3A_438 = arith.xori %unique3A_198, %not3A : vector<16xi1>
              %and3A_439 = arith.andi %eq3A_437, %not3A_438 : vector<16xi1>
              %gather3A_440 = tpu.vector_load_idx %arg8[%get3A_137] masked %and3A_439 : memref<10000xi32, #tpu.memory_space<vmem>>[vector<16xi32>], vector<16xi32>, vector<16xi1>
              %bitcast3A_441 = vector.bitcast %gather3A_440 : vector<16xi32> to vector<32xbf16>
              %bitcast3A_442 = vector.bitcast %gather3A_223 : vector<16xi32> to vector<32xbf16>
              %max3A_443 = arith.maximumf %bitcast3A_441, %bitcast3A_442 : vector<32xbf16>
              %bitcast3A_444 = vector.bitcast %max3A_443 : vector<32xbf16> to vector<16xi32>
              tpu.vector_store_idx %arg8[%get3A_137], %bitcast3A_444 masked %and3A_439 : memref<10000xi32, #tpu.memory_space<vmem>>[vector<16xi32>], vector<16xi32>, vector<16xi1>
              %gather3A_445 = tpu.vector_load_idx %arg9[%get3A_137] masked %and3A_439 : memref<10000xi32, #tpu.memory_space<vmem>>[vector<16xi32>], vector<16xi32>, vector<16xi1>
              %bitcast3A_446 = vector.bitcast %gather3A_445 : vector<16xi32> to vector<32xbf16>
              %bitcast3A_447 = vector.bitcast %gather3A_224 : vector<16xi32> to vector<32xbf16>
              %max3A_448 = arith.maximumf %bitcast3A_446, %bitcast3A_447 : vector<32xbf16>
              %bitcast3A_449 = vector.bitcast %max3A_448 : vector<32xbf16> to vector<16xi32>
              tpu.vector_store_idx %arg9[%get3A_137], %bitcast3A_449 masked %and3A_439 : memref<10000xi32, #tpu.memory_space<vmem>>[vector<16xi32>], vector<16xi32>, vector<16xi1>
              %while3A_450 = arith.constant 0 : i32
              scf.yield %while3A_450 : i32
            }
          } else {
          }
          %reduce_max3A_359 = arith.constant true
          %reduce_max3A_360 = vector.broadcast %reduce_max3A_359 : i1 to vector<16xi1>
          %reduce_max3A_361 = arith.constant -2147483648 : i32
          %reduce_max3A_362 = vector.broadcast %reduce_max3A_361 : i32 to vector<16xi32>
          %reduce_max3A_363 = arith.xori %unique3A_203, %reduce_max3A_362 : vector<16xi32>
          %reduce_max3A_364 = tpu.scan <max>, %reduce_max3A_363 masked %reduce_max3A_360 : vector<16xi32>, vector<16xi1> -> vector<16xi32>
          %reduce_max3A_365 = arith.xori %reduce_max3A_364, %reduce_max3A_362 : vector<16xi32>
          %reduce_max3A_366 = vector.extract %reduce_max3A_365[15] : i32 from vector<16xi32>
          %gt3A_367 = arith.constant 1 : i32
          %gt3A_368 = arith.cmpi sgt, %reduce_max3A_366, %gt3A_367 : i32
          %convert_element_type3A_369 = arith.extui %gt3A_368 : i1 to i32
          %cond3A_370 = arith.constant 0 : i32
          %cond3A_371 = arith.cmpi ne, %convert_element_type3A_369, %cond3A_370 : i32
          scf.if %cond3A_371 {
            %while3A = arith.constant 1 : i32
            %while3A_424 = arith.constant 0 : i32
            %while3A_425 = arith.subi %reduce_max3A_366, %while3A : i32
            %while3A_426 = arith.addi %while3A, %while3A_425 : i32
            %while3A_427 = arith.constant 1 : i32
            %while3A_428 = arith.divsi %while3A_425, %while3A_427 : i32
            %while3A_429 = arith.muli %while3A_428, %while3A_427 : i32
            %while3A_430 = arith.addi %while3A, %while3A_429 : i32
            %while3A_431 = arith.constant 1 : i32
            %while3A_432 = scf.for %while3A_435 = %while3A to %while3A_430 step %while3A_431 iter_args(%while3A_436 = %while3A_424) -> (i32)  : i32 {
              %eq3A = vector.broadcast %while3A_435 : i32 to vector<16xi32>
              %eq3A_437 = arith.cmpi eq, %unique3A_203, %eq3A : vector<16xi32>
              %not3A = arith.constant dense<true> : vector<16xi1>
              %not3A_438 = arith.xori %unique3A_202, %not3A : vector<16xi1>
              %and3A_439 = arith.andi %eq3A_437, %not3A_438 : vector<16xi1>
              %gather3A_440 = tpu.vector_load_idx %arg8[%get3A_141] masked %and3A_439 : memref<10000xi32, #tpu.memory_space<vmem>>[vector<16xi32>], vector<16xi32>, vector<16xi1>
              %bitcast3A_441 = vector.bitcast %gather3A_440 : vector<16xi32> to vector<32xbf16>
              %bitcast3A_442 = vector.bitcast %gather3A_225 : vector<16xi32> to vector<32xbf16>
              %max3A_443 = arith.maximumf %bitcast3A_441, %bitcast3A_442 : vector<32xbf16>
              %bitcast3A_444 = vector.bitcast %max3A_443 : vector<32xbf16> to vector<16xi32>
              tpu.vector_store_idx %arg8[%get3A_141], %bitcast3A_444 masked %and3A_439 : memref<10000xi32, #tpu.memory_space<vmem>>[vector<16xi32>], vector<16xi32>, vector<16xi1>
              %gather3A_445 = tpu.vector_load_idx %arg9[%get3A_141] masked %and3A_439 : memref<10000xi32, #tpu.memory_space<vmem>>[vector<16xi32>], vector<16xi32>, vector<16xi1>
              %bitcast3A_446 = vector.bitcast %gather3A_445 : vector<16xi32> to vector<32xbf16>
              %bitcast3A_447 = vector.bitcast %gather3A_226 : vector<16xi32> to vector<32xbf16>
              %max3A_448 = arith.maximumf %bitcast3A_446, %bitcast3A_447 : vector<32xbf16>
              %bitcast3A_449 = vector.bitcast %max3A_448 : vector<32xbf16> to vector<16xi32>
              tpu.vector_store_idx %arg9[%get3A_141], %bitcast3A_449 masked %and3A_439 : memref<10000xi32, #tpu.memory_space<vmem>>[vector<16xi32>], vector<16xi32>, vector<16xi1>
              %while3A_450 = arith.constant 0 : i32
              scf.yield %while3A_450 : i32
            }
            %while3A_433 = arith.constant 1 : i32
            %while3A_434 = scf.for %while3A_435 = %while3A_430 to %while3A_426 step %while3A_433 iter_args(%while3A_436 = %while3A_432) -> (i32)  : i32 {
              %eq3A = vector.broadcast %while3A_435 : i32 to vector<16xi32>
              %eq3A_437 = arith.cmpi eq, %unique3A_203, %eq3A : vector<16xi32>
              %not3A = arith.constant dense<true> : vector<16xi1>
              %not3A_438 = arith.xori %unique3A_202, %not3A : vector<16xi1>
              %and3A_439 = arith.andi %eq3A_437, %not3A_438 : vector<16xi1>
              %gather3A_440 = tpu.vector_load_idx %arg8[%get3A_141] masked %and3A_439 : memref<10000xi32, #tpu.memory_space<vmem>>[vector<16xi32>], vector<16xi32>, vector<16xi1>
              %bitcast3A_441 = vector.bitcast %gather3A_440 : vector<16xi32> to vector<32xbf16>
              %bitcast3A_442 = vector.bitcast %gather3A_225 : vector<16xi32> to vector<32xbf16>
              %max3A_443 = arith.maximumf %bitcast3A_441, %bitcast3A_442 : vector<32xbf16>
              %bitcast3A_444 = vector.bitcast %max3A_443 : vector<32xbf16> to vector<16xi32>
              tpu.vector_store_idx %arg8[%get3A_141], %bitcast3A_444 masked %and3A_439 : memref<10000xi32, #tpu.memory_space<vmem>>[vector<16xi32>], vector<16xi32>, vector<16xi1>
              %gather3A_445 = tpu.vector_load_idx %arg9[%get3A_141] masked %and3A_439 : memref<10000xi32, #tpu.memory_space<vmem>>[vector<16xi32>], vector<16xi32>, vector<16xi1>
              %bitcast3A_446 = vector.bitcast %gather3A_445 : vector<16xi32> to vector<32xbf16>
              %bitcast3A_447 = vector.bitcast %gather3A_226 : vector<16xi32> to vector<32xbf16>
              %max3A_448 = arith.maximumf %bitcast3A_446, %bitcast3A_447 : vector<32xbf16>
              %bitcast3A_449 = vector.bitcast %max3A_448 : vector<32xbf16> to vector<16xi32>
              tpu.vector_store_idx %arg9[%get3A_141], %bitcast3A_449 masked %and3A_439 : memref<10000xi32, #tpu.memory_space<vmem>>[vector<16xi32>], vector<16xi32>, vector<16xi1>
              %while3A_450 = arith.constant 0 : i32
              scf.yield %while3A_450 : i32
            }
          } else {
          }
          %reduce_max3A_372 = arith.constant true
          %reduce_max3A_373 = vector.broadcast %reduce_max3A_372 : i1 to vector<16xi1>
          %reduce_max3A_374 = arith.constant -2147483648 : i32
          %reduce_max3A_375 = vector.broadcast %reduce_max3A_374 : i32 to vector<16xi32>
          %reduce_max3A_376 = arith.xori %unique3A_207, %reduce_max3A_375 : vector<16xi32>
          %reduce_max3A_377 = tpu.scan <max>, %reduce_max3A_376 masked %reduce_max3A_373 : vector<16xi32>, vector<16xi1> -> vector<16xi32>
          %reduce_max3A_378 = arith.xori %reduce_max3A_377, %reduce_max3A_375 : vector<16xi32>
          %reduce_max3A_379 = vector.extract %reduce_max3A_378[15] : i32 from vector<16xi32>
          %gt3A_380 = arith.constant 1 : i32
          %gt3A_381 = arith.cmpi sgt, %reduce_max3A_379, %gt3A_380 : i32
          %convert_element_type3A_382 = arith.extui %gt3A_381 : i1 to i32
          %cond3A_383 = arith.constant 0 : i32
          %cond3A_384 = arith.cmpi ne, %convert_element_type3A_382, %cond3A_383 : i32
          scf.if %cond3A_384 {
            %while3A = arith.constant 1 : i32
            %while3A_424 = arith.constant 0 : i32
            %while3A_425 = arith.subi %reduce_max3A_379, %while3A : i32
            %while3A_426 = arith.addi %while3A, %while3A_425 : i32
            %while3A_427 = arith.constant 1 : i32
            %while3A_428 = arith.divsi %while3A_425, %while3A_427 : i32
            %while3A_429 = arith.muli %while3A_428, %while3A_427 : i32
            %while3A_430 = arith.addi %while3A, %while3A_429 : i32
            %while3A_431 = arith.constant 1 : i32
            %while3A_432 = scf.for %while3A_435 = %while3A to %while3A_430 step %while3A_431 iter_args(%while3A_436 = %while3A_424) -> (i32)  : i32 {
              %eq3A = vector.broadcast %while3A_435 : i32 to vector<16xi32>
              %eq3A_437 = arith.cmpi eq, %unique3A_207, %eq3A : vector<16xi32>
              %not3A = arith.constant dense<true> : vector<16xi1>
              %not3A_438 = arith.xori %unique3A_206, %not3A : vector<16xi1>
              %and3A_439 = arith.andi %eq3A_437, %not3A_438 : vector<16xi1>
              %gather3A_440 = tpu.vector_load_idx %arg8[%get3A_145] masked %and3A_439 : memref<10000xi32, #tpu.memory_space<vmem>>[vector<16xi32>], vector<16xi32>, vector<16xi1>
              %bitcast3A_441 = vector.bitcast %gather3A_440 : vector<16xi32> to vector<32xbf16>
              %bitcast3A_442 = vector.bitcast %gather3A_227 : vector<16xi32> to vector<32xbf16>
              %max3A_443 = arith.maximumf %bitcast3A_441, %bitcast3A_442 : vector<32xbf16>
              %bitcast3A_444 = vector.bitcast %max3A_443 : vector<32xbf16> to vector<16xi32>
              tpu.vector_store_idx %arg8[%get3A_145], %bitcast3A_444 masked %and3A_439 : memref<10000xi32, #tpu.memory_space<vmem>>[vector<16xi32>], vector<16xi32>, vector<16xi1>
              %gather3A_445 = tpu.vector_load_idx %arg9[%get3A_145] masked %and3A_439 : memref<10000xi32, #tpu.memory_space<vmem>>[vector<16xi32>], vector<16xi32>, vector<16xi1>
              %bitcast3A_446 = vector.bitcast %gather3A_445 : vector<16xi32> to vector<32xbf16>
              %bitcast3A_447 = vector.bitcast %gather3A_228 : vector<16xi32> to vector<32xbf16>
              %max3A_448 = arith.maximumf %bitcast3A_446, %bitcast3A_447 : vector<32xbf16>
              %bitcast3A_449 = vector.bitcast %max3A_448 : vector<32xbf16> to vector<16xi32>
              tpu.vector_store_idx %arg9[%get3A_145], %bitcast3A_449 masked %and3A_439 : memref<10000xi32, #tpu.memory_space<vmem>>[vector<16xi32>], vector<16xi32>, vector<16xi1>
              %while3A_450 = arith.constant 0 : i32
              scf.yield %while3A_450 : i32
            }
            %while3A_433 = arith.constant 1 : i32
            %while3A_434 = scf.for %while3A_435 = %while3A_430 to %while3A_426 step %while3A_433 iter_args(%while3A_436 = %while3A_432) -> (i32)  : i32 {
              %eq3A = vector.broadcast %while3A_435 : i32 to vector<16xi32>
              %eq3A_437 = arith.cmpi eq, %unique3A_207, %eq3A : vector<16xi32>
              %not3A = arith.constant dense<true> : vector<16xi1>
              %not3A_438 = arith.xori %unique3A_206, %not3A : vector<16xi1>
              %and3A_439 = arith.andi %eq3A_437, %not3A_438 : vector<16xi1>
              %gather3A_440 = tpu.vector_load_idx %arg8[%get3A_145] masked %and3A_439 : memref<10000xi32, #tpu.memory_space<vmem>>[vector<16xi32>], vector<16xi32>, vector<16xi1>
              %bitcast3A_441 = vector.bitcast %gather3A_440 : vector<16xi32> to vector<32xbf16>
              %bitcast3A_442 = vector.bitcast %gather3A_227 : vector<16xi32> to vector<32xbf16>
              %max3A_443 = arith.maximumf %bitcast3A_441, %bitcast3A_442 : vector<32xbf16>
              %bitcast3A_444 = vector.bitcast %max3A_443 : vector<32xbf16> to vector<16xi32>
              tpu.vector_store_idx %arg8[%get3A_145], %bitcast3A_444 masked %and3A_439 : memref<10000xi32, #tpu.memory_space<vmem>>[vector<16xi32>], vector<16xi32>, vector<16xi1>
              %gather3A_445 = tpu.vector_load_idx %arg9[%get3A_145] masked %and3A_439 : memref<10000xi32, #tpu.memory_space<vmem>>[vector<16xi32>], vector<16xi32>, vector<16xi1>
              %bitcast3A_446 = vector.bitcast %gather3A_445 : vector<16xi32> to vector<32xbf16>
              %bitcast3A_447 = vector.bitcast %gather3A_228 : vector<16xi32> to vector<32xbf16>
              %max3A_448 = arith.maximumf %bitcast3A_446, %bitcast3A_447 : vector<32xbf16>
              %bitcast3A_449 = vector.bitcast %max3A_448 : vector<32xbf16> to vector<16xi32>
              tpu.vector_store_idx %arg9[%get3A_145], %bitcast3A_449 masked %and3A_439 : memref<10000xi32, #tpu.memory_space<vmem>>[vector<16xi32>], vector<16xi32>, vector<16xi1>
              %while3A_450 = arith.constant 0 : i32
              scf.yield %while3A_450 : i32
            }
          } else {
          }
          %reduce_max3A_385 = arith.constant true
          %reduce_max3A_386 = vector.broadcast %reduce_max3A_385 : i1 to vector<16xi1>
          %reduce_max3A_387 = arith.constant -2147483648 : i32
          %reduce_max3A_388 = vector.broadcast %reduce_max3A_387 : i32 to vector<16xi32>
          %reduce_max3A_389 = arith.xori %unique3A_211, %reduce_max3A_388 : vector<16xi32>
          %reduce_max3A_390 = tpu.scan <max>, %reduce_max3A_389 masked %reduce_max3A_386 : vector<16xi32>, vector<16xi1> -> vector<16xi32>
          %reduce_max3A_391 = arith.xori %reduce_max3A_390, %reduce_max3A_388 : vector<16xi32>
          %reduce_max3A_392 = vector.extract %reduce_max3A_391[15] : i32 from vector<16xi32>
          %gt3A_393 = arith.constant 1 : i32
          %gt3A_394 = arith.cmpi sgt, %reduce_max3A_392, %gt3A_393 : i32
          %convert_element_type3A_395 = arith.extui %gt3A_394 : i1 to i32
          %cond3A_396 = arith.constant 0 : i32
          %cond3A_397 = arith.cmpi ne, %convert_element_type3A_395, %cond3A_396 : i32
          scf.if %cond3A_397 {
            %while3A = arith.constant 1 : i32
            %while3A_424 = arith.constant 0 : i32
            %while3A_425 = arith.subi %reduce_max3A_392, %while3A : i32
            %while3A_426 = arith.addi %while3A, %while3A_425 : i32
            %while3A_427 = arith.constant 1 : i32
            %while3A_428 = arith.divsi %while3A_425, %while3A_427 : i32
            %while3A_429 = arith.muli %while3A_428, %while3A_427 : i32
            %while3A_430 = arith.addi %while3A, %while3A_429 : i32
            %while3A_431 = arith.constant 1 : i32
            %while3A_432 = scf.for %while3A_435 = %while3A to %while3A_430 step %while3A_431 iter_args(%while3A_436 = %while3A_424) -> (i32)  : i32 {
              %eq3A = vector.broadcast %while3A_435 : i32 to vector<16xi32>
              %eq3A_437 = arith.cmpi eq, %unique3A_211, %eq3A : vector<16xi32>
              %not3A = arith.constant dense<true> : vector<16xi1>
              %not3A_438 = arith.xori %unique3A_210, %not3A : vector<16xi1>
              %and3A_439 = arith.andi %eq3A_437, %not3A_438 : vector<16xi1>
              %gather3A_440 = tpu.vector_load_idx %arg8[%get3A_149] masked %and3A_439 : memref<10000xi32, #tpu.memory_space<vmem>>[vector<16xi32>], vector<16xi32>, vector<16xi1>
              %bitcast3A_441 = vector.bitcast %gather3A_440 : vector<16xi32> to vector<32xbf16>
              %bitcast3A_442 = vector.bitcast %gather3A_229 : vector<16xi32> to vector<32xbf16>
              %max3A_443 = arith.maximumf %bitcast3A_441, %bitcast3A_442 : vector<32xbf16>
              %bitcast3A_444 = vector.bitcast %max3A_443 : vector<32xbf16> to vector<16xi32>
              tpu.vector_store_idx %arg8[%get3A_149], %bitcast3A_444 masked %and3A_439 : memref<10000xi32, #tpu.memory_space<vmem>>[vector<16xi32>], vector<16xi32>, vector<16xi1>
              %gather3A_445 = tpu.vector_load_idx %arg9[%get3A_149] masked %and3A_439 : memref<10000xi32, #tpu.memory_space<vmem>>[vector<16xi32>], vector<16xi32>, vector<16xi1>
              %bitcast3A_446 = vector.bitcast %gather3A_445 : vector<16xi32> to vector<32xbf16>
              %bitcast3A_447 = vector.bitcast %gather3A_230 : vector<16xi32> to vector<32xbf16>
              %max3A_448 = arith.maximumf %bitcast3A_446, %bitcast3A_447 : vector<32xbf16>
              %bitcast3A_449 = vector.bitcast %max3A_448 : vector<32xbf16> to vector<16xi32>
              tpu.vector_store_idx %arg9[%get3A_149], %bitcast3A_449 masked %and3A_439 : memref<10000xi32, #tpu.memory_space<vmem>>[vector<16xi32>], vector<16xi32>, vector<16xi1>
              %while3A_450 = arith.constant 0 : i32
              scf.yield %while3A_450 : i32
            }
            %while3A_433 = arith.constant 1 : i32
            %while3A_434 = scf.for %while3A_435 = %while3A_430 to %while3A_426 step %while3A_433 iter_args(%while3A_436 = %while3A_432) -> (i32)  : i32 {
              %eq3A = vector.broadcast %while3A_435 : i32 to vector<16xi32>
              %eq3A_437 = arith.cmpi eq, %unique3A_211, %eq3A : vector<16xi32>
              %not3A = arith.constant dense<true> : vector<16xi1>
              %not3A_438 = arith.xori %unique3A_210, %not3A : vector<16xi1>
              %and3A_439 = arith.andi %eq3A_437, %not3A_438 : vector<16xi1>
              %gather3A_440 = tpu.vector_load_idx %arg8[%get3A_149] masked %and3A_439 : memref<10000xi32, #tpu.memory_space<vmem>>[vector<16xi32>], vector<16xi32>, vector<16xi1>
              %bitcast3A_441 = vector.bitcast %gather3A_440 : vector<16xi32> to vector<32xbf16>
              %bitcast3A_442 = vector.bitcast %gather3A_229 : vector<16xi32> to vector<32xbf16>
              %max3A_443 = arith.maximumf %bitcast3A_441, %bitcast3A_442 : vector<32xbf16>
              %bitcast3A_444 = vector.bitcast %max3A_443 : vector<32xbf16> to vector<16xi32>
              tpu.vector_store_idx %arg8[%get3A_149], %bitcast3A_444 masked %and3A_439 : memref<10000xi32, #tpu.memory_space<vmem>>[vector<16xi32>], vector<16xi32>, vector<16xi1>
              %gather3A_445 = tpu.vector_load_idx %arg9[%get3A_149] masked %and3A_439 : memref<10000xi32, #tpu.memory_space<vmem>>[vector<16xi32>], vector<16xi32>, vector<16xi1>
              %bitcast3A_446 = vector.bitcast %gather3A_445 : vector<16xi32> to vector<32xbf16>
              %bitcast3A_447 = vector.bitcast %gather3A_230 : vector<16xi32> to vector<32xbf16>
              %max3A_448 = arith.maximumf %bitcast3A_446, %bitcast3A_447 : vector<32xbf16>
              %bitcast3A_449 = vector.bitcast %max3A_448 : vector<32xbf16> to vector<16xi32>
              tpu.vector_store_idx %arg9[%get3A_149], %bitcast3A_449 masked %and3A_439 : memref<10000xi32, #tpu.memory_space<vmem>>[vector<16xi32>], vector<16xi32>, vector<16xi1>
              %while3A_450 = arith.constant 0 : i32
              scf.yield %while3A_450 : i32
            }
          } else {
          }
          %reduce_max3A_398 = arith.constant true
          %reduce_max3A_399 = vector.broadcast %reduce_max3A_398 : i1 to vector<16xi1>
          %reduce_max3A_400 = arith.constant -2147483648 : i32
          %reduce_max3A_401 = vector.broadcast %reduce_max3A_400 : i32 to vector<16xi32>
          %reduce_max3A_402 = arith.xori %unique3A_215, %reduce_max3A_401 : vector<16xi32>
          %reduce_max3A_403 = tpu.scan <max>, %reduce_max3A_402 masked %reduce_max3A_399 : vector<16xi32>, vector<16xi1> -> vector<16xi32>
          %reduce_max3A_404 = arith.xori %reduce_max3A_403, %reduce_max3A_401 : vector<16xi32>
          %reduce_max3A_405 = vector.extract %reduce_max3A_404[15] : i32 from vector<16xi32>
          %gt3A_406 = arith.constant 1 : i32
          %gt3A_407 = arith.cmpi sgt, %reduce_max3A_405, %gt3A_406 : i32
          %convert_element_type3A_408 = arith.extui %gt3A_407 : i1 to i32
          %cond3A_409 = arith.constant 0 : i32
          %cond3A_410 = arith.cmpi ne, %convert_element_type3A_408, %cond3A_409 : i32
          scf.if %cond3A_410 {
            %while3A = arith.constant 1 : i32
            %while3A_424 = arith.constant 0 : i32
            %while3A_425 = arith.subi %reduce_max3A_405, %while3A : i32
            %while3A_426 = arith.addi %while3A, %while3A_425 : i32
            %while3A_427 = arith.constant 1 : i32
            %while3A_428 = arith.divsi %while3A_425, %while3A_427 : i32
            %while3A_429 = arith.muli %while3A_428, %while3A_427 : i32
            %while3A_430 = arith.addi %while3A, %while3A_429 : i32
            %while3A_431 = arith.constant 1 : i32
            %while3A_432 = scf.for %while3A_435 = %while3A to %while3A_430 step %while3A_431 iter_args(%while3A_436 = %while3A_424) -> (i32)  : i32 {
              %eq3A = vector.broadcast %while3A_435 : i32 to vector<16xi32>
              %eq3A_437 = arith.cmpi eq, %unique3A_215, %eq3A : vector<16xi32>
              %not3A = arith.constant dense<true> : vector<16xi1>
              %not3A_438 = arith.xori %unique3A_214, %not3A : vector<16xi1>
              %and3A_439 = arith.andi %eq3A_437, %not3A_438 : vector<16xi1>
              %gather3A_440 = tpu.vector_load_idx %arg8[%get3A_153] masked %and3A_439 : memref<10000xi32, #tpu.memory_space<vmem>>[vector<16xi32>], vector<16xi32>, vector<16xi1>
              %bitcast3A_441 = vector.bitcast %gather3A_440 : vector<16xi32> to vector<32xbf16>
              %bitcast3A_442 = vector.bitcast %gather3A_231 : vector<16xi32> to vector<32xbf16>
              %max3A_443 = arith.maximumf %bitcast3A_441, %bitcast3A_442 : vector<32xbf16>
              %bitcast3A_444 = vector.bitcast %max3A_443 : vector<32xbf16> to vector<16xi32>
              tpu.vector_store_idx %arg8[%get3A_153], %bitcast3A_444 masked %and3A_439 : memref<10000xi32, #tpu.memory_space<vmem>>[vector<16xi32>], vector<16xi32>, vector<16xi1>
              %gather3A_445 = tpu.vector_load_idx %arg9[%get3A_153] masked %and3A_439 : memref<10000xi32, #tpu.memory_space<vmem>>[vector<16xi32>], vector<16xi32>, vector<16xi1>
              %bitcast3A_446 = vector.bitcast %gather3A_445 : vector<16xi32> to vector<32xbf16>
              %bitcast3A_447 = vector.bitcast %gather3A_232 : vector<16xi32> to vector<32xbf16>
              %max3A_448 = arith.maximumf %bitcast3A_446, %bitcast3A_447 : vector<32xbf16>
              %bitcast3A_449 = vector.bitcast %max3A_448 : vector<32xbf16> to vector<16xi32>
              tpu.vector_store_idx %arg9[%get3A_153], %bitcast3A_449 masked %and3A_439 : memref<10000xi32, #tpu.memory_space<vmem>>[vector<16xi32>], vector<16xi32>, vector<16xi1>
              %while3A_450 = arith.constant 0 : i32
              scf.yield %while3A_450 : i32
            }
            %while3A_433 = arith.constant 1 : i32
            %while3A_434 = scf.for %while3A_435 = %while3A_430 to %while3A_426 step %while3A_433 iter_args(%while3A_436 = %while3A_432) -> (i32)  : i32 {
              %eq3A = vector.broadcast %while3A_435 : i32 to vector<16xi32>
              %eq3A_437 = arith.cmpi eq, %unique3A_215, %eq3A : vector<16xi32>
              %not3A = arith.constant dense<true> : vector<16xi1>
              %not3A_438 = arith.xori %unique3A_214, %not3A : vector<16xi1>
              %and3A_439 = arith.andi %eq3A_437, %not3A_438 : vector<16xi1>
              %gather3A_440 = tpu.vector_load_idx %arg8[%get3A_153] masked %and3A_439 : memref<10000xi32, #tpu.memory_space<vmem>>[vector<16xi32>], vector<16xi32>, vector<16xi1>
              %bitcast3A_441 = vector.bitcast %gather3A_440 : vector<16xi32> to vector<32xbf16>
              %bitcast3A_442 = vector.bitcast %gather3A_231 : vector<16xi32> to vector<32xbf16>
              %max3A_443 = arith.maximumf %bitcast3A_441, %bitcast3A_442 : vector<32xbf16>
              %bitcast3A_444 = vector.bitcast %max3A_443 : vector<32xbf16> to vector<16xi32>
              tpu.vector_store_idx %arg8[%get3A_153], %bitcast3A_444 masked %and3A_439 : memref<10000xi32, #tpu.memory_space<vmem>>[vector<16xi32>], vector<16xi32>, vector<16xi1>
              %gather3A_445 = tpu.vector_load_idx %arg9[%get3A_153] masked %and3A_439 : memref<10000xi32, #tpu.memory_space<vmem>>[vector<16xi32>], vector<16xi32>, vector<16xi1>
              %bitcast3A_446 = vector.bitcast %gather3A_445 : vector<16xi32> to vector<32xbf16>
              %bitcast3A_447 = vector.bitcast %gather3A_232 : vector<16xi32> to vector<32xbf16>
              %max3A_448 = arith.maximumf %bitcast3A_446, %bitcast3A_447 : vector<32xbf16>
              %bitcast3A_449 = vector.bitcast %max3A_448 : vector<32xbf16> to vector<16xi32>
              tpu.vector_store_idx %arg9[%get3A_153], %bitcast3A_449 masked %and3A_439 : memref<10000xi32, #tpu.memory_space<vmem>>[vector<16xi32>], vector<16xi32>, vector<16xi1>
              %while3A_450 = arith.constant 0 : i32
              scf.yield %while3A_450 : i32
            }
          } else {
          }
          %reduce_max3A_411 = arith.constant true
          %reduce_max3A_412 = vector.broadcast %reduce_max3A_411 : i1 to vector<16xi1>
          %reduce_max3A_413 = arith.constant -2147483648 : i32
          %reduce_max3A_414 = vector.broadcast %reduce_max3A_413 : i32 to vector<16xi32>
          %reduce_max3A_415 = arith.xori %unique3A_219, %reduce_max3A_414 : vector<16xi32>
          %reduce_max3A_416 = tpu.scan <max>, %reduce_max3A_415 masked %reduce_max3A_412 : vector<16xi32>, vector<16xi1> -> vector<16xi32>
          %reduce_max3A_417 = arith.xori %reduce_max3A_416, %reduce_max3A_414 : vector<16xi32>
          %reduce_max3A_418 = vector.extract %reduce_max3A_417[15] : i32 from vector<16xi32>
          %gt3A_419 = arith.constant 1 : i32
          %gt3A_420 = arith.cmpi sgt, %reduce_max3A_418, %gt3A_419 : i32
          %convert_element_type3A_421 = arith.extui %gt3A_420 : i1 to i32
          %cond3A_422 = arith.constant 0 : i32
          %cond3A_423 = arith.cmpi ne, %convert_element_type3A_421, %cond3A_422 : i32
          scf.if %cond3A_423 {
            %while3A = arith.constant 1 : i32
            %while3A_424 = arith.constant 0 : i32
            %while3A_425 = arith.subi %reduce_max3A_418, %while3A : i32
            %while3A_426 = arith.addi %while3A, %while3A_425 : i32
            %while3A_427 = arith.constant 1 : i32
            %while3A_428 = arith.divsi %while3A_425, %while3A_427 : i32
            %while3A_429 = arith.muli %while3A_428, %while3A_427 : i32
            %while3A_430 = arith.addi %while3A, %while3A_429 : i32
            %while3A_431 = arith.constant 1 : i32
            %while3A_432 = scf.for %while3A_435 = %while3A to %while3A_430 step %while3A_431 iter_args(%while3A_436 = %while3A_424) -> (i32)  : i32 {
              %eq3A = vector.broadcast %while3A_435 : i32 to vector<16xi32>
              %eq3A_437 = arith.cmpi eq, %unique3A_219, %eq3A : vector<16xi32>
              %not3A = arith.constant dense<true> : vector<16xi1>
              %not3A_438 = arith.xori %unique3A_218, %not3A : vector<16xi1>
              %and3A_439 = arith.andi %eq3A_437, %not3A_438 : vector<16xi1>
              %gather3A_440 = tpu.vector_load_idx %arg8[%get3A_157] masked %and3A_439 : memref<10000xi32, #tpu.memory_space<vmem>>[vector<16xi32>], vector<16xi32>, vector<16xi1>
              %bitcast3A_441 = vector.bitcast %gather3A_440 : vector<16xi32> to vector<32xbf16>
              %bitcast3A_442 = vector.bitcast %gather3A_233 : vector<16xi32> to vector<32xbf16>
              %max3A_443 = arith.maximumf %bitcast3A_441, %bitcast3A_442 : vector<32xbf16>
              %bitcast3A_444 = vector.bitcast %max3A_443 : vector<32xbf16> to vector<16xi32>
              tpu.vector_store_idx %arg8[%get3A_157], %bitcast3A_444 masked %and3A_439 : memref<10000xi32, #tpu.memory_space<vmem>>[vector<16xi32>], vector<16xi32>, vector<16xi1>
              %gather3A_445 = tpu.vector_load_idx %arg9[%get3A_157] masked %and3A_439 : memref<10000xi32, #tpu.memory_space<vmem>>[vector<16xi32>], vector<16xi32>, vector<16xi1>
              %bitcast3A_446 = vector.bitcast %gather3A_445 : vector<16xi32> to vector<32xbf16>
              %bitcast3A_447 = vector.bitcast %gather3A_234 : vector<16xi32> to vector<32xbf16>
              %max3A_448 = arith.maximumf %bitcast3A_446, %bitcast3A_447 : vector<32xbf16>
              %bitcast3A_449 = vector.bitcast %max3A_448 : vector<32xbf16> to vector<16xi32>
              tpu.vector_store_idx %arg9[%get3A_157], %bitcast3A_449 masked %and3A_439 : memref<10000xi32, #tpu.memory_space<vmem>>[vector<16xi32>], vector<16xi32>, vector<16xi1>
              %while3A_450 = arith.constant 0 : i32
              scf.yield %while3A_450 : i32
            }
            %while3A_433 = arith.constant 1 : i32
            %while3A_434 = scf.for %while3A_435 = %while3A_430 to %while3A_426 step %while3A_433 iter_args(%while3A_436 = %while3A_432) -> (i32)  : i32 {
              %eq3A = vector.broadcast %while3A_435 : i32 to vector<16xi32>
              %eq3A_437 = arith.cmpi eq, %unique3A_219, %eq3A : vector<16xi32>
              %not3A = arith.constant dense<true> : vector<16xi1>
              %not3A_438 = arith.xori %unique3A_218, %not3A : vector<16xi1>
              %and3A_439 = arith.andi %eq3A_437, %not3A_438 : vector<16xi1>
              %gather3A_440 = tpu.vector_load_idx %arg8[%get3A_157] masked %and3A_439 : memref<10000xi32, #tpu.memory_space<vmem>>[vector<16xi32>], vector<16xi32>, vector<16xi1>
              %bitcast3A_441 = vector.bitcast %gather3A_440 : vector<16xi32> to vector<32xbf16>
              %bitcast3A_442 = vector.bitcast %gather3A_233 : vector<16xi32> to vector<32xbf16>
              %max3A_443 = arith.maximumf %bitcast3A_441, %bitcast3A_442 : vector<32xbf16>
              %bitcast3A_444 = vector.bitcast %max3A_443 : vector<32xbf16> to vector<16xi32>
              tpu.vector_store_idx %arg8[%get3A_157], %bitcast3A_444 masked %and3A_439 : memref<10000xi32, #tpu.memory_space<vmem>>[vector<16xi32>], vector<16xi32>, vector<16xi1>
              %gather3A_445 = tpu.vector_load_idx %arg9[%get3A_157] masked %and3A_439 : memref<10000xi32, #tpu.memory_space<vmem>>[vector<16xi32>], vector<16xi32>, vector<16xi1>
              %bitcast3A_446 = vector.bitcast %gather3A_445 : vector<16xi32> to vector<32xbf16>
              %bitcast3A_447 = vector.bitcast %gather3A_234 : vector<16xi32> to vector<32xbf16>
              %max3A_448 = arith.maximumf %bitcast3A_446, %bitcast3A_447 : vector<32xbf16>
              %bitcast3A_449 = vector.bitcast %max3A_448 : vector<32xbf16> to vector<16xi32>
              tpu.vector_store_idx %arg9[%get3A_157], %bitcast3A_449 masked %and3A_439 : memref<10000xi32, #tpu.memory_space<vmem>>[vector<16xi32>], vector<16xi32>, vector<16xi1>
              %while3A_450 = arith.constant 0 : i32
              scf.yield %while3A_450 : i32
            }
          } else {
          }
        } else {
        }
        %scan3A_321 = arith.constant 0 : i32
        scf.yield %scan3A_321 : i32
      }
      %scan3A_119 = arith.constant 25 : i32
      %scan3A_120 = arith.constant 0 : i32
      scf.yield %scan3A_120 : i32
    }
    %scan3A_25 = arith.constant 50 : i32
    %dma_wait3A = arith.constant 0 : i32
    %dma_wait3A_26 = arith.constant 0 : i32
    %dma_wait3A_27 = tpu.memref_slice %arg3[%dma_wait3A, %dma_wait3A_26] : memref<2x320000xi32, #tpu.memory_space<hbm>> -> memref<1x3200xi32, #tpu.memory_space<hbm>>
    %dma_wait3A_28 = tpu.memref_squeeze %dma_wait3A_27 : memref<1x3200xi32, #tpu.memory_space<hbm>> -> memref<3200xi32, #tpu.memory_space<hbm>>
    %dma_wait3A_29 = arith.constant 0 : i32
    %dma_wait3A_30 = tpu.memref_slice %arg3[%dma_wait3A, %dma_wait3A_29] : memref<2x320000xi32, #tpu.memory_space<hbm>> -> memref<1x3200xi32, #tpu.memory_space<hbm>>
    %dma_wait3A_31 = tpu.memref_squeeze %dma_wait3A_30 : memref<1x3200xi32, #tpu.memory_space<hbm>> -> memref<3200xi32, #tpu.memory_space<hbm>>
    tpu.wait_dma2 semaphore(%arg14 : memref<!tpu.dma_semaphore, #tpu.memory_space<semaphore_mem>>) src(%dma_wait3A_31 : memref<3200xi32, #tpu.memory_space<hbm>>) dst(%arg10 : memref<3200xi32, #tpu.memory_space<vmem>>)
    %dma_wait3A_32 = arith.constant 1 : i32
    %dma_wait3A_33 = arith.constant 0 : i32
    %dma_wait3A_34 = tpu.memref_slice %arg3[%dma_wait3A_32, %dma_wait3A_33] : memref<2x320000xi32, #tpu.memory_space<hbm>> -> memref<1x3200xi32, #tpu.memory_space<hbm>>
    %dma_wait3A_35 = tpu.memref_squeeze %dma_wait3A_34 : memref<1x3200xi32, #tpu.memory_space<hbm>> -> memref<3200xi32, #tpu.memory_space<hbm>>
    %dma_wait3A_36 = arith.constant 0 : i32
    %dma_wait3A_37 = tpu.memref_slice %arg3[%dma_wait3A_32, %dma_wait3A_36] : memref<2x320000xi32, #tpu.memory_space<hbm>> -> memref<1x3200xi32, #tpu.memory_space<hbm>>
    %dma_wait3A_38 = tpu.memref_squeeze %dma_wait3A_37 : memref<1x3200xi32, #tpu.memory_space<hbm>> -> memref<3200xi32, #tpu.memory_space<hbm>>
    tpu.wait_dma2 semaphore(%arg15 : memref<!tpu.dma_semaphore, #tpu.memory_space<semaphore_mem>>) src(%dma_wait3A_38 : memref<3200xi32, #tpu.memory_space<hbm>>) dst(%arg11 : memref<3200xi32, #tpu.memory_space<vmem>>)
    %add3A_39 = arith.constant 0 : i32
    %add3A_40 = arith.addi %mul3A_2, %add3A_39 : i32
    "tpu.region"() ({
      %run_scoped3A = tpu.sem_alloc : memref<!tpu.dma_semaphore, #tpu.memory_space<semaphore_mem>>
      %dma_start3A_43 = arith.constant 0 : i32
      %dma_start3A_44 = tpu.memref_slice %arg5[%add3A_40, %dma_start3A_43] : memref<64x10000xi32, #tpu.memory_space<hbm>> -> memref<1x10000xi32, #tpu.memory_space<hbm>>
      %dma_start3A_45 = tpu.memref_squeeze %dma_start3A_44 : memref<1x10000xi32, #tpu.memory_space<hbm>> -> memref<10000xi32, #tpu.memory_space<hbm>>
      %dma_start3A_46 = arith.constant 0 : i32
      %dma_start3A_47 = tpu.memref_slice %arg5[%add3A_40, %dma_start3A_46] : memref<64x10000xi32, #tpu.memory_space<hbm>> -> memref<1x10000xi32, #tpu.memory_space<hbm>>
      %dma_start3A_48 = tpu.memref_squeeze %dma_start3A_47 : memref<1x10000xi32, #tpu.memory_space<hbm>> -> memref<10000xi32, #tpu.memory_space<hbm>>
      tpu.enqueue_dma source(%arg8 : memref<10000xi32, #tpu.memory_space<vmem>>) target(%dma_start3A_48 : memref<10000xi32, #tpu.memory_space<hbm>>) target_semaphore(%run_scoped3A : memref<!tpu.dma_semaphore, #tpu.memory_space<semaphore_mem>>)
      %dma_wait3A_49 = arith.constant 0 : i32
      %dma_wait3A_50 = tpu.memref_slice %arg5[%add3A_40, %dma_wait3A_49] : memref<64x10000xi32, #tpu.memory_space<hbm>> -> memref<1x10000xi32, #tpu.memory_space<hbm>>
      %dma_wait3A_51 = tpu.memref_squeeze %dma_wait3A_50 : memref<1x10000xi32, #tpu.memory_space<hbm>> -> memref<10000xi32, #tpu.memory_space<hbm>>
      %dma_wait3A_52 = arith.constant 0 : i32
      %dma_wait3A_53 = tpu.memref_slice %arg5[%add3A_40, %dma_wait3A_52] : memref<64x10000xi32, #tpu.memory_space<hbm>> -> memref<1x10000xi32, #tpu.memory_space<hbm>>
      %dma_wait3A_54 = tpu.memref_squeeze %dma_wait3A_53 : memref<1x10000xi32, #tpu.memory_space<hbm>> -> memref<10000xi32, #tpu.memory_space<hbm>>
      tpu.wait_dma2 semaphore(%run_scoped3A : memref<!tpu.dma_semaphore, #tpu.memory_space<semaphore_mem>>) src(%arg8 : memref<10000xi32, #tpu.memory_space<vmem>>) dst(%dma_wait3A_54 : memref<10000xi32, #tpu.memory_space<hbm>>)
      tpu.yield
    }) : () -> ()
    %add3A_41 = arith.constant 1 : i32
    %add3A_42 = arith.addi %mul3A_2, %add3A_41 : i32
    "tpu.region"() ({
      %run_scoped3A = tpu.sem_alloc : memref<!tpu.dma_semaphore, #tpu.memory_space<semaphore_mem>>
      %dma_start3A_43 = arith.constant 0 : i32
      %dma_start3A_44 = tpu.memref_slice %arg5[%add3A_42, %dma_start3A_43] : memref<64x10000xi32, #tpu.memory_space<hbm>> -> memref<1x10000xi32, #tpu.memory_space<hbm>>
      %dma_start3A_45 = tpu.memref_squeeze %dma_start3A_44 : memref<1x10000xi32, #tpu.memory_space<hbm>> -> memref<10000xi32, #tpu.memory_space<hbm>>
      %dma_start3A_46 = arith.constant 0 : i32
      %dma_start3A_47 = tpu.memref_slice %arg5[%add3A_42, %dma_start3A_46] : memref<64x10000xi32, #tpu.memory_space<hbm>> -> memref<1x10000xi32, #tpu.memory_space<hbm>>
      %dma_start3A_48 = tpu.memref_squeeze %dma_start3A_47 : memref<1x10000xi32, #tpu.memory_space<hbm>> -> memref<10000xi32, #tpu.memory_space<hbm>>
      tpu.enqueue_dma source(%arg9 : memref<10000xi32, #tpu.memory_space<vmem>>) target(%dma_start3A_48 : memref<10000xi32, #tpu.memory_space<hbm>>) target_semaphore(%run_scoped3A : memref<!tpu.dma_semaphore, #tpu.memory_space<semaphore_mem>>)
      %dma_wait3A_49 = arith.constant 0 : i32
      %dma_wait3A_50 = tpu.memref_slice %arg5[%add3A_42, %dma_wait3A_49] : memref<64x10000xi32, #tpu.memory_space<hbm>> -> memref<1x10000xi32, #tpu.memory_space<hbm>>
      %dma_wait3A_51 = tpu.memref_squeeze %dma_wait3A_50 : memref<1x10000xi32, #tpu.memory_space<hbm>> -> memref<10000xi32, #tpu.memory_space<hbm>>
      %dma_wait3A_52 = arith.constant 0 : i32
      %dma_wait3A_53 = tpu.memref_slice %arg5[%add3A_42, %dma_wait3A_52] : memref<64x10000xi32, #tpu.memory_space<hbm>> -> memref<1x10000xi32, #tpu.memory_space<hbm>>
      %dma_wait3A_54 = tpu.memref_squeeze %dma_wait3A_53 : memref<1x10000xi32, #tpu.memory_space<hbm>> -> memref<10000xi32, #tpu.memory_space<hbm>>
      tpu.wait_dma2 semaphore(%run_scoped3A : memref<!tpu.dma_semaphore, #tpu.memory_space<semaphore_mem>>) src(%arg9 : memref<10000xi32, #tpu.memory_space<vmem>>) dst(%dma_wait3A_54 : memref<10000xi32, #tpu.memory_space<hbm>>)
      tpu.yield
    }) : () -> ()
    return
  }
}

module attributes {stable_mosaic.version = 14 : i64} {
  func.func @_matmul_relu_t_body(%arg0: memref<10000x128xf32, #tpu.memory_space<vmem>>, %arg1: memref<128x128xf32, #tpu.memory_space<vmem>>, %arg2: memref<128x1xf32, #tpu.memory_space<vmem>>, %arg3: memref<128x10000xf32, #tpu.memory_space<vmem>>) attributes {dimension_semantics = [], scalar_prefetch = 0 : i64, scratch_operands = 0 : i64, tpu.core_type = #tpu.core_type<tc>} {
    %get3A = arith.constant 0 : index
    %get3A_0 = arith.constant 0 : index
    %get3A_1 = vector.load %arg1[%get3A, %get3A_0] : memref<128x128xf32, #tpu.memory_space<vmem>>, vector<128x128xf32>
    %get3A_2 = arith.constant 0 : index
    %get3A_3 = arith.constant 0 : index
    %get3A_4 = vector.load %arg0[%get3A_2, %get3A_3] : memref<10000x128xf32, #tpu.memory_space<vmem>>, vector<10000x128xf32>
    %dot_general3A = arith.constant dense<0.000000e+00> : vector<128x10000xf32>
    %dot_general3A_5 = tpu.matmul %get3A_1, %get3A_4, %dot_general3A {dimension_numbers = #tpu.dot_dimension_numbers<[0], [1], [1], [0], [0, 1, 1, 0], [], []>, transpose_lhs_hint = false} : vector<128x128xf32>, vector<10000x128xf32>, vector<128x10000xf32> -> vector<128x10000xf32>
    %get3A_6 = arith.constant 0 : index
    %get3A_7 = arith.constant 0 : index
    %get3A_8 = vector.load %arg2[%get3A_6, %get3A_7] : memref<128x1xf32, #tpu.memory_space<vmem>>, vector<128x1xf32>
    %add3A = vector.broadcast %get3A_8 : vector<128x1xf32> to vector<128x10000xf32>
    %add3A_9 = arith.addf %dot_general3A_5, %add3A : vector<128x10000xf32>
    %max3A = arith.constant 0.000000e+00 : f32
    %max3A_10 = vector.broadcast %max3A : f32 to vector<128x10000xf32>
    %max3A_11 = arith.maximumf %add3A_9, %max3A_10 : vector<128x10000xf32>
    %swap3A = arith.constant 0 : index
    %swap3A_12 = arith.constant 0 : index
    %swap3A_13 = vector.load %arg3[%swap3A, %swap3A_12] : memref<128x10000xf32, #tpu.memory_space<vmem>>, vector<128x10000xf32>
    tpu.vector_store %arg3[%swap3A, %swap3A_12], %max3A_11 {strides = array<i32>} : memref<128x10000xf32, #tpu.memory_space<vmem>>, vector<128x10000xf32>,
    return
  }
}

</mosaic_0001>

<sc_bundles>
// kernel: kernel.4.cloned.1.call-start
scs
__scs_entry_jumppad:
0x0: {  	(pc) =	sbr.rel $0x88, $3  }
0x1: {  	(tag) =	ssettag $0x0;
	lr =	simm.s32 $0x1  }
0x2: {  	[smem:$0x3F9D] =	sst lr;
	_ =	strace $0xD0000000  }
0x3: {  	_ = 	snop  }
0x4: {  	_ = 	snop  }
0x5: {  	_ = 	snop  }
0x6: {  	_ = 	snop  }
0x7: {  	_ = 	snop  }
__scs_overlays_trampoline_lowered:
0x8: {  	[smem:$0x3FAC] =	sst s0  }
0x9: {  	[smem:$0x3FAD] =	sst s1  }
0xa: {  	[smem:$0x3FAE] =	sst s2  }
0xb: {  	[smem:$0x3FAF] =	sst s3  }
0xc: {  	[smem:$0x3FB0] =	sst s4  }
0xd: {  	[smem:$0x3FB1] =	sst s5  }
0xe: {  	[smem:$0x3FB2] =	sst s6  }
0xf: {  	[smem:$0x3FB3] =	sst s7  }
0x10: {  	[smem:$0x3FB4] =	sst s8  }
0x11: {  	[smem:$0x3FB5] =	sst s9;
	s0 =	simm.s32 @!p0 $0x0  }
0x12: {  	s1 =	sld [smem:$0x3F9B];
	s0 =	simm.s32 @p0 $0x1  }
0x13: {  	[smem:$0x3FB6] =	sst s0;
	s0 =	simm.s32 @!p1 $0x0  }
0x14: {  	s2 =	sld [smem:$0x3F9A];
	s0 =	simm.s32 @p1 $0x1  }
0x15: {  	[smem:$0x3FB7] =	sst s0;
	s0 =	simm.s32 @!p2 $0x0  }
0x16: {  	s3 =	sld [smem:$0x3FDB];
	s0 =	simm.s32 @p2 $0x1  }
0x17: {  	s4 =	simm.s32 $0x1BF5;
	[smem:$0x3FB9] =	sst s0  }
0x18: {  	s0 =	sld [smem:$0x3F9C];
	_ =	swait.ge [sflag:s4], $0x0  }
0x19: {  	s7 =	sld [smem:$0x3F9D]  }
0x1a: {  	s8 =	sadd.s32 $0xFFFFE003, lr  }
0x1b: {  	s9 =	sadd.s32 $0xFFFFFEF7, lr;
	s5 =	simm.s32 $0xFFFFFFFF;
	p2 =	slt.u32 s8, $0xFFFFF086  }
0x1c: {  	p1 =	slt.u32 s9, $0xF7A;
	s5 =	simm.s32 @!p2 $0x0  }
0x1d: {  	s5 =	simm.s32 @p1 $0x1;
	p0 =	seq.s32 s7, s2  }
0x1e: {  	s7 =	smul.u32 @!p0 $0xF7A, s2;
	p2 =	seq.s32 @!p0 s5, $0x0  }
0x1f: {  	s9 =	smul.u32 $0xF7A, s1;
	s8 =	simm.s32 @!p0 $0x1BF5;
	p2 =	por !p2, p0  }
0x20: {  	[sflag:s8] =	ssyncset.s32 @!p0 $0xFFFFF086;
	s6 =	sadd.s32 @!p0 s3, s7;
	s7 =	simm.s32 @!p0 $0x108  }
0x21: {  	s3 =	sadd.s32 s3, s9;
	s6 =	sadd.s32 @!p0 $0x88, s6;
	s7 =	simm.s32 @p2 $0x1082  }
0x22: {  	[simem:s7], [sflag:s8] =	dma.local @!p0 [hbm:s6], $0xF7A  }
0x23: {  	s9 =	sor.u32 $0xD0000000, s2;
	s6 =	simm.s32 $0x108;
	_ =	swait.ge @!p0 [sflag:s8], $0x0  }
0x24: {  	s3 =	sadd.s32 $0x88, s3;
	s6 =	simm.s32 @!p1 $0x1082;
	[sflag:s4] =	ssyncset.s32 $0xFFFFF086  }
0x25: {  	[simem:s6], [sflag:s4] =	dma.local [hbm:s3], $0xF7A  }
0x26: {  	[smem:$0x3F9D] =	sst s1;
	(tag) =	ssettag s2;
	_ =	strace s9  }
0x27: {  	s1 =	sld [smem:$0x3FAD]  }
0x28: {  	s2 =	sld [smem:$0x3FAE]  }
0x29: {  	s4 =	sld [smem:$0x3FB0]  }
0x2a: {  	p0 =	seq.s32 s5, $0x0;
	s5 =	sld [smem:$0x3FB1]  }
0x2b: {  	s6 =	sld [smem:$0x3FB2]  }
0x2c: {  	s7 =	sld [smem:$0x3FB3]  }
0x2d: {  	s3 =	simm.s32 $0x108;
	s8 =	sld [smem:$0x3FB4]  }
0x2e: {  	s3 =	simm.s32 @!p0 $0x1082;
	s9 =	sld [smem:$0x3FB5]  }
0x2f: {  	lr =	sadd.s32 s0, s3;
	s0 =	sld [smem:$0x3FAC]  }
0x30: {  	s3 =	sld [smem:$0x3FAF]  }
0x31: {  	[smem:$0x3FB8] =	sst s10  }
0x32: {  	s10 =	sld [smem:$0x3FB6];
	_ =	sdelay $0x3  }
0x33: {  	p0 =	seq.s32 s10, $0x1;
	s10 =	sld [smem:$0x3FB8];
	_ =	sdelay $0x3  }
0x34: {  	[smem:$0x3FB8] =	sst s10  }
0x35: {  	s10 =	sld [smem:$0x3FB7];
	_ =	sdelay $0x3  }
0x36: {  	p1 =	seq.s32 s10, $0x1;
	s10 =	sld [smem:$0x3FB8];
	_ =	sdelay $0x3  }
0x37: {  	[smem:$0x3FB8] =	sst s10  }
0x38: {  	s10 =	sld [smem:$0x3FB9]  }
0x39: {  	_ = 	snop;
	(pc) =	sbr.ind lr, $3  }
0x3a: {  	_ = 	snop  }
0x3b: {  	_ = 	snop  }
0x3c: {  	p2 =	seq.s32 s10, $0x1;
	s10 =	sld [smem:$0x3FB8]  }
0x3d: {  	_ =	shalt  }
0x3e: {  	_ =	shalt  }
0x3f: {  	_ =	shalt  }
0x40: {  	_ =	shalt  }
0x41: {  	_ =	shalt  }
0x42: {  	_ =	shalt  }
0x43: {  	_ =	shalt  }
0x44: {  	_ =	shalt  }
0x45: {  	_ =	shalt  }
0x46: {  	_ =	shalt  }
0x47: {  	_ =	shalt  }
0x48: {  	_ =	shalt  }
0x49: {  	_ =	shalt  }
0x4a: {  	_ =	shalt  }
0x4b: {  	_ =	shalt  }
0x4c: {  	_ =	shalt  }
0x4d: {  	_ =	shalt  }
0x4e: {  	_ =	shalt  }
0x4f: {  	_ =	shalt  }
0x50: {  	_ =	shalt  }
0x51: {  	_ =	shalt  }
0x52: {  	_ =	shalt  }
0x53: {  	_ =	shalt  }
0x54: {  	_ =	shalt  }
0x55: {  	_ =	shalt  }
0x56: {  	_ =	shalt  }
0x57: {  	_ =	shalt  }
0x58: {  	_ =	shalt  }
0x59: {  	_ =	shalt  }
0x5a: {  	_ =	shalt  }
0x5b: {  	_ =	shalt  }
0x5c: {  	_ =	shalt  }
0x5d: {  	_ =	shalt  }
0x5e: {  	_ =	shalt  }
0x5f: {  	_ =	shalt  }
0x60: {  	_ =	shalt  }
0x61: {  	_ =	shalt  }
0x62: {  	_ =	shalt  }
0x63: {  	_ =	shalt  }
0x64: {  	_ =	shalt  }
0x65: {  	_ =	shalt  }
0x66: {  	_ =	shalt  }
0x67: {  	_ =	shalt  }
0x68: {  	_ =	shalt  }
0x69: {  	_ =	shalt  }
0x6a: {  	_ =	shalt  }
0x6b: {  	_ =	shalt  }
0x6c: {  	_ =	shalt  }
0x6d: {  	_ =	shalt  }
0x6e: {  	_ =	shalt  }
0x6f: {  	_ =	shalt  }
0x70: {  	_ =	shalt  }
0x71: {  	_ =	shalt  }
0x72: {  	_ =	shalt  }
0x73: {  	_ =	shalt  }
0x74: {  	_ =	shalt  }
0x75: {  	_ =	shalt  }
0x76: {  	_ =	shalt  }
0x77: {  	_ =	shalt  }
0x78: {  	_ =	shalt  }
0x79: {  	_ =	shalt  }
0x7a: {  	_ =	shalt  }
0x7b: {  	_ =	shalt  }
0x7c: {  	_ =	shalt  }
0x7d: {  	_ =	shalt  }
0x7e: {  	_ =	shalt  }
0x7f: {  	_ =	shalt  }
0x80: {  	_ =	shalt  }
0x81: {  	_ =	shalt  }
0x82: {  	_ =	shalt  }
0x83: {  	_ =	shalt  }
0x84: {  	_ =	shalt  }
0x85: {  	_ =	shalt  }
0x86: {  	_ =	shalt  }
0x87: {  	_ =	shalt  }
.Lfunc_end0:
.L_simem_size_0:
called_computation_lowered:
.L_overlay_start_0:
0x88: {  	s2 =	sld [smem:$0x3FD9]  }
0x89: {  	s3 =	sld [smem:$0x3FFE];
	_ =	sdelay $0x1  }
0x8a: {  	s1 =	srdreg.scid  }
0x8b: {  	s0 =	sand.u32 $0x1, s1  }
0x8c: {  	s17 =	sshll.u32 s0, $0xA;
	s2 =	sadd.s32 s3, s2  }
0x8d: {  	s2 =	sadd.s32 s2, s17  }
0x8e: {  	[smem:$0x3FC4] =	sst s2  }
0x8f: {  	_ = 	snop  }
0x90: {  	s2 =	sld [smem:$0x3FC8]  }
0x91: {  	s18 =	sld [smem:$0x3FD0];
	(tm) =	ssettm $0x1  }
0x92: {  	s4 =	sld [smem:$0x3FFB];
	_ =	sdelay $0x3  }
0x93: {  	_ =	strace s4  }
0x94: {  	s4 =	sld [smem:$0x3FFC];
	_ =	sdelay $0x3  }
0x95: {  	_ =	strace s4  }
0x96: {  	s4 =	sld [smem:$0x3FFD];
	_ =	sdelay $0x3  }
0x97: {  	_ =	strace s4  }
0x98: {  	_ =	strace $0x8FFFFFFF  }
0x99: {  	s19 =	sld [smem:$0x3FDB];
	_ =	sdelay $0x1  }
0x9a: {  	s5 =	simm.s32 $_scs_section_size  }
0x9b: {  	s6 =	simm.s32 $_size__tile_overlayer_lowered;
	s7 =	simm.s32 $_tile_overlayer_lowered  }
0x9c: {  	s22 =	simm.s32 $0x1BFF;
	s21 =	sshll.u32 s7, $0x1;
	s4 =	sadd.s32 s5, s19  }
0x9d: {  	s8 =	simm.s32 $0x0;
	s20 =	sshll.u32 s6, $0x1;
	s6 =	sadd.s32 s21, s4  }
0x9e: {  	[timem:s8], [sflag:s22] =	dma.local [hbm:s6], s20  }
0x9f: {  	_ =	swait.ge [sflag:s22], s20  }
0xa0: {  	s5 =	ssub.s32 $0x0, s20;
	[sflag:s22] =	ssyncset.done $0x0  }
0xa1: {  	[sflag:s22] =	ssyncadd.s32 s5;
	_ =	sdelay $0x1  }
0xa2: {  	s23 =	simm.s32 $0x1B8B  }
0xa3: {  	_ =	swait.ge [sflag:s23], $0x1  }
0xa4: {  	[sflag:s23] =	ssyncset.done $0x0  }
0xa5: {  	s25 =	simm.s32 $0x1B8E;
	s24 =	sld [smem:$0x3FFE];
	[sflag:s23] =	ssyncadd.s32 $0xFFFFFFFF  }
0xa6: {  	s26 =	simm.s32 $execute0_lowered;
	[smem:$0x3FD2] =	sst s25  }
0xa7: {  	s6 =	sshll.u32 s26, $0x1;
	_ =	strace $0x80000046;
	[dreg:$0x1] =	wrdreg $0xFFFFFFFF  }
0xa8: {  	s28 =	simm.s32 $_size_execute0_lowered;
	s4 =	sadd.s32 s4, s6;
	[dreg:$0x0] =	wrdreg $0x0  }
0xa9: {  	s6 =	sshll.u32 s28, $0x1;
	[dreg:$0x2] =	wrdreg s4  }
0xaa: {  	[dreg:$0x3] =	wrdreg s6  }
0xab: {  	[dreg:$0x4] =	wrdreg $0xC0  }
0xac: {  	_ =	task [dreg:s8], $0x5FFFF  }
0xad: {  	[dreg:$0x1] =	wrdreg $0xFFFFFFFF  }
0xae: {  	[dreg:$0x0] =	wrdreg $0x60  }
0xaf: {  	[dreg:$0x2] =	wrdreg s18  }
0xb0: {  	[dreg:$0x3] =	wrdreg s2  }
0xb1: {  	[dreg:$0x4] =	wrdreg s24  }
0xb2: {  	[dreg:$0x5] =	wrdreg $0x9  }
0xb3: {  	_ =	task.clear_ibuf [dreg:s8], $0x6FFFF;
	_ =	strace $0x90000046  }
0xb4: {  	s29 =	simm.s32 $0x9;
	_ =	strace $0x80000048  }
0xb5: {  	_ =	swait.ge [sflag:s29], $0x1  }
0xb6: {  	[sflag:s29] =	ssyncadd.s32 $0xFFFFFFFF  }
0xb7: {  	_ =	strace $0x90000048  }
0xb8: {  	_ =	sfence  }
0xb9: {  	s30 =	sld [smem:$0x0];
	_ =	sdelay $0x2  }
0xba: {  	s31 =	sshll.u32 s1, $0xD;
	s1 =	sshrl.u32 s1, $0x2  }
0xbb: {  	s3 =	sand.u32 $0x4000, s31;
	s1 =	sadd.s32 s1, s30  }
0xbc: {  	s0 =	sor.u32 s3, s0;
	s1 =	sshll.u32 s1, $0x11  }
0xbd: {  	s0 =	sor.u32 s1, s0  }
0xbe: {  	s0 =	sadd.s32 $0x8F2B, s0  }
0xbf: {  	[sflag:s0] =	ssyncadd.remote.s32 $0x1  }
0xc0: {  	_ =	sfence.sel $0xFFFF  }
0xc1: {  	[dreg:$0x0] =	wrdreg $0xFFFFFFFF;
	(pc) =	sbr.abs _section_cstart, $3  }
0xc2: {  	[dreg:$0x1] =	wrdreg $0xFFFFFFFF  }
0xc3: {  	_ =	task.clear_ibuf [dreg:s8], $0x2FFFF;
	_ =	strace $0x9FFFFFFF  }
0xc4: {  	(tm) =	ssettm $0x7FFFFFFF  }
0xc5: {  	_ =	shalt  }
tec
execute0_lowered:
.L_overlay_start_1:
0x0: {  	(tag) =	ssettag $0x1  }
0x1: {  	s6 =	rddreg [dreg:$0x0]  }
0x2: {  	s1 =	rddreg [dreg:$0x1]  }
0x3: {  	s5 =	rddreg [dreg:$0x2];
	s3 =	simm.s32 $0x0  }
0x4: {  	s4 =	srdreg.scid;
	s2 =	stileid.u32;
	s12 =	simm.s32 $0x400  }
0x5: {  	s13 =	simm.s32 $0x5;
	s14 =	simm.s32 $0x4F00;
	s15 =	simm.s32 $0x2780  }
0x6: {  	s16 =	simm.s32 $0x7680;
	s17 =	simm.s32 $0x100;
	s18 =	simm.s32 $0x9E00  }
0x7: {  	s19 =	simm.s32 $0xAA80;
	s20 =	simm.s32 $0xB700;
	s21 =	simm.s32 $0xC380  }
0x8: {  	s22 =	simm.s32 $0x1;
	s23 =	simm.s32 $0x2;
	s24 =	simm.s32 $0x3  }
0x9: {  	s25 =	simm.s32 $0x4;
	s26 =	simm.s32 $0x0;
	[smem:$0x7FF] =	sst s3  }
0xa: {  	s7 =	sand.u32 $0x1, s4;
	s29 =	sshll.u32 s2, $0x9;
	s8 =	sshrl.u32 s2, $0x1  }
0xb: {  	s30 =	sadd.s32 $0x1200, s5;
	s9 =	sshll.u32 s7, $0x8;
	s8 =	smul.u32 $0x13C00, s8  }
0xc: {  	s4 =	sand.u32 $0x200, s29;
	_ =	strace $0x80000047;
	s7 =	ssub.s32 $0x2, s7  }
.Ltmp0:
0xd: {  	s9 =	sor.u32 s9, s4;
	s31 =	sshrl.u32 s7, $0x1;
	(pc) =	sbr.rel .LBB2_1-.Ltmp0, $4  }
0xe: {  	s4 =	sadd.s32 $0xC00, s5;
	s8 =	sor.u32 s8, s9;
	s10 =	ssub.s32 s7, s31  }
0xf: {  	s7 =	sadd.s32 $0x10, s1;
	s8 =	sshrl.u32 s8, $0x3;
	s10 =	smax.u32 s10, $0x1  }
0x10: {  	s5 =	sadd.s32 s6, s8;
	s11 =	sor.u32 $0x10, s8;
	s8 =	sadd.s32 s30, s8  }
0x11: {  	s6 =	sadd.s32 s6, s11;
	s9 =	sadd.s32 s30, s11;
	s11 =	simm.s32 $0x80  }
.LBB2_105:
0x12: {  	_ =	swait.ge [sflag:s22], $0xC80  }
0x13: {  	[sflag:s22] =	ssyncset.done $0x0  }
0x14: {  	[sflag:s22] =	ssyncadd.s32 $0xFFFFF380  }
0x15: {  	_ =	swait.ge [sflag:s23], $0xC80  }
0x16: {  	[sflag:s23] =	ssyncset.done $0x0  }
0x17: {  	[sflag:s23] =	ssyncadd.s32 $0xFFFFF380  }
0x18: {  	[hbm4b:s8+s11] =	stream.strided.scatter [tilespmem:s14], [sflag:$0x5], $0x2780, s12, s11, $0x38;
	[tilespmem:$0xD000] =	vst v63  }
0x19: {  	s26 =	sadd.s32 $0x1, s26;
	_ =	swait.ge [sflag:s13], $0x2780  }
0x1a: {  	p0 =	sne.s32 s26, s10;
	[sflag:s13] =	ssyncset.done $0x0  }
.Ltmp1:
0x1b: {  	[sflag:s13] =	ssyncadd.s32 $0xFFFFD880;
	(pc) =	sbr.rel @!p0 .LBB2_106-.Ltmp1, $4  }
0x1c: {  	[hbm4b:s9+s11] =	stream.strided.scatter [tilespmem:s16], [sflag:$0x5], $0x2780, s12, s11, $0x38;
	[tilespmem:$0xD000] =	vst v63  }
0x1d: {  	_ =	swait.ge [sflag:s13], $0x2780  }
0x1e: {  	[sflag:s13] =	ssyncset.done $0x0  }
0x1f: {  	[sflag:s13] =	ssyncadd.s32 $0xFFFFD880  }
.LBB2_1:
0x20: {  	[tilespmem:s3], [sflag:$0x5] =	stream.strided.gather [hbm4b:s5+s11], $0x2780, s12, s11, $0x38;
	[tilespmem:$0xD000] =	vst v63  }
0x21: {  	_ =	swait.ge [sflag:s13], $0x2780  }
0x22: {  	[sflag:s13] =	ssyncset.done $0x0  }
0x23: {  	[sflag:s13] =	ssyncadd.s32 $0xFFFFD880  }
0x24: {  	[tilespmem:s14], [sflag:$0x5] =	stream.linear.gather [hbm4b:s4+s3], $0x2780, $0x38;
	[tilespmem:$0xD000] =	vst v63  }
0x25: {  	_ =	swait.ge [sflag:s13], $0x2780  }
0x26: {  	[sflag:s13] =	ssyncset.done $0x0  }
0x27: {  	[sflag:s13] =	ssyncadd.s32 $0xFFFFD880  }
0x28: {  	[tilespmem:s15], [sflag:$0x5] =	stream.strided.gather [hbm4b:s6+s11], $0x2780, s12, s11, $0x38;
	[tilespmem:$0xD000] =	vst v63  }
0x29: {  	_ =	swait.ge [sflag:s13], $0x2780  }
0x2a: {  	[sflag:s13] =	ssyncset.done $0x0  }
0x2b: {  	[sflag:s13] =	ssyncadd.s32 $0xFFFFD880  }
0x2c: {  	[tilespmem:s16], [sflag:$0x5] =	stream.linear.gather [hbm4b:s4+s3], $0x2780, $0x38;
	[tilespmem:$0xD000] =	vst v63  }
0x2d: {  	_ =	swait.ge [sflag:s13], $0x2780  }
.Ltmp2:
0x2e: {  	[sflag:s13] =	ssyncset.done $0x0;
	(pc) =	sbr.rel .LBB2_2-.Ltmp2, $4  }
0x2f: {  	[sflag:s13] =	ssyncadd.s32 $0xFFFFD880  }
0x30: {  	[tilespmem:s18], [sflag:$0x1] =	stream.strided.gather [hbm4b:s1+s11], $0xC80, s17, s11, $0x38;
	[tilespmem:$0xD000] =	vst v63  }
0x31: {  	s28 =	simm.s32 $0x0  }
0x32: {  	[tilespmem:s19], [sflag:$0x2] =	stream.strided.gather [hbm4b:s7+s11], $0xC80, s17, s11, $0x38;
	[tilespmem:$0xD000] =	vst v63  }
.LBB2_104:
0x33: {  	s28 =	sadd.s32 $0x1, s28  }
0x34: {  	p0 =	sne.s32 s28, $0x32  }
.Ltmp3:
0x35: {  	_ = 	snop;
	(pc) =	sbr.rel @!p0 .LBB2_105-.Ltmp3, $1  }
0x36: {  	_ =	sdelay $0x3  }
.LBB2_2:
0x37: {  	s29 =	smul.u32 $0x3200, s28;
	_ =	sdelay $0x1  }
0x38: {  	s29 =	sshrl.u32 s29, $0x3  }
0x39: {  	s29 =	sadd.s32 $0x320, s29  }
0x3a: {  	s30 =	sadd.s32 s1, s29  }
0x3b: {  	[tilespmem:s20], [sflag:$0x3] =	stream.strided.gather [hbm4b:s30+s11], $0xC80, s17, s11, $0x38;
	[tilespmem:$0xD000] =	vst v63  }
0x3c: {  	s29 =	sadd.s32 s29, s7  }
0x3d: {  	[tilespmem:s21], [sflag:$0x4] =	stream.strided.gather [hbm4b:s29+s11], $0xC80, s17, s11, $0x38;
	[tilespmem:$0xD000] =	vst v63  }
0x3e: {  	_ =	swait.ge [sflag:s22], $0xC80  }
.Ltmp4:
0x3f: {  	[sflag:s22] =	ssyncset.done $0x0;
	(pc) =	sbr.rel .LBB2_3-.Ltmp4, $4  }
0x40: {  	[sflag:s22] =	ssyncadd.s32 $0xFFFFF380  }
0x41: {  	_ =	swait.ge [sflag:s23], $0xC80  }
0x42: {  	[sflag:s23] =	ssyncset.done $0x0  }
0x43: {  	s29 =	simm.s32 $0x0;
	[sflag:s23] =	ssyncadd.s32 $0xFFFFF380  }
.LBB2_48:
0x44: {  	_ = 	snop  }
.LBB2_51:
0x45: {  	_ =	sdelay $0x4  }
0x46: {  	[tilespmem:v0+s16+$0x0] =	vst.idx.msk @p0 vm1, v3  }
0x47: {  	v3 =	vld.idx.msk [tilespmem:v0+s14+$0x0], vm2;
	_ =	sdelay $0x4  }
0x48: {  	v2 =	vmax.bf16 v3, v2  }
0x49: {  	[tilespmem:v0+s14+$0x0] =	vst.idx.msk vm2, v2  }
0x4a: {  	v2 =	vld.idx.msk [tilespmem:v0+s16+$0x0], vm2;
	_ =	sdelay $0x4  }
0x4b: {  	v1 =	vmax.bf16 v2, v1  }
0x4c: {  	vm0 =	vmmov vm2;
	[tilespmem:v0+s16+$0x0] =	vst.idx.msk vm2, v1  }
.LBB2_52:
0x4d: {  	s29 =	sadd.s32 $0x1, s29  }
0x4e: {  	p0 =	sne.s32 s29, $0x19  }
.Ltmp5:
0x4f: {  	_ = 	snop;
	(pc) =	sbr.rel @!p0 .LBB2_53-.Ltmp5, $1  }
0x50: {  	_ =	sdelay $0x3  }
.LBB2_3:
0x51: {  	s30 =	sshll.u32 s29, $0x7  }
0x52: {  	v28 =	vld [tilespmem:s30+$0x9E00]  }
0x53: {  	v24 =	vld [tilespmem:s30+$0x9E10]  }
0x54: {  	v20 =	vld [tilespmem:s30+$0x9E20]  }
0x55: {  	v15 =	vld [tilespmem:s30+$0x9E30]  }
0x56: {  	v11 =	vld [tilespmem:s30+$0x9E40]  }
0x57: {  	v7 =	vld [tilespmem:s30+$0x9E50]  }
0x58: {  	v3 =	vld [tilespmem:s30+$0x9E60]  }
0x59: {  	v0 =	vld [tilespmem:s30+$0x9E70]  }
0x5a: {  	v1 =	vld [tilespmem:s30+$0xAA80]  }
0x5b: {  	v2 =	vld [tilespmem:s30+$0xAA90]  }
0x5c: {  	v4 =	vld [tilespmem:s30+$0xAAA0]  }
0x5d: {  	v5 =	vld [tilespmem:s30+$0xAAB0]  }
0x5e: {  	v6 =	vld [tilespmem:s30+$0xAAC0]  }
0x5f: {  	v8 =	vld [tilespmem:s30+$0xAAD0];
	(xrf1) =	vunique.msk.u32 $0xffff, v28  }
0x60: {  	v12 =	vld [tilespmem:s30+$0xAAE0]  }
0x61: {  	v16 =	vld [tilespmem:s30+$0xAAF0]  }
0x62: {  	v30 =	vld.idx.msk [tilespmem:v1+s3+$0x0], $0xffff  }
0x63: {  	v29 =	vld.idx.msk [tilespmem:v1+s15+$0x0], $0xffff  }
0x64: {  	v26 =	vld.idx.msk [tilespmem:v2+s3+$0x0], $0xffff  }
0x65: {  	v25 =	vld.idx.msk [tilespmem:v2+s15+$0x0], $0xffff  }
0x66: {  	v22 =	vld.idx.msk [tilespmem:v4+s3+$0x0], $0xffff  }
0x67: {  	(xrf1) =	vunique.msk.u32 $0xffff, v24;
	v21 =	vld.idx.msk [tilespmem:v4+s15+$0x0], $0xffff  }
0x68: {  	v18 =	vld.idx.msk [tilespmem:v5+s3+$0x0], $0xffff  }
0x69: {  	v17 =	vld.idx.msk [tilespmem:v5+s15+$0x0], $0xffff  }
0x6a: {  	v14 =	vld.idx.msk [tilespmem:v6+s3+$0x0], $0xffff  }
0x6b: {  	v10 =	vld.idx.msk [tilespmem:v8+s3+$0x0], $0xffff  }
0x6c: {  	v9 =	vld.idx.msk [tilespmem:v8+s15+$0x0], $0xffff  }
0x6d: {  	v4 =	vld.idx.msk [tilespmem:v28+s14+$0x0], $0xffff;
	_, v31, vm7 =	vpop (xrf1)  }
0x6e: {  	v8 =	vld.idx.msk [tilespmem:v28+s16+$0x0], $0xffff  }
0x6f: {  	(xrf1) =	vunique.msk.u32 $0xffff, v20;
	v13 =	vld.idx.msk [tilespmem:v6+s15+$0x0], $0xffff  }
0x70: {  	v6 =	vld.idx.msk [tilespmem:v12+s3+$0x0], $0xffff  }
0x71: {  	v5 =	vld.idx.msk [tilespmem:v12+s15+$0x0], $0xffff  }
0x72: {  	v2 =	vld.idx.msk [tilespmem:v16+s3+$0x0], $0xffff;
	v4 =	vmax.bf16 v4, v30  }
0x73: {  	v1 =	vld.idx.msk [tilespmem:v16+s15+$0x0], $0xffff;
	[tilespmem:v28+s14+$0x0] =	vst.idx.msk vm7, v4;
	v4 =	vmax.bf16 v8, v29  }
0x74: {  	[tilespmem:v28+s16+$0x0] =	vst.idx.msk vm7, v4  }
0x75: {  	_, v27, vm6 =	vpop (xrf1);
	v4 =	vld.idx.msk [tilespmem:v24+s14+$0x0], $0xffff  }
0x76: {  	v8 =	vld.idx.msk [tilespmem:v24+s16+$0x0], $0xffff  }
0x77: {  	(xrf1) =	vunique.msk.u32 $0xffff, v15;
	_ =	sdelay $0x2  }
0x78: {  	v4 =	vmax.bf16 v4, v26  }
0x79: {  	[tilespmem:v24+s14+$0x0] =	vst.idx.msk vm6, v4;
	v4 =	vmax.bf16 v8, v25  }
0x7a: {  	[tilespmem:v24+s16+$0x0] =	vst.idx.msk vm6, v4  }
0x7b: {  	_, v23, vm5 =	vpop (xrf1);
	v4 =	vld.idx.msk [tilespmem:v20+s14+$0x0], $0xffff  }
0x7c: {  	v8 =	vld.idx.msk [tilespmem:v20+s16+$0x0], $0xffff  }
0x7d: {  	(xrf1) =	vunique.msk.u32 $0xffff, v11;
	_ =	sdelay $0x2  }
0x7e: {  	v4 =	vmax.bf16 v4, v22  }
0x7f: {  	[tilespmem:v20+s14+$0x0] =	vst.idx.msk vm5, v4;
	v4 =	vmax.bf16 v8, v21  }
0x80: {  	[tilespmem:v20+s16+$0x0] =	vst.idx.msk vm5, v4  }
0x81: {  	_, v19, vm4 =	vpop (xrf1);
	v4 =	vld.idx.msk [tilespmem:v15+s14+$0x0], $0xffff  }
0x82: {  	v8 =	vld.idx.msk [tilespmem:v15+s16+$0x0], $0xffff  }
0x83: {  	(xrf1) =	vunique.msk.u32 $0xffff, v7  }
0x84: {  	(xrf1) =	vunique.msk.u32 $0xffff, v3  }
0x85: {  	(xrf1) =	vunique.msk.u32 $0xffff, v0  }
0x86: {  	v4 =	vmax.bf16 v4, v18  }
0x87: {  	[tilespmem:v15+s14+$0x0] =	vst.idx.msk vm4, v4;
	v4 =	vmax.bf16 v8, v17  }
0x88: {  	[tilespmem:v15+s16+$0x0] =	vst.idx.msk vm4, v4  }
0x89: {  	_, v16, vm3 =	vpop (xrf1);
	v4 =	vld.idx.msk [tilespmem:v11+s14+$0x0], $0xffff  }
0x8a: {  	v8 =	vld.idx.msk [tilespmem:v11+s16+$0x0], $0xffff;
	_ =	sdelay $0x3  }
0x8b: {  	vm0 =	vmand vm7, vm6;
	v4 =	vmax.bf16 v4, v14  }
0x8c: {  	vm0 =	vmand vm0, vm5;
	[tilespmem:v11+s14+$0x0] =	vst.idx.msk vm3, v4;
	v4 =	vmax.bf16 v8, v13  }
0x8d: {  	vm0 =	vmand vm0, vm4  }
0x8e: {  	_, v12, vm2 =	vpop (xrf1);
	vm0 =	vmand vm0, vm3  }
0x8f: {  	vm8 =	vmand vm0, vm2;
	_, v8, vm1 =	vpop (xrf1)  }
0x90: {  	[tilespmem:v11+s16+$0x0] =	vst.idx.msk vm3, v4;
	vm8 =	vmand vm8, vm1;
	_, v4, vm0 =	vpop (xrf1)  }
0x91: {  	vm8 =	vmand vm8, vm0  }
0x92: {  	v32 =	vld.idx.msk [tilespmem:v7+s14+$0x0], $0xffff;
	v34 =	vmpcnt.ones.xlane vm8  }
0x93: {  	v33 =	vld.idx.msk [tilespmem:v7+s16+$0x0], $0xffff  }
0x94: {  	(v2sf) =	vpush v34, $0x0;
	_ =	sdelay $0x2  }
0x95: {  	v32 =	vmax.bf16 v32, v10  }
0x96: {  	v59 =	vmax.bf16 v33, v9;
	[tilespmem:v7+s14+$0x0] =	vst.idx.msk vm2, v32  }
0x97: {  	[tilespmem:v7+s16+$0x0] =	vst.idx.msk vm2, v59  }
0x98: {  	v32 =	vld.idx.msk [tilespmem:v3+s14+$0x0], $0xffff  }
0x99: {  	v60 =	vld.idx.msk [tilespmem:v3+s16+$0x0], $0xffff;
	_ =	sdelay $0x3  }
0x9a: {  	v32 =	vmax.bf16 v32, v6  }
0x9b: {  	v61 =	vmax.bf16 v60, v5;
	[tilespmem:v3+s14+$0x0] =	vst.idx.msk vm1, v32  }
0x9c: {  	[tilespmem:v3+s16+$0x0] =	vst.idx.msk vm1, v61  }
0x9d: {  	v32 =	vld.idx.msk [tilespmem:v0+s14+$0x0], $0xffff  }
0x9e: {  	v62 =	vld.idx.msk [tilespmem:v0+s16+$0x0], $0xffff;
	s31 =	spop (v2sf)  }
0x9f: {  	p0 =	sgt.s32 s31, $0xF  }
.Ltmp6:
0xa0: {  	_ = 	snop;
	(pc) =	sbr.rel @p0 .LBB2_52-.Ltmp6, $4  }
0xa1: {  	_ = 	snop  }
0xa2: {  	v32 =	vmax.bf16 v32, v2  }
0xa3: {  	v63 =	vmax.bf16 v62, v1;
	[tilespmem:v0+s14+$0x0] =	vst.idx.msk vm0, v32  }
0xa4: {  	[tilespmem:v0+s16+$0x0] =	vst.idx.msk vm0, v63  }
0xa5: {  	v32 =	vxor.u32 $0x80000000, v31  }
0xa6: {  	(xrf0) =	vmax.scan.msk.u32 $0xffff, v32;
	_ =	sdelay $0x5  }
0xa7: {  	v32, _, _ =	vpop (xrf0)  }
0xa8: {  	(v2sf) =	vpush v32, $0xF;
	_ =	sdelay $0xe  }
0xa9: {  	s30 =	spop (v2sf)  }
0xaa: {  	s31 =	sxor.u32 $0x80000000, s30  }
0xab: {  	p0 =	slt.s32 s31, $0x2  }
.Ltmp7:
0xac: {  	_ = 	snop;
	(pc) =	sbr.rel @p0 .LBB2_10-.Ltmp7, $1  }
0xad: {  	_ =	sdelay $0x3  }
0xae: {  	p1 =	sne.s32 s30, $0x80000002  }
.Ltmp8:
0xaf: {  	_ = 	snop;
	(pc) =	sbr.rel @!p1 .LBB2_6-.Ltmp8, $4  }
0xb0: {  	_ = 	snop  }
0xb1: {  	s31 =	simm.s32 $0x1  }
0xb2: {  	vm7 =	vmneg vm7;
	vm8 =	veq.s32 v31, s31  }
0xb3: {  	p0 =	por $0x0, $0x0;
	vm9 =	vmand vm8, vm7  }
0xb4: {  	_ =	sdelay $0x4  }
0xb5: {  	v32 =	vld.idx.msk [tilespmem:v28+s14+$0x0], vm9;
	_ =	sdelay $0x4  }
0xb6: {  	v32 =	vmax.bf16 v32, v30  }
0xb7: {  	[tilespmem:v28+s14+$0x0] =	vst.idx.msk vm9, v32  }
0xb8: {  	vm8 =	vmmov vm9;
	p1 =	sne.s32 s30, $0x80000003;
	v32 =	vld.idx.msk [tilespmem:v28+s16+$0x0], vm9  }
.Ltmp9:
0xb9: {  	_ = 	snop;
	(pc) =	sbr.rel @!p1 .LBB2_9-.Ltmp9, $4  }
0xba: {  	_ = 	snop  }
0xbb: {  	s31 =	simm.s32 $0x2  }
0xbc: {  	vm9 =	veq.s32 v31, s31  }
0xbd: {  	p0 =	por $0x1, $0x1;
	s31 =	simm.s32 $0x80000003;
	vm9 =	vmand vm9, vm7;
	v32 =	vmax.bf16 v32, v29  }
.LBB2_8:
0xbe: {  	[tilespmem:v28+s16+$0x0] =	vst.idx.msk vm8, v32;
	vm8 =	vmmov vm9;
	s0 =	smov.u32 s31;
	s31 =	sadd.s32 $0x1, s31  }
0xbf: {  	p1 =	sne.s32 s30, s31;
	v32 =	vld.idx.msk [tilespmem:v28+s14+$0x0], vm9;
	_ =	sdelay $0x5  }
0xc0: {  	v32 =	vmax.bf16 v32, v30  }
0xc1: {  	[tilespmem:v28+s14+$0x0] =	vst.idx.msk vm9, v32  }
0xc2: {  	s0 =	sadd.s32 $0x80000000, s0;
	v32 =	vld.idx.msk [tilespmem:v28+s16+$0x0], vm9  }
0xc3: {  	vm9 =	veq.s32 v31, s0  }
.Ltmp10:
0xc4: {  	vm9 =	vmand vm9, vm7;
	(pc) =	sbr.rel @p1 .LBB2_8-.Ltmp10, $2  }
0xc5: {  	_ =	sdelay $0x2  }
0xc6: {  	v32 =	vmax.bf16 v32, v29  }
.LBB2_9:
0xc7: {  	_ =	sdelay $0x4  }
0xc8: {  	[tilespmem:v28+s16+$0x0] =	vst.idx.msk @p0 vm8, v32  }
0xc9: {  	v31 =	vld.idx.msk [tilespmem:v28+s14+$0x0], vm9;
	_ =	sdelay $0x4  }
0xca: {  	v30 =	vmax.bf16 v31, v30  }
0xcb: {  	[tilespmem:v28+s14+$0x0] =	vst.idx.msk vm9, v30  }
0xcc: {  	v30 =	vld.idx.msk [tilespmem:v28+s16+$0x0], vm9;
	_ =	sdelay $0x4  }
0xcd: {  	v29 =	vmax.bf16 v30, v29  }
0xce: {  	vm7 =	vmmov vm9;
	[tilespmem:v28+s16+$0x0] =	vst.idx.msk vm9, v29  }
.LBB2_10:
0xcf: {  	v28 =	vxor.u32 $0x80000000, v27  }
0xd0: {  	(xrf0) =	vmax.scan.msk.u32 $0xffff, v28;
	_ =	sdelay $0x5  }
0xd1: {  	v28, _, _ =	vpop (xrf0)  }
0xd2: {  	(v2sf) =	vpush v28, $0xF;
	_ =	sdelay $0xe  }
0xd3: {  	s30 =	spop (v2sf)  }
0xd4: {  	s0 =	sxor.u32 $0x80000000, s30  }
0xd5: {  	p0 =	slt.s32 s0, $0x2  }
.Ltmp11:
0xd6: {  	_ = 	snop;
	(pc) =	sbr.rel @p0 .LBB2_16-.Ltmp11, $1  }
0xd7: {  	_ =	sdelay $0x3  }
0xd8: {  	p1 =	sne.s32 s30, $0x80000002  }
.Ltmp12:
0xd9: {  	_ = 	snop;
	(pc) =	sbr.rel @!p1 .LBB2_12-.Ltmp12, $4  }
0xda: {  	_ = 	snop  }
0xdb: {  	s0 =	simm.s32 $0x1  }
0xdc: {  	vm6 =	vmneg vm6;
	vm7 =	veq.s32 v27, s0  }
0xdd: {  	p0 =	por $0x0, $0x0;
	vm8 =	vmand vm7, vm6  }
0xde: {  	_ =	sdelay $0x4  }
0xdf: {  	v28 =	vld.idx.msk [tilespmem:v24+s14+$0x0], vm8;
	_ =	sdelay $0x4  }
0xe0: {  	v28 =	vmax.bf16 v28, v26  }
0xe1: {  	[tilespmem:v24+s14+$0x0] =	vst.idx.msk vm8, v28  }
0xe2: {  	vm7 =	vmmov vm8;
	p1 =	sne.s32 s30, $0x80000003;
	v28 =	vld.idx.msk [tilespmem:v24+s16+$0x0], vm8  }
.Ltmp13:
0xe3: {  	_ = 	snop;
	(pc) =	sbr.rel @!p1 .LBB2_15-.Ltmp13, $4  }
0xe4: {  	_ = 	snop  }
0xe5: {  	s0 =	simm.s32 $0x2  }
0xe6: {  	vm8 =	veq.s32 v27, s0  }
0xe7: {  	s31 =	simm.s32 $0x80000003;
	p0 =	por $0x1, $0x1;
	vm8 =	vmand vm8, vm6;
	v28 =	vmax.bf16 v28, v25  }
.LBB2_14:
0xe8: {  	[tilespmem:v24+s16+$0x0] =	vst.idx.msk vm7, v28;
	vm7 =	vmmov vm8;
	s0 =	smov.u32 s31;
	s31 =	sadd.s32 $0x1, s31  }
0xe9: {  	p1 =	sne.s32 s30, s31;
	v28 =	vld.idx.msk [tilespmem:v24+s14+$0x0], vm8;
	_ =	sdelay $0x5  }
0xea: {  	v28 =	vmax.bf16 v28, v26  }
0xeb: {  	[tilespmem:v24+s14+$0x0] =	vst.idx.msk vm8, v28  }
0xec: {  	s0 =	sadd.s32 $0x80000000, s0;
	v28 =	vld.idx.msk [tilespmem:v24+s16+$0x0], vm8  }
0xed: {  	vm8 =	veq.s32 v27, s0  }
.Ltmp14:
0xee: {  	vm8 =	vmand vm8, vm6;
	(pc) =	sbr.rel @p1 .LBB2_14-.Ltmp14, $2  }
0xef: {  	_ =	sdelay $0x2  }
0xf0: {  	v28 =	vmax.bf16 v28, v25  }
.LBB2_15:
0xf1: {  	_ =	sdelay $0x4  }
0xf2: {  	[tilespmem:v24+s16+$0x0] =	vst.idx.msk @p0 vm7, v28  }
0xf3: {  	v27 =	vld.idx.msk [tilespmem:v24+s14+$0x0], vm8;
	_ =	sdelay $0x4  }
0xf4: {  	v26 =	vmax.bf16 v27, v26  }
0xf5: {  	[tilespmem:v24+s14+$0x0] =	vst.idx.msk vm8, v26  }
0xf6: {  	v26 =	vld.idx.msk [tilespmem:v24+s16+$0x0], vm8;
	_ =	sdelay $0x4  }
0xf7: {  	v25 =	vmax.bf16 v26, v25  }
0xf8: {  	vm6 =	vmmov vm8;
	[tilespmem:v24+s16+$0x0] =	vst.idx.msk vm8, v25  }
.LBB2_16:
0xf9: {  	v24 =	vxor.u32 $0x80000000, v23  }
0xfa: {  	(xrf0) =	vmax.scan.msk.u32 $0xffff, v24;
	_ =	sdelay $0x5  }
0xfb: {  	v24, _, _ =	vpop (xrf0)  }
0xfc: {  	(v2sf) =	vpush v24, $0xF;
	_ =	sdelay $0xe  }
0xfd: {  	s30 =	spop (v2sf)  }
0xfe: {  	s0 =	sxor.u32 $0x80000000, s30  }
0xff: {  	p0 =	slt.s32 s0, $0x2  }
.Ltmp15:
0x100: {  	_ = 	snop;
	(pc) =	sbr.rel @p0 .LBB2_22-.Ltmp15, $1  }
0x101: {  	_ =	sdelay $0x3  }
0x102: {  	p1 =	sne.s32 s30, $0x80000002  }
.Ltmp16:
0x103: {  	_ = 	snop;
	(pc) =	sbr.rel @!p1 .LBB2_18-.Ltmp16, $4  }
0x104: {  	_ = 	snop  }
0x105: {  	s0 =	simm.s32 $0x1  }
0x106: {  	vm5 =	vmneg vm5;
	vm6 =	veq.s32 v23, s0  }
0x107: {  	p0 =	por $0x0, $0x0;
	vm7 =	vmand vm6, vm5  }
0x108: {  	_ =	sdelay $0x4  }
0x109: {  	v24 =	vld.idx.msk [tilespmem:v20+s14+$0x0], vm7;
	_ =	sdelay $0x4  }
0x10a: {  	v24 =	vmax.bf16 v24, v22  }
0x10b: {  	[tilespmem:v20+s14+$0x0] =	vst.idx.msk vm7, v24  }
0x10c: {  	vm6 =	vmmov vm7;
	p1 =	sne.s32 s30, $0x80000003;
	v24 =	vld.idx.msk [tilespmem:v20+s16+$0x0], vm7  }
.Ltmp17:
0x10d: {  	_ = 	snop;
	(pc) =	sbr.rel @!p1 .LBB2_21-.Ltmp17, $4  }
0x10e: {  	_ = 	snop  }
0x10f: {  	s0 =	simm.s32 $0x2  }
0x110: {  	vm7 =	veq.s32 v23, s0  }
0x111: {  	s31 =	simm.s32 $0x80000003;
	p0 =	por $0x1, $0x1;
	vm7 =	vmand vm7, vm5;
	v24 =	vmax.bf16 v24, v21  }
.LBB2_20:
0x112: {  	[tilespmem:v20+s16+$0x0] =	vst.idx.msk vm6, v24;
	vm6 =	vmmov vm7;
	s0 =	smov.u32 s31;
	s31 =	sadd.s32 $0x1, s31  }
0x113: {  	p1 =	sne.s32 s30, s31;
	v24 =	vld.idx.msk [tilespmem:v20+s14+$0x0], vm7;
	_ =	sdelay $0x5  }
0x114: {  	v24 =	vmax.bf16 v24, v22  }
0x115: {  	[tilespmem:v20+s14+$0x0] =	vst.idx.msk vm7, v24  }
0x116: {  	s0 =	sadd.s32 $0x80000000, s0;
	v24 =	vld.idx.msk [tilespmem:v20+s16+$0x0], vm7  }
0x117: {  	vm7 =	veq.s32 v23, s0  }
.Ltmp18:
0x118: {  	vm7 =	vmand vm7, vm5;
	(pc) =	sbr.rel @p1 .LBB2_20-.Ltmp18, $2  }
0x119: {  	_ =	sdelay $0x2  }
0x11a: {  	v24 =	vmax.bf16 v24, v21  }
.LBB2_21:
0x11b: {  	_ =	sdelay $0x4  }
0x11c: {  	[tilespmem:v20+s16+$0x0] =	vst.idx.msk @p0 vm6, v24  }
0x11d: {  	v23 =	vld.idx.msk [tilespmem:v20+s14+$0x0], vm7;
	_ =	sdelay $0x4  }
0x11e: {  	v22 =	vmax.bf16 v23, v22  }
0x11f: {  	[tilespmem:v20+s14+$0x0] =	vst.idx.msk vm7, v22  }
0x120: {  	v22 =	vld.idx.msk [tilespmem:v20+s16+$0x0], vm7;
	_ =	sdelay $0x4  }
0x121: {  	v21 =	vmax.bf16 v22, v21  }
0x122: {  	vm5 =	vmmov vm7;
	[tilespmem:v20+s16+$0x0] =	vst.idx.msk vm7, v21  }
.LBB2_22:
0x123: {  	v20 =	vxor.u32 $0x80000000, v19  }
0x124: {  	(xrf0) =	vmax.scan.msk.u32 $0xffff, v20;
	_ =	sdelay $0x5  }
0x125: {  	v20, _, _ =	vpop (xrf0)  }
0x126: {  	(v2sf) =	vpush v20, $0xF;
	_ =	sdelay $0xe  }
0x127: {  	s30 =	spop (v2sf)  }
0x128: {  	s0 =	sxor.u32 $0x80000000, s30  }
0x129: {  	p0 =	slt.s32 s0, $0x2  }
.Ltmp19:
0x12a: {  	_ = 	snop;
	(pc) =	sbr.rel @p0 .LBB2_28-.Ltmp19, $1  }
0x12b: {  	_ =	sdelay $0x3  }
0x12c: {  	p1 =	sne.s32 s30, $0x80000002  }
.Ltmp20:
0x12d: {  	_ = 	snop;
	(pc) =	sbr.rel @!p1 .LBB2_24-.Ltmp20, $4  }
0x12e: {  	_ = 	snop  }
0x12f: {  	s0 =	simm.s32 $0x1  }
0x130: {  	vm4 =	vmneg vm4;
	vm5 =	veq.s32 v19, s0  }
0x131: {  	p0 =	por $0x0, $0x0;
	vm6 =	vmand vm5, vm4  }
0x132: {  	_ =	sdelay $0x4  }
0x133: {  	v20 =	vld.idx.msk [tilespmem:v15+s14+$0x0], vm6;
	_ =	sdelay $0x4  }
0x134: {  	v20 =	vmax.bf16 v20, v18  }
0x135: {  	[tilespmem:v15+s14+$0x0] =	vst.idx.msk vm6, v20  }
0x136: {  	vm5 =	vmmov vm6;
	p1 =	sne.s32 s30, $0x80000003;
	v20 =	vld.idx.msk [tilespmem:v15+s16+$0x0], vm6  }
.Ltmp21:
0x137: {  	_ = 	snop;
	(pc) =	sbr.rel @!p1 .LBB2_27-.Ltmp21, $4  }
0x138: {  	_ = 	snop  }
0x139: {  	s0 =	simm.s32 $0x2  }
0x13a: {  	vm6 =	veq.s32 v19, s0  }
0x13b: {  	s31 =	simm.s32 $0x80000003;
	p0 =	por $0x1, $0x1;
	vm6 =	vmand vm6, vm4;
	v20 =	vmax.bf16 v20, v17  }
.LBB2_26:
0x13c: {  	[tilespmem:v15+s16+$0x0] =	vst.idx.msk vm5, v20;
	vm5 =	vmmov vm6;
	s0 =	smov.u32 s31;
	s31 =	sadd.s32 $0x1, s31  }
0x13d: {  	p1 =	sne.s32 s30, s31;
	v20 =	vld.idx.msk [tilespmem:v15+s14+$0x0], vm6;
	_ =	sdelay $0x5  }
0x13e: {  	v20 =	vmax.bf16 v20, v18  }
0x13f: {  	[tilespmem:v15+s14+$0x0] =	vst.idx.msk vm6, v20  }
0x140: {  	s0 =	sadd.s32 $0x80000000, s0;
	v20 =	vld.idx.msk [tilespmem:v15+s16+$0x0], vm6  }
0x141: {  	vm6 =	veq.s32 v19, s0  }
.Ltmp22:
0x142: {  	vm6 =	vmand vm6, vm4;
	(pc) =	sbr.rel @p1 .LBB2_26-.Ltmp22, $2  }
0x143: {  	_ =	sdelay $0x2  }
0x144: {  	v20 =	vmax.bf16 v20, v17  }
.LBB2_27:
0x145: {  	_ =	sdelay $0x4  }
0x146: {  	[tilespmem:v15+s16+$0x0] =	vst.idx.msk @p0 vm5, v20  }
0x147: {  	v19 =	vld.idx.msk [tilespmem:v15+s14+$0x0], vm6;
	_ =	sdelay $0x4  }
0x148: {  	v18 =	vmax.bf16 v19, v18  }
0x149: {  	[tilespmem:v15+s14+$0x0] =	vst.idx.msk vm6, v18  }
0x14a: {  	v18 =	vld.idx.msk [tilespmem:v15+s16+$0x0], vm6;
	_ =	sdelay $0x4  }
0x14b: {  	v17 =	vmax.bf16 v18, v17  }
0x14c: {  	vm4 =	vmmov vm6;
	[tilespmem:v15+s16+$0x0] =	vst.idx.msk vm6, v17  }
.LBB2_28:
0x14d: {  	v15 =	vxor.u32 $0x80000000, v16  }
0x14e: {  	(xrf0) =	vmax.scan.msk.u32 $0xffff, v15;
	_ =	sdelay $0x5  }
0x14f: {  	v15, _, _ =	vpop (xrf0)  }
0x150: {  	(v2sf) =	vpush v15, $0xF;
	_ =	sdelay $0xe  }
0x151: {  	s30 =	spop (v2sf)  }
0x152: {  	s0 =	sxor.u32 $0x80000000, s30  }
0x153: {  	p0 =	slt.s32 s0, $0x2  }
.Ltmp23:
0x154: {  	_ = 	snop;
	(pc) =	sbr.rel @p0 .LBB2_34-.Ltmp23, $1  }
0x155: {  	_ =	sdelay $0x3  }
0x156: {  	p1 =	sne.s32 s30, $0x80000002  }
.Ltmp24:
0x157: {  	_ = 	snop;
	(pc) =	sbr.rel @!p1 .LBB2_30-.Ltmp24, $4  }
0x158: {  	_ = 	snop  }
0x159: {  	s0 =	simm.s32 $0x1  }
0x15a: {  	vm3 =	vmneg vm3;
	vm4 =	veq.s32 v16, s0  }
0x15b: {  	p0 =	por $0x0, $0x0;
	vm5 =	vmand vm4, vm3  }
0x15c: {  	_ =	sdelay $0x4  }
0x15d: {  	v15 =	vld.idx.msk [tilespmem:v11+s14+$0x0], vm5;
	_ =	sdelay $0x4  }
0x15e: {  	v15 =	vmax.bf16 v15, v14  }
0x15f: {  	[tilespmem:v11+s14+$0x0] =	vst.idx.msk vm5, v15  }
0x160: {  	vm4 =	vmmov vm5;
	p1 =	sne.s32 s30, $0x80000003;
	v15 =	vld.idx.msk [tilespmem:v11+s16+$0x0], vm5  }
.Ltmp25:
0x161: {  	_ = 	snop;
	(pc) =	sbr.rel @!p1 .LBB2_33-.Ltmp25, $4  }
0x162: {  	_ = 	snop  }
0x163: {  	s0 =	simm.s32 $0x2  }
0x164: {  	vm5 =	veq.s32 v16, s0  }
0x165: {  	s31 =	simm.s32 $0x80000003;
	p0 =	por $0x1, $0x1;
	vm5 =	vmand vm5, vm3;
	v15 =	vmax.bf16 v15, v13  }
.LBB2_32:
0x166: {  	[tilespmem:v11+s16+$0x0] =	vst.idx.msk vm4, v15;
	vm4 =	vmmov vm5;
	s0 =	smov.u32 s31;
	s31 =	sadd.s32 $0x1, s31  }
0x167: {  	p1 =	sne.s32 s30, s31;
	v15 =	vld.idx.msk [tilespmem:v11+s14+$0x0], vm5;
	_ =	sdelay $0x5  }
0x168: {  	v15 =	vmax.bf16 v15, v14  }
0x169: {  	[tilespmem:v11+s14+$0x0] =	vst.idx.msk vm5, v15  }
0x16a: {  	s0 =	sadd.s32 $0x80000000, s0;
	v15 =	vld.idx.msk [tilespmem:v11+s16+$0x0], vm5  }
0x16b: {  	vm5 =	veq.s32 v16, s0  }
.Ltmp26:
0x16c: {  	vm5 =	vmand vm5, vm3;
	(pc) =	sbr.rel @p1 .LBB2_32-.Ltmp26, $2  }
0x16d: {  	_ =	sdelay $0x2  }
0x16e: {  	v15 =	vmax.bf16 v15, v13  }
.LBB2_33:
0x16f: {  	_ =	sdelay $0x4  }
0x170: {  	[tilespmem:v11+s16+$0x0] =	vst.idx.msk @p0 vm4, v15  }
0x171: {  	v15 =	vld.idx.msk [tilespmem:v11+s14+$0x0], vm5;
	_ =	sdelay $0x4  }
0x172: {  	v14 =	vmax.bf16 v15, v14  }
0x173: {  	[tilespmem:v11+s14+$0x0] =	vst.idx.msk vm5, v14  }
0x174: {  	v14 =	vld.idx.msk [tilespmem:v11+s16+$0x0], vm5;
	_ =	sdelay $0x4  }
0x175: {  	v13 =	vmax.bf16 v14, v13  }
0x176: {  	vm3 =	vmmov vm5;
	[tilespmem:v11+s16+$0x0] =	vst.idx.msk vm5, v13  }
.LBB2_34:
0x177: {  	v11 =	vxor.u32 $0x80000000, v12  }
0x178: {  	(xrf0) =	vmax.scan.msk.u32 $0xffff, v11;
	_ =	sdelay $0x5  }
0x179: {  	v11, _, _ =	vpop (xrf0)  }
0x17a: {  	(v2sf) =	vpush v11, $0xF;
	_ =	sdelay $0xe  }
0x17b: {  	s30 =	spop (v2sf)  }
0x17c: {  	s0 =	sxor.u32 $0x80000000, s30  }
0x17d: {  	p0 =	slt.s32 s0, $0x2  }
.Ltmp27:
0x17e: {  	_ = 	snop;
	(pc) =	sbr.rel @p0 .LBB2_40-.Ltmp27, $1  }
0x17f: {  	_ =	sdelay $0x3  }
0x180: {  	p1 =	sne.s32 s30, $0x80000002  }
.Ltmp28:
0x181: {  	_ = 	snop;
	(pc) =	sbr.rel @!p1 .LBB2_36-.Ltmp28, $4  }
0x182: {  	_ = 	snop  }
0x183: {  	s0 =	simm.s32 $0x1  }
0x184: {  	vm2 =	vmneg vm2;
	vm3 =	veq.s32 v12, s0  }
0x185: {  	p0 =	por $0x0, $0x0;
	vm4 =	vmand vm3, vm2  }
0x186: {  	_ =	sdelay $0x4  }
0x187: {  	v11 =	vld.idx.msk [tilespmem:v7+s14+$0x0], vm4;
	_ =	sdelay $0x4  }
0x188: {  	v11 =	vmax.bf16 v11, v10  }
0x189: {  	[tilespmem:v7+s14+$0x0] =	vst.idx.msk vm4, v11  }
0x18a: {  	vm3 =	vmmov vm4;
	p1 =	sne.s32 s30, $0x80000003;
	v11 =	vld.idx.msk [tilespmem:v7+s16+$0x0], vm4  }
.Ltmp29:
0x18b: {  	_ = 	snop;
	(pc) =	sbr.rel @!p1 .LBB2_39-.Ltmp29, $4  }
0x18c: {  	_ = 	snop  }
0x18d: {  	s0 =	simm.s32 $0x2  }
0x18e: {  	vm4 =	veq.s32 v12, s0  }
0x18f: {  	s31 =	simm.s32 $0x80000003;
	p0 =	por $0x1, $0x1;
	vm4 =	vmand vm4, vm2;
	v11 =	vmax.bf16 v11, v9  }
.LBB2_38:
0x190: {  	[tilespmem:v7+s16+$0x0] =	vst.idx.msk vm3, v11;
	vm3 =	vmmov vm4;
	s0 =	smov.u32 s31;
	s31 =	sadd.s32 $0x1, s31  }
0x191: {  	p1 =	sne.s32 s30, s31;
	v11 =	vld.idx.msk [tilespmem:v7+s14+$0x0], vm4;
	_ =	sdelay $0x5  }
0x192: {  	v11 =	vmax.bf16 v11, v10  }
0x193: {  	[tilespmem:v7+s14+$0x0] =	vst.idx.msk vm4, v11  }
0x194: {  	s0 =	sadd.s32 $0x80000000, s0;
	v11 =	vld.idx.msk [tilespmem:v7+s16+$0x0], vm4  }
0x195: {  	vm4 =	veq.s32 v12, s0  }
.Ltmp30:
0x196: {  	vm4 =	vmand vm4, vm2;
	(pc) =	sbr.rel @p1 .LBB2_38-.Ltmp30, $2  }
0x197: {  	_ =	sdelay $0x2  }
0x198: {  	v11 =	vmax.bf16 v11, v9  }
.LBB2_39:
0x199: {  	_ =	sdelay $0x4  }
0x19a: {  	[tilespmem:v7+s16+$0x0] =	vst.idx.msk @p0 vm3, v11  }
0x19b: {  	v11 =	vld.idx.msk [tilespmem:v7+s14+$0x0], vm4;
	_ =	sdelay $0x4  }
0x19c: {  	v10 =	vmax.bf16 v11, v10  }
0x19d: {  	[tilespmem:v7+s14+$0x0] =	vst.idx.msk vm4, v10  }
0x19e: {  	v10 =	vld.idx.msk [tilespmem:v7+s16+$0x0], vm4;
	_ =	sdelay $0x4  }
0x19f: {  	v9 =	vmax.bf16 v10, v9  }
0x1a0: {  	vm2 =	vmmov vm4;
	[tilespmem:v7+s16+$0x0] =	vst.idx.msk vm4, v9  }
.LBB2_40:
0x1a1: {  	v7 =	vxor.u32 $0x80000000, v8  }
0x1a2: {  	(xrf0) =	vmax.scan.msk.u32 $0xffff, v7;
	_ =	sdelay $0x5  }
0x1a3: {  	v7, _, _ =	vpop (xrf0)  }
0x1a4: {  	(v2sf) =	vpush v7, $0xF;
	_ =	sdelay $0xe  }
0x1a5: {  	s30 =	spop (v2sf)  }
0x1a6: {  	s0 =	sxor.u32 $0x80000000, s30  }
0x1a7: {  	p0 =	slt.s32 s0, $0x2  }
.Ltmp31:
0x1a8: {  	_ = 	snop;
	(pc) =	sbr.rel @p0 .LBB2_46-.Ltmp31, $1  }
0x1a9: {  	_ =	sdelay $0x3  }
0x1aa: {  	p1 =	sne.s32 s30, $0x80000002  }
.Ltmp32:
0x1ab: {  	_ = 	snop;
	(pc) =	sbr.rel @!p1 .LBB2_42-.Ltmp32, $4  }
0x1ac: {  	_ = 	snop  }
0x1ad: {  	s0 =	simm.s32 $0x1  }
0x1ae: {  	vm1 =	vmneg vm1;
	vm2 =	veq.s32 v8, s0  }
0x1af: {  	p0 =	por $0x0, $0x0;
	vm3 =	vmand vm2, vm1  }
0x1b0: {  	_ =	sdelay $0x4  }
0x1b1: {  	v7 =	vld.idx.msk [tilespmem:v3+s14+$0x0], vm3;
	_ =	sdelay $0x4  }
0x1b2: {  	v7 =	vmax.bf16 v7, v6  }
0x1b3: {  	[tilespmem:v3+s14+$0x0] =	vst.idx.msk vm3, v7  }
0x1b4: {  	vm2 =	vmmov vm3;
	p1 =	sne.s32 s30, $0x80000003;
	v7 =	vld.idx.msk [tilespmem:v3+s16+$0x0], vm3  }
.Ltmp33:
0x1b5: {  	_ = 	snop;
	(pc) =	sbr.rel @!p1 .LBB2_45-.Ltmp33, $4  }
0x1b6: {  	_ = 	snop  }
0x1b7: {  	s0 =	simm.s32 $0x2  }
0x1b8: {  	vm3 =	veq.s32 v8, s0  }
0x1b9: {  	s31 =	simm.s32 $0x80000003;
	p0 =	por $0x1, $0x1;
	vm3 =	vmand vm3, vm1;
	v7 =	vmax.bf16 v7, v5  }
.LBB2_44:
0x1ba: {  	[tilespmem:v3+s16+$0x0] =	vst.idx.msk vm2, v7;
	vm2 =	vmmov vm3;
	s0 =	smov.u32 s31;
	s31 =	sadd.s32 $0x1, s31  }
0x1bb: {  	p1 =	sne.s32 s30, s31;
	v7 =	vld.idx.msk [tilespmem:v3+s14+$0x0], vm3;
	_ =	sdelay $0x5  }
0x1bc: {  	v7 =	vmax.bf16 v7, v6  }
0x1bd: {  	[tilespmem:v3+s14+$0x0] =	vst.idx.msk vm3, v7  }
0x1be: {  	s0 =	sadd.s32 $0x80000000, s0;
	v7 =	vld.idx.msk [tilespmem:v3+s16+$0x0], vm3  }
0x1bf: {  	vm3 =	veq.s32 v8, s0  }
.Ltmp34:
0x1c0: {  	vm3 =	vmand vm3, vm1;
	(pc) =	sbr.rel @p1 .LBB2_44-.Ltmp34, $2  }
0x1c1: {  	_ =	sdelay $0x2  }
0x1c2: {  	v7 =	vmax.bf16 v7, v5  }
.LBB2_45:
0x1c3: {  	_ =	sdelay $0x4  }
0x1c4: {  	[tilespmem:v3+s16+$0x0] =	vst.idx.msk @p0 vm2, v7  }
0x1c5: {  	v7 =	vld.idx.msk [tilespmem:v3+s14+$0x0], vm3;
	_ =	sdelay $0x4  }
0x1c6: {  	v6 =	vmax.bf16 v7, v6  }
0x1c7: {  	[tilespmem:v3+s14+$0x0] =	vst.idx.msk vm3, v6  }
0x1c8: {  	v6 =	vld.idx.msk [tilespmem:v3+s16+$0x0], vm3;
	_ =	sdelay $0x4  }
0x1c9: {  	v5 =	vmax.bf16 v6, v5  }
0x1ca: {  	vm1 =	vmmov vm3;
	[tilespmem:v3+s16+$0x0] =	vst.idx.msk vm3, v5  }
.LBB2_46:
0x1cb: {  	v3 =	vxor.u32 $0x80000000, v4  }
0x1cc: {  	(xrf0) =	vmax.scan.msk.u32 $0xffff, v3;
	_ =	sdelay $0x5  }
0x1cd: {  	v3, _, _ =	vpop (xrf0)  }
0x1ce: {  	(v2sf) =	vpush v3, $0xF;
	_ =	sdelay $0xe  }
0x1cf: {  	s30 =	spop (v2sf)  }
0x1d0: {  	s0 =	sxor.u32 $0x80000000, s30  }
0x1d1: {  	p0 =	slt.s32 s0, $0x2  }
.Ltmp35:
0x1d2: {  	_ = 	snop;
	(pc) =	sbr.rel @p0 .LBB2_52-.Ltmp35, $1  }
0x1d3: {  	_ =	sdelay $0x3  }
0x1d4: {  	p1 =	sne.s32 s30, $0x80000002  }
.Ltmp36:
0x1d5: {  	_ = 	snop;
	(pc) =	sbr.rel @!p1 .LBB2_48-.Ltmp36, $4  }
0x1d6: {  	_ = 	snop  }
0x1d7: {  	s0 =	simm.s32 $0x1  }
0x1d8: {  	vm0 =	vmneg vm0;
	vm1 =	veq.s32 v4, s0  }
0x1d9: {  	p0 =	por $0x0, $0x0;
	vm2 =	vmand vm1, vm0  }
0x1da: {  	_ =	sdelay $0x4  }
0x1db: {  	v3 =	vld.idx.msk [tilespmem:v0+s14+$0x0], vm2;
	_ =	sdelay $0x4  }
0x1dc: {  	v3 =	vmax.bf16 v3, v2  }
0x1dd: {  	[tilespmem:v0+s14+$0x0] =	vst.idx.msk vm2, v3  }
0x1de: {  	vm1 =	vmmov vm2;
	p1 =	sne.s32 s30, $0x80000003;
	v3 =	vld.idx.msk [tilespmem:v0+s16+$0x0], vm2  }
.Ltmp37:
0x1df: {  	_ = 	snop;
	(pc) =	sbr.rel @!p1 .LBB2_51-.Ltmp37, $4  }
0x1e0: {  	_ = 	snop  }
0x1e1: {  	s0 =	simm.s32 $0x2  }
0x1e2: {  	vm2 =	veq.s32 v4, s0  }
0x1e3: {  	s31 =	simm.s32 $0x80000003;
	p0 =	por $0x1, $0x1;
	vm2 =	vmand vm2, vm0;
	v3 =	vmax.bf16 v3, v1  }
.LBB2_50:
0x1e4: {  	[tilespmem:v0+s16+$0x0] =	vst.idx.msk vm1, v3;
	vm1 =	vmmov vm2;
	s0 =	smov.u32 s31;
	s31 =	sadd.s32 $0x1, s31  }
0x1e5: {  	p1 =	sne.s32 s30, s31;
	v3 =	vld.idx.msk [tilespmem:v0+s14+$0x0], vm2;
	_ =	sdelay $0x5  }
0x1e6: {  	v3 =	vmax.bf16 v3, v2  }
0x1e7: {  	[tilespmem:v0+s14+$0x0] =	vst.idx.msk vm2, v3  }
0x1e8: {  	s0 =	sadd.s32 $0x80000000, s0;
	v3 =	vld.idx.msk [tilespmem:v0+s16+$0x0], vm2  }
0x1e9: {  	vm2 =	veq.s32 v4, s0  }
.Ltmp38:
0x1ea: {  	vm2 =	vmand vm2, vm0;
	(pc) =	sbr.rel @p1 .LBB2_50-.Ltmp38, $2  }
0x1eb: {  	_ =	sdelay $0x2  }
0x1ec: {  	v3 =	vmax.bf16 v3, v1  }
.Ltmp39:
0x1ed: {  	_ = 	snop;
	(pc) =	sbr.rel .LBB2_51-.Ltmp39, $1  }
0x1ee: {  	_ =	sdelay $0x3  }
.LBB2_6:
.Ltmp40:
0x1ef: {  	(pc) =	sbr.rel .LBB2_9-.Ltmp40, $2  }
0x1f0: {  	_ =	sdelay $0x2  }
0x1f1: {  	_ = 	snop  }
.LBB2_12:
.Ltmp41:
0x1f2: {  	(pc) =	sbr.rel .LBB2_15-.Ltmp41, $2  }
0x1f3: {  	_ =	sdelay $0x2  }
0x1f4: {  	_ = 	snop  }
.LBB2_18:
.Ltmp42:
0x1f5: {  	(pc) =	sbr.rel .LBB2_21-.Ltmp42, $2  }
0x1f6: {  	_ =	sdelay $0x2  }
0x1f7: {  	_ = 	snop  }
.LBB2_24:
.Ltmp43:
0x1f8: {  	(pc) =	sbr.rel .LBB2_27-.Ltmp43, $2  }
0x1f9: {  	_ =	sdelay $0x2  }
0x1fa: {  	_ = 	snop  }
.LBB2_30:
.Ltmp44:
0x1fb: {  	(pc) =	sbr.rel .LBB2_33-.Ltmp44, $2  }
0x1fc: {  	_ =	sdelay $0x2  }
0x1fd: {  	_ = 	snop  }
.LBB2_36:
.Ltmp45:
0x1fe: {  	(pc) =	sbr.rel .LBB2_39-.Ltmp45, $2  }
0x1ff: {  	_ =	sdelay $0x2  }
0x200: {  	_ = 	snop  }
.LBB2_42:
.Ltmp46:
0x201: {  	(pc) =	sbr.rel .LBB2_45-.Ltmp46, $2  }
0x202: {  	_ =	sdelay $0x2  }
0x203: {  	_ = 	snop  }
.LBB2_53:
0x204: {  	s0 =	sshll.u32 s28, $0x1  }
0x205: {  	s0 =	smin.u32 s0, $0x61  }
0x206: {  	s0 =	smul.u32 $0x1900, s0;
	_ =	sdelay $0x1  }
0x207: {  	s0 =	sshrl.u32 s0, $0x3  }
0x208: {  	s0 =	sadd.s32 $0x640, s0  }
0x209: {  	s29 =	sadd.s32 s1, s0  }
0x20a: {  	[tilespmem:s18], [sflag:$0x1] =	stream.strided.gather [hbm4b:s29+s11], $0xC80, s17, s11, $0x38;
	[tilespmem:$0xD000] =	vst v63  }
0x20b: {  	s0 =	sadd.s32 s0, s7  }
0x20c: {  	[tilespmem:s19], [sflag:$0x2] =	stream.strided.gather [hbm4b:s0+s11], $0xC80, s17, s11, $0x38;
	[tilespmem:$0xD000] =	vst v63  }
0x20d: {  	_ =	swait.ge [sflag:s24], $0xC80  }
.Ltmp47:
0x20e: {  	[sflag:s24] =	ssyncset.done $0x0;
	(pc) =	sbr.rel .LBB2_54-.Ltmp47, $4  }
0x20f: {  	[sflag:s24] =	ssyncadd.s32 $0xFFFFF380  }
0x210: {  	_ =	swait.ge [sflag:s25], $0xC80  }
0x211: {  	[sflag:s25] =	ssyncset.done $0x0  }
0x212: {  	s29 =	simm.s32 $0x0;
	[sflag:s25] =	ssyncadd.s32 $0xFFFFF380  }
.LBB2_99:
0x213: {  	_ = 	snop  }
.LBB2_102:
0x214: {  	_ =	sdelay $0x4  }
0x215: {  	[tilespmem:v0+s16+$0x0] =	vst.idx.msk @p0 vm1, v3  }
0x216: {  	v3 =	vld.idx.msk [tilespmem:v0+s14+$0x0], vm2;
	_ =	sdelay $0x4  }
0x217: {  	v2 =	vmax.bf16 v3, v2  }
0x218: {  	[tilespmem:v0+s14+$0x0] =	vst.idx.msk vm2, v2  }
0x219: {  	v2 =	vld.idx.msk [tilespmem:v0+s16+$0x0], vm2;
	_ =	sdelay $0x4  }
0x21a: {  	v1 =	vmax.bf16 v2, v1  }
0x21b: {  	vm0 =	vmmov vm2;
	[tilespmem:v0+s16+$0x0] =	vst.idx.msk vm2, v1  }
.LBB2_103:
0x21c: {  	s29 =	sadd.s32 $0x1, s29  }
0x21d: {  	p0 =	sne.s32 s29, $0x19  }
.Ltmp48:
0x21e: {  	_ = 	snop;
	(pc) =	sbr.rel @!p0 .LBB2_104-.Ltmp48, $1  }
0x21f: {  	_ =	sdelay $0x3  }
.LBB2_54:
0x220: {  	s0 =	sshll.u32 s29, $0x7  }
0x221: {  	v28 =	vld [tilespmem:s0+$0xB700]  }
0x222: {  	v24 =	vld [tilespmem:s0+$0xB710]  }
0x223: {  	v20 =	vld [tilespmem:s0+$0xB720]  }
0x224: {  	v15 =	vld [tilespmem:s0+$0xB730]  }
0x225: {  	v11 =	vld [tilespmem:s0+$0xB740]  }
0x226: {  	v7 =	vld [tilespmem:s0+$0xB750]  }
0x227: {  	v3 =	vld [tilespmem:s0+$0xB760]  }
0x228: {  	v0 =	vld [tilespmem:s0+$0xB770]  }
0x229: {  	v1 =	vld [tilespmem:s0+$0xC380]  }
0x22a: {  	v2 =	vld [tilespmem:s0+$0xC390]  }
0x22b: {  	v4 =	vld [tilespmem:s0+$0xC3A0]  }
0x22c: {  	v5 =	vld [tilespmem:s0+$0xC3B0]  }
0x22d: {  	v6 =	vld [tilespmem:s0+$0xC3C0]  }
0x22e: {  	v8 =	vld [tilespmem:s0+$0xC3D0];
	(xrf1) =	vunique.msk.u32 $0xffff, v28  }
0x22f: {  	v12 =	vld [tilespmem:s0+$0xC3E0]  }
0x230: {  	v16 =	vld [tilespmem:s0+$0xC3F0]  }
0x231: {  	v30 =	vld.idx.msk [tilespmem:v1+s3+$0x0], $0xffff  }
0x232: {  	v29 =	vld.idx.msk [tilespmem:v1+s15+$0x0], $0xffff  }
0x233: {  	v26 =	vld.idx.msk [tilespmem:v2+s3+$0x0], $0xffff  }
0x234: {  	v25 =	vld.idx.msk [tilespmem:v2+s15+$0x0], $0xffff  }
0x235: {  	v22 =	vld.idx.msk [tilespmem:v4+s3+$0x0], $0xffff  }
0x236: {  	(xrf1) =	vunique.msk.u32 $0xffff, v24;
	v21 =	vld.idx.msk [tilespmem:v4+s15+$0x0], $0xffff  }
0x237: {  	v18 =	vld.idx.msk [tilespmem:v5+s3+$0x0], $0xffff  }
0x238: {  	v17 =	vld.idx.msk [tilespmem:v5+s15+$0x0], $0xffff  }
0x239: {  	v14 =	vld.idx.msk [tilespmem:v6+s3+$0x0], $0xffff  }
0x23a: {  	v10 =	vld.idx.msk [tilespmem:v8+s3+$0x0], $0xffff  }
0x23b: {  	v9 =	vld.idx.msk [tilespmem:v8+s15+$0x0], $0xffff  }
0x23c: {  	v4 =	vld.idx.msk [tilespmem:v28+s14+$0x0], $0xffff;
	_, v31, vm7 =	vpop (xrf1)  }
0x23d: {  	v8 =	vld.idx.msk [tilespmem:v28+s16+$0x0], $0xffff  }
0x23e: {  	(xrf1) =	vunique.msk.u32 $0xffff, v20;
	v13 =	vld.idx.msk [tilespmem:v6+s15+$0x0], $0xffff  }
0x23f: {  	v6 =	vld.idx.msk [tilespmem:v12+s3+$0x0], $0xffff  }
0x240: {  	v5 =	vld.idx.msk [tilespmem:v12+s15+$0x0], $0xffff  }
0x241: {  	v2 =	vld.idx.msk [tilespmem:v16+s3+$0x0], $0xffff;
	v4 =	vmax.bf16 v4, v30  }
0x242: {  	v1 =	vld.idx.msk [tilespmem:v16+s15+$0x0], $0xffff;
	[tilespmem:v28+s14+$0x0] =	vst.idx.msk vm7, v4;
	v4 =	vmax.bf16 v8, v29  }
0x243: {  	[tilespmem:v28+s16+$0x0] =	vst.idx.msk vm7, v4  }
0x244: {  	_, v27, vm6 =	vpop (xrf1);
	v4 =	vld.idx.msk [tilespmem:v24+s14+$0x0], $0xffff  }
0x245: {  	v8 =	vld.idx.msk [tilespmem:v24+s16+$0x0], $0xffff  }
0x246: {  	(xrf1) =	vunique.msk.u32 $0xffff, v15;
	_ =	sdelay $0x2  }
0x247: {  	v4 =	vmax.bf16 v4, v26  }
0x248: {  	[tilespmem:v24+s14+$0x0] =	vst.idx.msk vm6, v4;
	v4 =	vmax.bf16 v8, v25  }
0x249: {  	[tilespmem:v24+s16+$0x0] =	vst.idx.msk vm6, v4  }
0x24a: {  	_, v23, vm5 =	vpop (xrf1);
	v4 =	vld.idx.msk [tilespmem:v20+s14+$0x0], $0xffff  }
0x24b: {  	v8 =	vld.idx.msk [tilespmem:v20+s16+$0x0], $0xffff  }
0x24c: {  	(xrf1) =	vunique.msk.u32 $0xffff, v11;
	_ =	sdelay $0x2  }
0x24d: {  	v4 =	vmax.bf16 v4, v22  }
0x24e: {  	[tilespmem:v20+s14+$0x0] =	vst.idx.msk vm5, v4;
	v4 =	vmax.bf16 v8, v21  }
0x24f: {  	[tilespmem:v20+s16+$0x0] =	vst.idx.msk vm5, v4  }
0x250: {  	_, v19, vm4 =	vpop (xrf1);
	v4 =	vld.idx.msk [tilespmem:v15+s14+$0x0], $0xffff  }
0x251: {  	v8 =	vld.idx.msk [tilespmem:v15+s16+$0x0], $0xffff  }
0x252: {  	(xrf1) =	vunique.msk.u32 $0xffff, v7  }
0x253: {  	(xrf1) =	vunique.msk.u32 $0xffff, v3  }
0x254: {  	(xrf1) =	vunique.msk.u32 $0xffff, v0  }
0x255: {  	v4 =	vmax.bf16 v4, v18  }
0x256: {  	[tilespmem:v15+s14+$0x0] =	vst.idx.msk vm4, v4;
	v4 =	vmax.bf16 v8, v17  }
0x257: {  	[tilespmem:v15+s16+$0x0] =	vst.idx.msk vm4, v4  }
0x258: {  	_, v16, vm3 =	vpop (xrf1);
	v4 =	vld.idx.msk [tilespmem:v11+s14+$0x0], $0xffff  }
0x259: {  	v8 =	vld.idx.msk [tilespmem:v11+s16+$0x0], $0xffff;
	_ =	sdelay $0x3  }
0x25a: {  	vm0 =	vmand vm7, vm6;
	v4 =	vmax.bf16 v4, v14  }
0x25b: {  	vm0 =	vmand vm0, vm5;
	[tilespmem:v11+s14+$0x0] =	vst.idx.msk vm3, v4;
	v4 =	vmax.bf16 v8, v13  }
0x25c: {  	vm0 =	vmand vm0, vm4  }
0x25d: {  	_, v12, vm2 =	vpop (xrf1);
	vm0 =	vmand vm0, vm3  }
0x25e: {  	vm8 =	vmand vm0, vm2;
	_, v8, vm1 =	vpop (xrf1)  }
0x25f: {  	[tilespmem:v11+s16+$0x0] =	vst.idx.msk vm3, v4;
	vm8 =	vmand vm8, vm1;
	_, v4, vm0 =	vpop (xrf1)  }
0x260: {  	vm8 =	vmand vm8, vm0  }
0x261: {  	v32 =	vld.idx.msk [tilespmem:v7+s14+$0x0], $0xffff;
	v34 =	vmpcnt.ones.xlane vm8  }
0x262: {  	v33 =	vld.idx.msk [tilespmem:v7+s16+$0x0], $0xffff  }
0x263: {  	(v2sf) =	vpush v34, $0x0;
	_ =	sdelay $0x2  }
0x264: {  	v32 =	vmax.bf16 v32, v10  }
0x265: {  	v59 =	vmax.bf16 v33, v9;
	[tilespmem:v7+s14+$0x0] =	vst.idx.msk vm2, v32  }
0x266: {  	[tilespmem:v7+s16+$0x0] =	vst.idx.msk vm2, v59  }
0x267: {  	v32 =	vld.idx.msk [tilespmem:v3+s14+$0x0], $0xffff  }
0x268: {  	v60 =	vld.idx.msk [tilespmem:v3+s16+$0x0], $0xffff;
	_ =	sdelay $0x3  }
0x269: {  	v32 =	vmax.bf16 v32, v6  }
0x26a: {  	v61 =	vmax.bf16 v60, v5;
	[tilespmem:v3+s14+$0x0] =	vst.idx.msk vm1, v32  }
0x26b: {  	[tilespmem:v3+s16+$0x0] =	vst.idx.msk vm1, v61  }
0x26c: {  	v32 =	vld.idx.msk [tilespmem:v0+s14+$0x0], $0xffff  }
0x26d: {  	v62 =	vld.idx.msk [tilespmem:v0+s16+$0x0], $0xffff;
	s31 =	spop (v2sf)  }
0x26e: {  	p0 =	sgt.s32 s31, $0xF  }
.Ltmp49:
0x26f: {  	_ = 	snop;
	(pc) =	sbr.rel @p0 .LBB2_103-.Ltmp49, $4  }
0x270: {  	_ = 	snop  }
0x271: {  	v32 =	vmax.bf16 v32, v2  }
0x272: {  	v63 =	vmax.bf16 v62, v1;
	[tilespmem:v0+s14+$0x0] =	vst.idx.msk vm0, v32  }
0x273: {  	[tilespmem:v0+s16+$0x0] =	vst.idx.msk vm0, v63  }
0x274: {  	v32 =	vxor.u32 $0x80000000, v31  }
0x275: {  	(xrf0) =	vmax.scan.msk.u32 $0xffff, v32;
	_ =	sdelay $0x5  }
0x276: {  	v32, _, _ =	vpop (xrf0)  }
0x277: {  	(v2sf) =	vpush v32, $0xF;
	_ =	sdelay $0xe  }
0x278: {  	s30 =	spop (v2sf)  }
0x279: {  	s0 =	sxor.u32 $0x80000000, s30  }
0x27a: {  	p0 =	slt.s32 s0, $0x2  }
.Ltmp50:
0x27b: {  	_ = 	snop;
	(pc) =	sbr.rel @p0 .LBB2_61-.Ltmp50, $1  }
0x27c: {  	_ =	sdelay $0x3  }
0x27d: {  	p1 =	sne.s32 s30, $0x80000002  }
.Ltmp51:
0x27e: {  	_ = 	snop;
	(pc) =	sbr.rel @!p1 .LBB2_57-.Ltmp51, $4  }
0x27f: {  	_ = 	snop  }
0x280: {  	s0 =	simm.s32 $0x1  }
0x281: {  	vm7 =	vmneg vm7;
	vm8 =	veq.s32 v31, s0  }
0x282: {  	p0 =	por $0x0, $0x0;
	vm9 =	vmand vm8, vm7  }
0x283: {  	_ =	sdelay $0x4  }
0x284: {  	v32 =	vld.idx.msk [tilespmem:v28+s14+$0x0], vm9;
	_ =	sdelay $0x4  }
0x285: {  	v32 =	vmax.bf16 v32, v30  }
0x286: {  	[tilespmem:v28+s14+$0x0] =	vst.idx.msk vm9, v32  }
0x287: {  	vm8 =	vmmov vm9;
	p1 =	sne.s32 s30, $0x80000003;
	v32 =	vld.idx.msk [tilespmem:v28+s16+$0x0], vm9  }
.Ltmp52:
0x288: {  	_ = 	snop;
	(pc) =	sbr.rel @!p1 .LBB2_60-.Ltmp52, $4  }
0x289: {  	_ = 	snop  }
0x28a: {  	s0 =	simm.s32 $0x2  }
0x28b: {  	vm9 =	veq.s32 v31, s0  }
0x28c: {  	s31 =	simm.s32 $0x80000003;
	p0 =	por $0x1, $0x1;
	vm9 =	vmand vm9, vm7;
	v32 =	vmax.bf16 v32, v29  }
.LBB2_59:
0x28d: {  	[tilespmem:v28+s16+$0x0] =	vst.idx.msk vm8, v32;
	vm8 =	vmmov vm9;
	s0 =	smov.u32 s31;
	s31 =	sadd.s32 $0x1, s31  }
0x28e: {  	p1 =	sne.s32 s30, s31;
	v32 =	vld.idx.msk [tilespmem:v28+s14+$0x0], vm9;
	_ =	sdelay $0x5  }
0x28f: {  	v32 =	vmax.bf16 v32, v30  }
0x290: {  	[tilespmem:v28+s14+$0x0] =	vst.idx.msk vm9, v32  }
0x291: {  	s0 =	sadd.s32 $0x80000000, s0;
	v32 =	vld.idx.msk [tilespmem:v28+s16+$0x0], vm9  }
0x292: {  	vm9 =	veq.s32 v31, s0  }
.Ltmp53:
0x293: {  	vm9 =	vmand vm9, vm7;
	(pc) =	sbr.rel @p1 .LBB2_59-.Ltmp53, $2  }
0x294: {  	_ =	sdelay $0x2  }
0x295: {  	v32 =	vmax.bf16 v32, v29  }
.LBB2_60:
0x296: {  	_ =	sdelay $0x4  }
0x297: {  	[tilespmem:v28+s16+$0x0] =	vst.idx.msk @p0 vm8, v32  }
0x298: {  	v31 =	vld.idx.msk [tilespmem:v28+s14+$0x0], vm9;
	_ =	sdelay $0x4  }
0x299: {  	v30 =	vmax.bf16 v31, v30  }
0x29a: {  	[tilespmem:v28+s14+$0x0] =	vst.idx.msk vm9, v30  }
0x29b: {  	v30 =	vld.idx.msk [tilespmem:v28+s16+$0x0], vm9;
	_ =	sdelay $0x4  }
0x29c: {  	v29 =	vmax.bf16 v30, v29  }
0x29d: {  	vm7 =	vmmov vm9;
	[tilespmem:v28+s16+$0x0] =	vst.idx.msk vm9, v29  }
.LBB2_61:
0x29e: {  	v28 =	vxor.u32 $0x80000000, v27  }
0x29f: {  	(xrf0) =	vmax.scan.msk.u32 $0xffff, v28;
	_ =	sdelay $0x5  }
0x2a0: {  	v28, _, _ =	vpop (xrf0)  }
0x2a1: {  	(v2sf) =	vpush v28, $0xF;
	_ =	sdelay $0xe  }
0x2a2: {  	s30 =	spop (v2sf)  }
0x2a3: {  	s0 =	sxor.u32 $0x80000000, s30  }
0x2a4: {  	p0 =	slt.s32 s0, $0x2  }
.Ltmp54:
0x2a5: {  	_ = 	snop;
	(pc) =	sbr.rel @p0 .LBB2_67-.Ltmp54, $1  }
0x2a6: {  	_ =	sdelay $0x3  }
0x2a7: {  	p1 =	sne.s32 s30, $0x80000002  }
.Ltmp55:
0x2a8: {  	_ = 	snop;
	(pc) =	sbr.rel @!p1 .LBB2_63-.Ltmp55, $4  }
0x2a9: {  	_ = 	snop  }
0x2aa: {  	s0 =	simm.s32 $0x1  }
0x2ab: {  	vm6 =	vmneg vm6;
	vm7 =	veq.s32 v27, s0  }
0x2ac: {  	p0 =	por $0x0, $0x0;
	vm8 =	vmand vm7, vm6  }
0x2ad: {  	_ =	sdelay $0x4  }
0x2ae: {  	v28 =	vld.idx.msk [tilespmem:v24+s14+$0x0], vm8;
	_ =	sdelay $0x4  }
0x2af: {  	v28 =	vmax.bf16 v28, v26  }
0x2b0: {  	[tilespmem:v24+s14+$0x0] =	vst.idx.msk vm8, v28  }
0x2b1: {  	vm7 =	vmmov vm8;
	p1 =	sne.s32 s30, $0x80000003;
	v28 =	vld.idx.msk [tilespmem:v24+s16+$0x0], vm8  }
.Ltmp56:
0x2b2: {  	_ = 	snop;
	(pc) =	sbr.rel @!p1 .LBB2_66-.Ltmp56, $4  }
0x2b3: {  	_ = 	snop  }
0x2b4: {  	s0 =	simm.s32 $0x2  }
0x2b5: {  	vm8 =	veq.s32 v27, s0  }
0x2b6: {  	s31 =	simm.s32 $0x80000003;
	p0 =	por $0x1, $0x1;
	vm8 =	vmand vm8, vm6;
	v28 =	vmax.bf16 v28, v25  }
.LBB2_65:
0x2b7: {  	[tilespmem:v24+s16+$0x0] =	vst.idx.msk vm7, v28;
	vm7 =	vmmov vm8;
	s0 =	smov.u32 s31;
	s31 =	sadd.s32 $0x1, s31  }
0x2b8: {  	p1 =	sne.s32 s30, s31;
	v28 =	vld.idx.msk [tilespmem:v24+s14+$0x0], vm8;
	_ =	sdelay $0x5  }
0x2b9: {  	v28 =	vmax.bf16 v28, v26  }
0x2ba: {  	[tilespmem:v24+s14+$0x0] =	vst.idx.msk vm8, v28  }
0x2bb: {  	s0 =	sadd.s32 $0x80000000, s0;
	v28 =	vld.idx.msk [tilespmem:v24+s16+$0x0], vm8  }
0x2bc: {  	vm8 =	veq.s32 v27, s0  }
.Ltmp57:
0x2bd: {  	vm8 =	vmand vm8, vm6;
	(pc) =	sbr.rel @p1 .LBB2_65-.Ltmp57, $2  }
0x2be: {  	_ =	sdelay $0x2  }
0x2bf: {  	v28 =	vmax.bf16 v28, v25  }
.LBB2_66:
0x2c0: {  	_ =	sdelay $0x4  }
0x2c1: {  	[tilespmem:v24+s16+$0x0] =	vst.idx.msk @p0 vm7, v28  }
0x2c2: {  	v27 =	vld.idx.msk [tilespmem:v24+s14+$0x0], vm8;
	_ =	sdelay $0x4  }
0x2c3: {  	v26 =	vmax.bf16 v27, v26  }
0x2c4: {  	[tilespmem:v24+s14+$0x0] =	vst.idx.msk vm8, v26  }
0x2c5: {  	v26 =	vld.idx.msk [tilespmem:v24+s16+$0x0], vm8;
	_ =	sdelay $0x4  }
0x2c6: {  	v25 =	vmax.bf16 v26, v25  }
0x2c7: {  	vm6 =	vmmov vm8;
	[tilespmem:v24+s16+$0x0] =	vst.idx.msk vm8, v25  }
.LBB2_67:
0x2c8: {  	v24 =	vxor.u32 $0x80000000, v23  }
0x2c9: {  	(xrf0) =	vmax.scan.msk.u32 $0xffff, v24;
	_ =	sdelay $0x5  }
0x2ca: {  	v24, _, _ =	vpop (xrf0)  }
0x2cb: {  	(v2sf) =	vpush v24, $0xF;
	_ =	sdelay $0xe  }
0x2cc: {  	s30 =	spop (v2sf)  }
0x2cd: {  	s0 =	sxor.u32 $0x80000000, s30  }
0x2ce: {  	p0 =	slt.s32 s0, $0x2  }
.Ltmp58:
0x2cf: {  	_ = 	snop;
	(pc) =	sbr.rel @p0 .LBB2_73-.Ltmp58, $1  }
0x2d0: {  	_ =	sdelay $0x3  }
0x2d1: {  	p1 =	sne.s32 s30, $0x80000002  }
.Ltmp59:
0x2d2: {  	_ = 	snop;
	(pc) =	sbr.rel @!p1 .LBB2_69-.Ltmp59, $4  }
0x2d3: {  	_ = 	snop  }
0x2d4: {  	s0 =	simm.s32 $0x1  }
0x2d5: {  	vm5 =	vmneg vm5;
	vm6 =	veq.s32 v23, s0  }
0x2d6: {  	p0 =	por $0x0, $0x0;
	vm7 =	vmand vm6, vm5  }
0x2d7: {  	_ =	sdelay $0x4  }
0x2d8: {  	v24 =	vld.idx.msk [tilespmem:v20+s14+$0x0], vm7;
	_ =	sdelay $0x4  }
0x2d9: {  	v24 =	vmax.bf16 v24, v22  }
0x2da: {  	[tilespmem:v20+s14+$0x0] =	vst.idx.msk vm7, v24  }
0x2db: {  	vm6 =	vmmov vm7;
	p1 =	sne.s32 s30, $0x80000003;
	v24 =	vld.idx.msk [tilespmem:v20+s16+$0x0], vm7  }
.Ltmp60:
0x2dc: {  	_ = 	snop;
	(pc) =	sbr.rel @!p1 .LBB2_72-.Ltmp60, $4  }
0x2dd: {  	_ = 	snop  }
0x2de: {  	s0 =	simm.s32 $0x2  }
0x2df: {  	vm7 =	veq.s32 v23, s0  }
0x2e0: {  	s31 =	simm.s32 $0x80000003;
	p0 =	por $0x1, $0x1;
	vm7 =	vmand vm7, vm5;
	v24 =	vmax.bf16 v24, v21  }
.LBB2_71:
0x2e1: {  	[tilespmem:v20+s16+$0x0] =	vst.idx.msk vm6, v24;
	vm6 =	vmmov vm7;
	s0 =	smov.u32 s31;
	s31 =	sadd.s32 $0x1, s31  }
0x2e2: {  	p1 =	sne.s32 s30, s31;
	v24 =	vld.idx.msk [tilespmem:v20+s14+$0x0], vm7;
	_ =	sdelay $0x5  }
0x2e3: {  	v24 =	vmax.bf16 v24, v22  }
0x2e4: {  	[tilespmem:v20+s14+$0x0] =	vst.idx.msk vm7, v24  }
0x2e5: {  	s0 =	sadd.s32 $0x80000000, s0;
	v24 =	vld.idx.msk [tilespmem:v20+s16+$0x0], vm7  }
0x2e6: {  	vm7 =	veq.s32 v23, s0  }
.Ltmp61:
0x2e7: {  	vm7 =	vmand vm7, vm5;
	(pc) =	sbr.rel @p1 .LBB2_71-.Ltmp61, $2  }
0x2e8: {  	_ =	sdelay $0x2  }
0x2e9: {  	v24 =	vmax.bf16 v24, v21  }
.LBB2_72:
0x2ea: {  	_ =	sdelay $0x4  }
0x2eb: {  	[tilespmem:v20+s16+$0x0] =	vst.idx.msk @p0 vm6, v24  }
0x2ec: {  	v23 =	vld.idx.msk [tilespmem:v20+s14+$0x0], vm7;
	_ =	sdelay $0x4  }
0x2ed: {  	v22 =	vmax.bf16 v23, v22  }
0x2ee: {  	[tilespmem:v20+s14+$0x0] =	vst.idx.msk vm7, v22  }
0x2ef: {  	v22 =	vld.idx.msk [tilespmem:v20+s16+$0x0], vm7;
	_ =	sdelay $0x4  }
0x2f0: {  	v21 =	vmax.bf16 v22, v21  }
0x2f1: {  	vm5 =	vmmov vm7;
	[tilespmem:v20+s16+$0x0] =	vst.idx.msk vm7, v21  }
.LBB2_73:
0x2f2: {  	v20 =	vxor.u32 $0x80000000, v19  }
0x2f3: {  	(xrf0) =	vmax.scan.msk.u32 $0xffff, v20;
	_ =	sdelay $0x5  }
0x2f4: {  	v20, _, _ =	vpop (xrf0)  }
0x2f5: {  	(v2sf) =	vpush v20, $0xF;
	_ =	sdelay $0xe  }
0x2f6: {  	s30 =	spop (v2sf)  }
0x2f7: {  	s0 =	sxor.u32 $0x80000000, s30  }
0x2f8: {  	p0 =	slt.s32 s0, $0x2  }
.Ltmp62:
0x2f9: {  	_ = 	snop;
	(pc) =	sbr.rel @p0 .LBB2_79-.Ltmp62, $1  }
0x2fa: {  	_ =	sdelay $0x3  }
0x2fb: {  	p1 =	sne.s32 s30, $0x80000002  }
.Ltmp63:
0x2fc: {  	_ = 	snop;
	(pc) =	sbr.rel @!p1 .LBB2_75-.Ltmp63, $4  }
0x2fd: {  	_ = 	snop  }
0x2fe: {  	s0 =	simm.s32 $0x1  }
0x2ff: {  	vm4 =	vmneg vm4;
	vm5 =	veq.s32 v19, s0  }
0x300: {  	p0 =	por $0x0, $0x0;
	vm6 =	vmand vm5, vm4  }
0x301: {  	_ =	sdelay $0x4  }
0x302: {  	v20 =	vld.idx.msk [tilespmem:v15+s14+$0x0], vm6;
	_ =	sdelay $0x4  }
0x303: {  	v20 =	vmax.bf16 v20, v18  }
0x304: {  	[tilespmem:v15+s14+$0x0] =	vst.idx.msk vm6, v20  }
0x305: {  	vm5 =	vmmov vm6;
	p1 =	sne.s32 s30, $0x80000003;
	v20 =	vld.idx.msk [tilespmem:v15+s16+$0x0], vm6  }
.Ltmp64:
0x306: {  	_ = 	snop;
	(pc) =	sbr.rel @!p1 .LBB2_78-.Ltmp64, $4  }
0x307: {  	_ = 	snop  }
0x308: {  	s0 =	simm.s32 $0x2  }
0x309: {  	vm6 =	veq.s32 v19, s0  }
0x30a: {  	s31 =	simm.s32 $0x80000003;
	p0 =	por $0x1, $0x1;
	vm6 =	vmand vm6, vm4;
	v20 =	vmax.bf16 v20, v17  }
.LBB2_77:
0x30b: {  	[tilespmem:v15+s16+$0x0] =	vst.idx.msk vm5, v20;
	vm5 =	vmmov vm6;
	s0 =	smov.u32 s31;
	s31 =	sadd.s32 $0x1, s31  }
0x30c: {  	p1 =	sne.s32 s30, s31;
	v20 =	vld.idx.msk [tilespmem:v15+s14+$0x0], vm6;
	_ =	sdelay $0x5  }
0x30d: {  	v20 =	vmax.bf16 v20, v18  }
0x30e: {  	[tilespmem:v15+s14+$0x0] =	vst.idx.msk vm6, v20  }
0x30f: {  	s0 =	sadd.s32 $0x80000000, s0;
	v20 =	vld.idx.msk [tilespmem:v15+s16+$0x0], vm6  }
0x310: {  	vm6 =	veq.s32 v19, s0  }
.Ltmp65:
0x311: {  	vm6 =	vmand vm6, vm4;
	(pc) =	sbr.rel @p1 .LBB2_77-.Ltmp65, $2  }
0x312: {  	_ =	sdelay $0x2  }
0x313: {  	v20 =	vmax.bf16 v20, v17  }
.LBB2_78:
0x314: {  	_ =	sdelay $0x4  }
0x315: {  	[tilespmem:v15+s16+$0x0] =	vst.idx.msk @p0 vm5, v20  }
0x316: {  	v19 =	vld.idx.msk [tilespmem:v15+s14+$0x0], vm6;
	_ =	sdelay $0x4  }
0x317: {  	v18 =	vmax.bf16 v19, v18  }
0x318: {  	[tilespmem:v15+s14+$0x0] =	vst.idx.msk vm6, v18  }
0x319: {  	v18 =	vld.idx.msk [tilespmem:v15+s16+$0x0], vm6;
	_ =	sdelay $0x4  }
0x31a: {  	v17 =	vmax.bf16 v18, v17  }
0x31b: {  	vm4 =	vmmov vm6;
	[tilespmem:v15+s16+$0x0] =	vst.idx.msk vm6, v17  }
.LBB2_79:
0x31c: {  	v15 =	vxor.u32 $0x80000000, v16  }
0x31d: {  	(xrf0) =	vmax.scan.msk.u32 $0xffff, v15;
	_ =	sdelay $0x5  }
0x31e: {  	v15, _, _ =	vpop (xrf0)  }
0x31f: {  	(v2sf) =	vpush v15, $0xF;
	_ =	sdelay $0xe  }
0x320: {  	s30 =	spop (v2sf)  }
0x321: {  	s0 =	sxor.u32 $0x80000000, s30  }
0x322: {  	p0 =	slt.s32 s0, $0x2  }
.Ltmp66:
0x323: {  	_ = 	snop;
	(pc) =	sbr.rel @p0 .LBB2_85-.Ltmp66, $1  }
0x324: {  	_ =	sdelay $0x3  }
0x325: {  	p1 =	sne.s32 s30, $0x80000002  }
.Ltmp67:
0x326: {  	_ = 	snop;
	(pc) =	sbr.rel @!p1 .LBB2_81-.Ltmp67, $4  }
0x327: {  	_ = 	snop  }
0x328: {  	s0 =	simm.s32 $0x1  }
0x329: {  	vm3 =	vmneg vm3;
	vm4 =	veq.s32 v16, s0  }
0x32a: {  	p0 =	por $0x0, $0x0;
	vm5 =	vmand vm4, vm3  }
0x32b: {  	_ =	sdelay $0x4  }
0x32c: {  	v15 =	vld.idx.msk [tilespmem:v11+s14+$0x0], vm5;
	_ =	sdelay $0x4  }
0x32d: {  	v15 =	vmax.bf16 v15, v14  }
0x32e: {  	[tilespmem:v11+s14+$0x0] =	vst.idx.msk vm5, v15  }
0x32f: {  	vm4 =	vmmov vm5;
	p1 =	sne.s32 s30, $0x80000003;
	v15 =	vld.idx.msk [tilespmem:v11+s16+$0x0], vm5  }
.Ltmp68:
0x330: {  	_ = 	snop;
	(pc) =	sbr.rel @!p1 .LBB2_84-.Ltmp68, $4  }
0x331: {  	_ = 	snop  }
0x332: {  	s0 =	simm.s32 $0x2  }
0x333: {  	vm5 =	veq.s32 v16, s0  }
0x334: {  	s31 =	simm.s32 $0x80000003;
	p0 =	por $0x1, $0x1;
	vm5 =	vmand vm5, vm3;
	v15 =	vmax.bf16 v15, v13  }
.LBB2_83:
0x335: {  	[tilespmem:v11+s16+$0x0] =	vst.idx.msk vm4, v15;
	vm4 =	vmmov vm5;
	s0 =	smov.u32 s31;
	s31 =	sadd.s32 $0x1, s31  }
0x336: {  	p1 =	sne.s32 s30, s31;
	v15 =	vld.idx.msk [tilespmem:v11+s14+$0x0], vm5;
	_ =	sdelay $0x5  }
0x337: {  	v15 =	vmax.bf16 v15, v14  }
0x338: {  	[tilespmem:v11+s14+$0x0] =	vst.idx.msk vm5, v15  }
0x339: {  	s0 =	sadd.s32 $0x80000000, s0;
	v15 =	vld.idx.msk [tilespmem:v11+s16+$0x0], vm5  }
0x33a: {  	vm5 =	veq.s32 v16, s0  }
.Ltmp69:
0x33b: {  	vm5 =	vmand vm5, vm3;
	(pc) =	sbr.rel @p1 .LBB2_83-.Ltmp69, $2  }
0x33c: {  	_ =	sdelay $0x2  }
0x33d: {  	v15 =	vmax.bf16 v15, v13  }
.LBB2_84:
0x33e: {  	_ =	sdelay $0x4  }
0x33f: {  	[tilespmem:v11+s16+$0x0] =	vst.idx.msk @p0 vm4, v15  }
0x340: {  	v15 =	vld.idx.msk [tilespmem:v11+s14+$0x0], vm5;
	_ =	sdelay $0x4  }
0x341: {  	v14 =	vmax.bf16 v15, v14  }
0x342: {  	[tilespmem:v11+s14+$0x0] =	vst.idx.msk vm5, v14  }
0x343: {  	v14 =	vld.idx.msk [tilespmem:v11+s16+$0x0], vm5;
	_ =	sdelay $0x4  }
0x344: {  	v13 =	vmax.bf16 v14, v13  }
0x345: {  	vm3 =	vmmov vm5;
	[tilespmem:v11+s16+$0x0] =	vst.idx.msk vm5, v13  }
.LBB2_85:
0x346: {  	v11 =	vxor.u32 $0x80000000, v12  }
0x347: {  	(xrf0) =	vmax.scan.msk.u32 $0xffff, v11;
	_ =	sdelay $0x5  }
0x348: {  	v11, _, _ =	vpop (xrf0)  }
0x349: {  	(v2sf) =	vpush v11, $0xF;
	_ =	sdelay $0xe  }
0x34a: {  	s30 =	spop (v2sf)  }
0x34b: {  	s0 =	sxor.u32 $0x80000000, s30  }
0x34c: {  	p0 =	slt.s32 s0, $0x2  }
.Ltmp70:
0x34d: {  	_ = 	snop;
	(pc) =	sbr.rel @p0 .LBB2_91-.Ltmp70, $1  }
0x34e: {  	_ =	sdelay $0x3  }
0x34f: {  	p1 =	sne.s32 s30, $0x80000002  }
.Ltmp71:
0x350: {  	_ = 	snop;
	(pc) =	sbr.rel @!p1 .LBB2_87-.Ltmp71, $4  }
0x351: {  	_ = 	snop  }
0x352: {  	s0 =	simm.s32 $0x1  }
0x353: {  	vm2 =	vmneg vm2;
	vm3 =	veq.s32 v12, s0  }
0x354: {  	p0 =	por $0x0, $0x0;
	vm4 =	vmand vm3, vm2  }
0x355: {  	_ =	sdelay $0x4  }
0x356: {  	v11 =	vld.idx.msk [tilespmem:v7+s14+$0x0], vm4;
	_ =	sdelay $0x4  }
0x357: {  	v11 =	vmax.bf16 v11, v10  }
0x358: {  	[tilespmem:v7+s14+$0x0] =	vst.idx.msk vm4, v11  }
0x359: {  	vm3 =	vmmov vm4;
	p1 =	sne.s32 s30, $0x80000003;
	v11 =	vld.idx.msk [tilespmem:v7+s16+$0x0], vm4  }
.Ltmp72:
0x35a: {  	_ = 	snop;
	(pc) =	sbr.rel @!p1 .LBB2_90-.Ltmp72, $4  }
0x35b: {  	_ = 	snop  }
0x35c: {  	s0 =	simm.s32 $0x2  }
0x35d: {  	vm4 =	veq.s32 v12, s0  }
0x35e: {  	s31 =	simm.s32 $0x80000003;
	p0 =	por $0x1, $0x1;
	vm4 =	vmand vm4, vm2;
	v11 =	vmax.bf16 v11, v9  }
.LBB2_89:
0x35f: {  	[tilespmem:v7+s16+$0x0] =	vst.idx.msk vm3, v11;
	vm3 =	vmmov vm4;
	s0 =	smov.u32 s31;
	s31 =	sadd.s32 $0x1, s31  }
0x360: {  	p1 =	sne.s32 s30, s31;
	v11 =	vld.idx.msk [tilespmem:v7+s14+$0x0], vm4;
	_ =	sdelay $0x5  }
0x361: {  	v11 =	vmax.bf16 v11, v10  }
0x362: {  	[tilespmem:v7+s14+$0x0] =	vst.idx.msk vm4, v11  }
0x363: {  	s0 =	sadd.s32 $0x80000000, s0;
	v11 =	vld.idx.msk [tilespmem:v7+s16+$0x0], vm4  }
0x364: {  	vm4 =	veq.s32 v12, s0  }
.Ltmp73:
0x365: {  	vm4 =	vmand vm4, vm2;
	(pc) =	sbr.rel @p1 .LBB2_89-.Ltmp73, $2  }
0x366: {  	_ =	sdelay $0x2  }
0x367: {  	v11 =	vmax.bf16 v11, v9  }
.LBB2_90:
0x368: {  	_ =	sdelay $0x4  }
0x369: {  	[tilespmem:v7+s16+$0x0] =	vst.idx.msk @p0 vm3, v11  }
0x36a: {  	v11 =	vld.idx.msk [tilespmem:v7+s14+$0x0], vm4;
	_ =	sdelay $0x4  }
0x36b: {  	v10 =	vmax.bf16 v11, v10  }
0x36c: {  	[tilespmem:v7+s14+$0x0] =	vst.idx.msk vm4, v10  }
0x36d: {  	v10 =	vld.idx.msk [tilespmem:v7+s16+$0x0], vm4;
	_ =	sdelay $0x4  }
0x36e: {  	v9 =	vmax.bf16 v10, v9  }
0x36f: {  	vm2 =	vmmov vm4;
	[tilespmem:v7+s16+$0x0] =	vst.idx.msk vm4, v9  }
.LBB2_91:
0x370: {  	v7 =	vxor.u32 $0x80000000, v8  }
0x371: {  	(xrf0) =	vmax.scan.msk.u32 $0xffff, v7;
	_ =	sdelay $0x5  }
0x372: {  	v7, _, _ =	vpop (xrf0)  }
0x373: {  	(v2sf) =	vpush v7, $0xF;
	_ =	sdelay $0xe  }
0x374: {  	s30 =	spop (v2sf)  }
0x375: {  	s0 =	sxor.u32 $0x80000000, s30  }
0x376: {  	p0 =	slt.s32 s0, $0x2  }
.Ltmp74:
0x377: {  	_ = 	snop;
	(pc) =	sbr.rel @p0 .LBB2_97-.Ltmp74, $1  }
0x378: {  	_ =	sdelay $0x3  }
0x379: {  	p1 =	sne.s32 s30, $0x80000002  }
.Ltmp75:
0x37a: {  	_ = 	snop;
	(pc) =	sbr.rel @!p1 .LBB2_93-.Ltmp75, $4  }
0x37b: {  	_ = 	snop  }
0x37c: {  	s0 =	simm.s32 $0x1  }
0x37d: {  	vm1 =	vmneg vm1;
	vm2 =	veq.s32 v8, s0  }
0x37e: {  	p0 =	por $0x0, $0x0;
	vm3 =	vmand vm2, vm1  }
0x37f: {  	_ =	sdelay $0x4  }
0x380: {  	v7 =	vld.idx.msk [tilespmem:v3+s14+$0x0], vm3;
	_ =	sdelay $0x4  }
0x381: {  	v7 =	vmax.bf16 v7, v6  }
0x382: {  	[tilespmem:v3+s14+$0x0] =	vst.idx.msk vm3, v7  }
0x383: {  	vm2 =	vmmov vm3;
	p1 =	sne.s32 s30, $0x80000003;
	v7 =	vld.idx.msk [tilespmem:v3+s16+$0x0], vm3  }
.Ltmp76:
0x384: {  	_ = 	snop;
	(pc) =	sbr.rel @!p1 .LBB2_96-.Ltmp76, $4  }
0x385: {  	_ = 	snop  }
0x386: {  	s0 =	simm.s32 $0x2  }
0x387: {  	vm3 =	veq.s32 v8, s0  }
0x388: {  	s31 =	simm.s32 $0x80000003;
	p0 =	por $0x1, $0x1;
	vm3 =	vmand vm3, vm1;
	v7 =	vmax.bf16 v7, v5  }
.LBB2_95:
0x389: {  	[tilespmem:v3+s16+$0x0] =	vst.idx.msk vm2, v7;
	vm2 =	vmmov vm3;
	s0 =	smov.u32 s31;
	s31 =	sadd.s32 $0x1, s31  }
0x38a: {  	p1 =	sne.s32 s30, s31;
	v7 =	vld.idx.msk [tilespmem:v3+s14+$0x0], vm3;
	_ =	sdelay $0x5  }
0x38b: {  	v7 =	vmax.bf16 v7, v6  }
0x38c: {  	[tilespmem:v3+s14+$0x0] =	vst.idx.msk vm3, v7  }
0x38d: {  	s0 =	sadd.s32 $0x80000000, s0;
	v7 =	vld.idx.msk [tilespmem:v3+s16+$0x0], vm3  }
0x38e: {  	vm3 =	veq.s32 v8, s0  }
.Ltmp77:
0x38f: {  	vm3 =	vmand vm3, vm1;
	(pc) =	sbr.rel @p1 .LBB2_95-.Ltmp77, $2  }
0x390: {  	_ =	sdelay $0x2  }
0x391: {  	v7 =	vmax.bf16 v7, v5  }
.LBB2_96:
0x392: {  	_ =	sdelay $0x4  }
0x393: {  	[tilespmem:v3+s16+$0x0] =	vst.idx.msk @p0 vm2, v7  }
0x394: {  	v7 =	vld.idx.msk [tilespmem:v3+s14+$0x0], vm3;
	_ =	sdelay $0x4  }
0x395: {  	v6 =	vmax.bf16 v7, v6  }
0x396: {  	[tilespmem:v3+s14+$0x0] =	vst.idx.msk vm3, v6  }
0x397: {  	v6 =	vld.idx.msk [tilespmem:v3+s16+$0x0], vm3;
	_ =	sdelay $0x4  }
0x398: {  	v5 =	vmax.bf16 v6, v5  }
0x399: {  	vm1 =	vmmov vm3;
	[tilespmem:v3+s16+$0x0] =	vst.idx.msk vm3, v5  }
.LBB2_97:
0x39a: {  	v3 =	vxor.u32 $0x80000000, v4  }
0x39b: {  	(xrf0) =	vmax.scan.msk.u32 $0xffff, v3;
	_ =	sdelay $0x5  }
0x39c: {  	v3, _, _ =	vpop (xrf0)  }
0x39d: {  	(v2sf) =	vpush v3, $0xF;
	_ =	sdelay $0xe  }
0x39e: {  	s30 =	spop (v2sf)  }
0x39f: {  	s0 =	sxor.u32 $0x80000000, s30  }
0x3a0: {  	p0 =	slt.s32 s0, $0x2  }
.Ltmp78:
0x3a1: {  	_ = 	snop;
	(pc) =	sbr.rel @p0 .LBB2_103-.Ltmp78, $1  }
0x3a2: {  	_ =	sdelay $0x3  }
0x3a3: {  	p1 =	sne.s32 s30, $0x80000002  }
.Ltmp79:
0x3a4: {  	_ = 	snop;
	(pc) =	sbr.rel @!p1 .LBB2_99-.Ltmp79, $4  }
0x3a5: {  	_ = 	snop  }
0x3a6: {  	s0 =	simm.s32 $0x1  }
0x3a7: {  	vm0 =	vmneg vm0;
	vm1 =	veq.s32 v4, s0  }
0x3a8: {  	p0 =	por $0x0, $0x0;
	vm2 =	vmand vm1, vm0  }
0x3a9: {  	_ =	sdelay $0x4  }
0x3aa: {  	v3 =	vld.idx.msk [tilespmem:v0+s14+$0x0], vm2;
	_ =	sdelay $0x4  }
0x3ab: {  	v3 =	vmax.bf16 v3, v2  }
0x3ac: {  	[tilespmem:v0+s14+$0x0] =	vst.idx.msk vm2, v3  }
0x3ad: {  	vm1 =	vmmov vm2;
	p1 =	sne.s32 s30, $0x80000003;
	v3 =	vld.idx.msk [tilespmem:v0+s16+$0x0], vm2  }
.Ltmp80:
0x3ae: {  	_ = 	snop;
	(pc) =	sbr.rel @!p1 .LBB2_102-.Ltmp80, $4  }
0x3af: {  	_ = 	snop  }
0x3b0: {  	s0 =	simm.s32 $0x2  }
0x3b1: {  	vm2 =	veq.s32 v4, s0  }
0x3b2: {  	s31 =	simm.s32 $0x80000003;
	p0 =	por $0x1, $0x1;
	vm2 =	vmand vm2, vm0;
	v3 =	vmax.bf16 v3, v1  }
.LBB2_101:
0x3b3: {  	[tilespmem:v0+s16+$0x0] =	vst.idx.msk vm1, v3;
	vm1 =	vmmov vm2;
	s0 =	smov.u32 s31;
	s31 =	sadd.s32 $0x1, s31  }
0x3b4: {  	p1 =	sne.s32 s30, s31;
	v3 =	vld.idx.msk [tilespmem:v0+s14+$0x0], vm2;
	_ =	sdelay $0x5  }
0x3b5: {  	v3 =	vmax.bf16 v3, v2  }
0x3b6: {  	[tilespmem:v0+s14+$0x0] =	vst.idx.msk vm2, v3  }
0x3b7: {  	s0 =	sadd.s32 $0x80000000, s0;
	v3 =	vld.idx.msk [tilespmem:v0+s16+$0x0], vm2  }
0x3b8: {  	vm2 =	veq.s32 v4, s0  }
.Ltmp81:
0x3b9: {  	vm2 =	vmand vm2, vm0;
	(pc) =	sbr.rel @p1 .LBB2_101-.Ltmp81, $2  }
0x3ba: {  	_ =	sdelay $0x2  }
0x3bb: {  	v3 =	vmax.bf16 v3, v1  }
.Ltmp82:
0x3bc: {  	_ = 	snop;
	(pc) =	sbr.rel .LBB2_102-.Ltmp82, $1  }
0x3bd: {  	_ =	sdelay $0x3  }
.LBB2_57:
.Ltmp83:
0x3be: {  	(pc) =	sbr.rel .LBB2_60-.Ltmp83, $2  }
0x3bf: {  	_ =	sdelay $0x2  }
0x3c0: {  	_ = 	snop  }
.LBB2_63:
.Ltmp84:
0x3c1: {  	(pc) =	sbr.rel .LBB2_66-.Ltmp84, $2  }
0x3c2: {  	_ =	sdelay $0x2  }
0x3c3: {  	_ = 	snop  }
.LBB2_69:
.Ltmp85:
0x3c4: {  	(pc) =	sbr.rel .LBB2_72-.Ltmp85, $2  }
0x3c5: {  	_ =	sdelay $0x2  }
0x3c6: {  	_ = 	snop  }
.LBB2_75:
.Ltmp86:
0x3c7: {  	(pc) =	sbr.rel .LBB2_78-.Ltmp86, $2  }
0x3c8: {  	_ =	sdelay $0x2  }
0x3c9: {  	_ = 	snop  }
.LBB2_81:
.Ltmp87:
0x3ca: {  	(pc) =	sbr.rel .LBB2_84-.Ltmp87, $2  }
0x3cb: {  	_ =	sdelay $0x2  }
0x3cc: {  	_ = 	snop  }
.LBB2_87:
.Ltmp88:
0x3cd: {  	(pc) =	sbr.rel .LBB2_90-.Ltmp88, $2  }
0x3ce: {  	_ =	sdelay $0x2  }
0x3cf: {  	_ = 	snop  }
.LBB2_93:
.Ltmp89:
0x3d0: {  	(pc) =	sbr.rel .LBB2_96-.Ltmp89, $2  }
0x3d1: {  	_ =	sdelay $0x2  }
0x3d2: {  	_ = 	snop  }
.LBB2_106:
0x3d3: {  	_ =	sfence.sel $0x180000  }
0x3d4: {  	[bflag:$0x0] =	sbarrier.arrive $0xFFFF  }
0x3d5: {  	_ =	strace $0x90000047  }
0x3d6: {  	[bflag:$0x2] =	sbarrier.arrive $0xFFFF  }
0x3d7: {  	p0 =	sne.s32 s2, $0x0;
	s0 =	rddreg [dreg:$0x3]  }
0x3d8: {  	s0 =	sadd.s32 @!p0 $0x100000, s0  }
0x3d9: {  	[sflag:s0] =	ssyncadd.tile.s32 @!p0 $0x1;
	_ =	shalt  }
.Lfunc_end2:
_tile_overlayer_lowered:
.L_overlay_start_2:
0x3da: {  	(tag) =	ssettag $0x2  }
0x3db: {  	s0 =	rddreg [dreg:$0x0];
	s2 =	stileid.u32  }
0x3dc: {  	s1 =	rddreg [dreg:$0x1];
	p0 =	sne.s32 s2, $0x0  }
0x3dd: {  	s3 =	rddreg [dreg:$0x2];
	[bflag:$0x3] =	sbarrier.arrive $0xFFFF;
	s2 =	simm.s32 @!p0 $0x1C05  }
0x3de: {  	[timem:s3], [sflag:s2] =	dma.local @!p0 [hbm:s0], s1  }
0x3df: {  	s0 =	simm.s32 @!p0 $0x5  }
0x3e0: {  	_ =	swait.ge @!p0 [sflag:s0], s1  }
0x3e1: {  	s1 =	ssub.s32 @!p0 $0x0, s1;
	[sflag:s0] =	ssyncset.done @!p0 $0x0  }
0x3e2: {  	[sflag:s0] =	ssyncadd.s32 @!p0 s1  }
0x3e3: {  	[bflag:$0x3] =	sbarrier.arrive $0xFFFF  }
0x3e4: {  	_ =	shalt  }

</sc_bundles>
